<compile_context>
chip_gen: v7x
topology: tpu7x:2x2x1
jax: 0.10.2.dev20260603
libtpu: 0.0.44.dev20260713+nightly
codegen_flags: <defaults>
</compile_context>

<pallas_src>
import functools

import jax
import jax.numpy as jnp
from jax import lax
from jax.experimental import pallas as pl
from jax.experimental.pallas import tpu as pltpu
from jax.experimental.pallas import tpu_sc as plsc

N = 10000
NP = 10240
E = 160000
D = 256
DH = 128
G = 64
NB = 1000
GRID = N // NB

NSC = 16
EPT = E // NSC
CHUNK = 128
CPT = 80
EPTP = CPT * CHUNK
RPT = NP // NSC

_MESH = dict(core_axis_name="c", subcore_axis_name="s", num_cores=2,
             num_subcores=NSC)



def _pad_idx(a, fill):
  a = a.reshape(NSC, EPT)
  pad = jnp.full((NSC, EPTP - EPT), fill, jnp.int32)
  return jnp.concatenate([a, pad], axis=1).reshape(NSC * EPTP)


def _sc_degrees(ecc, ones, zeros):
  RING = 8

  @functools.partial(
      pl.kernel,
      out_type=jax.ShapeDtypeStruct((2 * NP, DH), jnp.float32),
      mesh=plsc.VectorSubcoreMesh(**_MESH),
      scratch_types=[
          pltpu.VMEM((CPT, CHUNK), jnp.int32),
          pltpu.VMEM((CHUNK, DH), jnp.float32),
          pltpu.VMEM_SHARED((NP, DH), jnp.float32),
          pltpu.SemaphoreType.DMA,
      ],
  )
  def k(ecc_h, ones_h, zeros_h, deg_h, idx_v, ones_v, acc, sem):
    c = lax.axis_index("c")
    s = lax.axis_index("s")
    r0 = s * RPT
    pltpu.sync_copy(zeros_h.at[pl.ds(r0, RPT)], acc.at[pl.ds(r0, RPT)])
    pltpu.sync_copy(ones_h, ones_v)
    row0 = pl.multiple_of((c * NSC + s) * CPT, 8)
    pltpu.sync_copy(ecc_h.at[pl.ds(row0, CPT)], idx_v)
    plsc.subcore_barrier()

    def fire(j):
      pltpu.async_copy(ones_v, acc.at[idx_v.at[j]], sem, add=True)

    def drain():
      pltpu.make_async_copy(zeros_h.at[pl.ds(0, CHUNK)], ones_v, sem).wait()

    for q in range(RING):
      fire(q)

    def body(i, _):
      drain()
      fire(i + RING)
      return ()

    lax.fori_loop(0, CPT - RING, body, ())
    for _ in range(RING):
      drain()

    plsc.subcore_barrier()
    wb = pl.multiple_of(c * NP + r0, 8)
    pltpu.sync_copy(acc.at[pl.ds(r0, RPT)], deg_h.at[pl.ds(wb, RPT)])

  return k(ecc, ones, zeros)


def _sc_aggregate(hs_cat, scc, dcc, zeros):
  HCPT = CPT // 2

  @functools.partial(
      pl.kernel,
      out_type=jax.ShapeDtypeStruct((2 * NP, DH), jnp.float32),
      mesh=plsc.VectorSubcoreMesh(**_MESH),
      scratch_types=[
          pltpu.VMEM((CPT, CHUNK), jnp.int32),
          pltpu.VMEM((HCPT, CHUNK), jnp.int32),
          pltpu.VMEM((CHUNK, DH), jnp.float32),
          pltpu.VMEM((CHUNK, DH), jnp.float32),
          pltpu.VMEM_SHARED((NP, DH), jnp.float32),
          pltpu.SemaphoreType.DMA,
          pltpu.SemaphoreType.DMA,
      ],
  )
  def k(hs_h, scc_h, dcc_h, zeros_h, out_h,
        sidx_v, didx_v, rows_a, rows_b, acc, sem_a, sem_b):
    c = lax.axis_index("c")
    s = lax.axis_index("s")
    r0 = s * RPT
    pltpu.sync_copy(zeros_h.at[pl.ds(r0, RPT)], acc.at[pl.ds(r0, RPT)])
    srow0 = pl.multiple_of((c * NSC + s) * CPT, 8)
    pltpu.sync_copy(scc_h.at[pl.ds(srow0, CPT)], sidx_v)
    plsc.subcore_barrier()

    def gstart(j, buf, sem):
      pltpu.async_copy(hs_h.at[sidx_v.at[j]], buf, sem)

    def gwait(buf, sem):
      pltpu.make_async_copy(hs_h.at[pl.ds(0, CHUNK)], buf, sem).wait()

    def sadd(jloc, buf):
      pltpu.sync_copy(buf, acc.at[didx_v.at[jloc]], add=True)

    gstart(0, rows_a, sem_a)

    for p in (0, 1):
      dr = pl.multiple_of(s * CPT + p * HCPT, 8)
      pltpu.sync_copy(dcc_h.at[pl.ds(dr, HCPT)], didx_v)

      def body(i, _, p=p):
        ja = p * HCPT + 2 * i
        gwait(rows_a, sem_a)
        gstart(ja + 1, rows_b, sem_b)
        sadd(2 * i, rows_a)
        gwait(rows_b, sem_b)
        gstart(ja + 2, rows_a, sem_a)
        sadd(2 * i + 1, rows_b)
        return ()

      lax.fori_loop(0, HCPT // 2 if p == 0 else HCPT // 2 - 1, body, ())

    gwait(rows_a, sem_a)
    gstart(CPT - 1, rows_b, sem_b)
    sadd(HCPT - 2, rows_a)
    gwait(rows_b, sem_b)
    sadd(HCPT - 1, rows_b)

    plsc.subcore_barrier()
    wb = pl.multiple_of(c * NP + r0, 8)
    pltpu.sync_copy(acc.at[pl.ds(r0, RPT)], out_h.at[pl.ds(wb, RPT)])

  return k(hs_cat, scc, dcc, zeros)



def _norm_from_deg(deg_col):
  return jnp.where(deg_col > 0.0,
                   lax.rsqrt(jnp.maximum(deg_col, 1e-12)), 0.0)


def _prep_body(x_ref, odeg_ref, hs_ref):
  norm = _norm_from_deg(odeg_ref[0, :, 0:1])
  hs = x_ref[...] * norm
  hs_ref[0] = hs[:, :DH]
  hs_ref[1] = hs[:, DH:]


def _tc_prep(x, deg3):
  return pl.pallas_call(
      _prep_body,
      grid=(GRID,),
      in_specs=[
          pl.BlockSpec((NB, D), lambda i: (i, 0)),
          pl.BlockSpec((1, NB, DH), lambda i: (0, i, 0)),
      ],
      out_specs=pl.BlockSpec((2, NB, DH), lambda i: (0, i, 0)),
      out_shape=jax.ShapeDtypeStruct((2, N, DH), jnp.float32),
  )(x, deg3)


def _bn(y, ssum_ref, ssq_ref, g_ref, be_ref):
  mu = ssum_ref[...] / N
  var = ssq_ref[...] / N - mu * mu
  return (y - mu) / jnp.sqrt(var + 1e-5) * g_ref[...] + be_ref[...]


def _convbn_body(lo_ref, hi_ref, ideg_ref, odeg_ref, w_ref, b_ref,
                 g_ref, be_ref, hs_ref, y_scr, ssum_scr, ssq_scr):
  i = pl.program_id(0)
  ib = i % GRID

  @pl.when(i < GRID)
  def _():
    norm = _norm_from_deg(ideg_ref[0, :, 0:1])
    a = jnp.concatenate([lo_ref[0], hi_ref[0]], axis=1) * norm
    y = jnp.maximum(
        jnp.dot(a, w_ref[...], preferred_element_type=jnp.float32)
        + b_ref[...], 0.0)
    y_scr[pl.ds(ib * NB, NB), :] = y

    @pl.when(i == 0)
    def _():
      ssum_scr[...] = jnp.zeros_like(ssum_scr)
      ssq_scr[...] = jnp.zeros_like(ssq_scr)

    ssum_scr[...] += jnp.sum(y, axis=0, keepdims=True)
    ssq_scr[...] += jnp.sum(y * y, axis=0, keepdims=True)

  @pl.when(i >= GRID)
  def _():
    y = y_scr[pl.ds(ib * NB, NB), :]
    h = _bn(y, ssum_scr, ssq_scr, g_ref, be_ref)
    hs = h * _norm_from_deg(odeg_ref[0, :, 0:1])
    hs_ref[0] = hs[:, :DH]
    hs_ref[1] = hs[:, DH:]


def _tc_convbn(agg3, deg3, w, b2d, g2d, be2d):
  return pl.pallas_call(
      _convbn_body,
      grid=(2 * GRID,),
      in_specs=[
          pl.BlockSpec((1, NB, DH), lambda i: (0, i % GRID, 0)),
          pl.BlockSpec((1, NB, DH), lambda i: (1, i % GRID, 0)),
          pl.BlockSpec((1, NB, DH), lambda i: (1, i % GRID, 0)),
          pl.BlockSpec((1, NB, DH), lambda i: (0, i % GRID, 0)),
          pl.BlockSpec((D, D), lambda i: (0, 0)),
          pl.BlockSpec((1, D), lambda i: (0, 0)),
          pl.BlockSpec((1, D), lambda i: (0, 0)),
          pl.BlockSpec((1, D), lambda i: (0, 0)),
      ],
      out_specs=pl.BlockSpec((2, NB, DH), lambda i: (0, i % GRID, 0)),
      out_shape=jax.ShapeDtypeStruct((2, N, DH), jnp.float32),
      scratch_shapes=[
          pltpu.VMEM((N, D), jnp.float32),
          pltpu.VMEM((1, D), jnp.float32),
          pltpu.VMEM((1, D), jnp.float32),
      ],
  )(agg3, agg3, deg3, deg3, w, b2d, g2d, be2d)


def _convread_body(lo_ref, hi_ref, ideg_ref, w_ref, b_ref, g_ref, be_ref,
                   wm_ref, n2g_ref, bm_ref, out_ref, y_scr, ssum_scr,
                   ssq_scr):
  i = pl.program_id(0)
  ib = i % GRID

  @pl.when(i < GRID)
  def _():
    norm = _norm_from_deg(ideg_ref[0, :, 0:1])
    a = jnp.concatenate([lo_ref[0], hi_ref[0]], axis=1) * norm
    y = jnp.maximum(
        jnp.dot(a, w_ref[...], preferred_element_type=jnp.float32)
        + b_ref[...], 0.0)
    y_scr[pl.ds(ib * NB, NB), :] = y

    @pl.when(i == 0)
    def _():
      ssum_scr[...] = jnp.zeros_like(ssum_scr)
      ssq_scr[...] = jnp.zeros_like(ssq_scr)

    ssum_scr[...] += jnp.sum(y, axis=0, keepdims=True)
    ssq_scr[...] += jnp.sum(y * y, axis=0, keepdims=True)

  @pl.when(i >= GRID)
  def _():
    y = y_scr[pl.ds(ib * NB, NB), :]
    h = _bn(y, ssum_scr, ssq_scr, g_ref, be_ref)
    t = jnp.dot(h, wm_ref[...], preferred_element_type=jnp.float32)[:, 0:1]
    gid = n2g_ref[:, 0:1]
    onehot = (gid == lax.broadcasted_iota(jnp.int32, (NB, G), 1)
              ).astype(jnp.float32)
    pg = jnp.sum(onehot * t, axis=0, keepdims=True)

    @pl.when(i == GRID)
    def _():
      out_ref[...] = jnp.zeros_like(out_ref)

    out_ref[...] += pg

    @pl.when(i == 2 * GRID - 1)
    def _():
      out_ref[...] = jax.nn.sigmoid(out_ref[...] + bm_ref[...])


def _tc_convread(agg3, deg3, w, b2d, g2d, be2d, wm_pad, n2g8, bm64):
  return pl.pallas_call(
      _convread_body,
      grid=(2 * GRID,),
      in_specs=[
          pl.BlockSpec((1, NB, DH), lambda i: (0, i % GRID, 0)),
          pl.BlockSpec((1, NB, DH), lambda i: (1, i % GRID, 0)),
          pl.BlockSpec((1, NB, DH), lambda i: (1, i % GRID, 0)),
          pl.BlockSpec((D, D), lambda i: (0, 0)),
          pl.BlockSpec((1, D), lambda i: (0, 0)),
          pl.BlockSpec((1, D), lambda i: (0, 0)),
          pl.BlockSpec((1, D), lambda i: (0, 0)),
          pl.BlockSpec((D, 128), lambda i: (0, 0)),
          pl.BlockSpec((NB, 8), lambda i: (i % GRID, 0)),
          pl.BlockSpec((1, G), lambda i: (0, 0)),
      ],
      out_specs=pl.BlockSpec((1, G), lambda i: (0, 0)),
      out_shape=jax.ShapeDtypeStruct((1, G), jnp.float32),
      scratch_shapes=[
          pltpu.VMEM((N, D), jnp.float32),
          pltpu.VMEM((1, D), jnp.float32),
          pltpu.VMEM((1, D), jnp.float32),
      ],
  )(agg3, agg3, deg3, w, b2d, g2d, be2d, wm_pad, n2g8, bm64)



def kernel(x, W1, b1, g1, be1, W2, b2, g2, be2, Wm, bm, edge_index,
           node2graph):
  src = edge_index[0]
  dst = edge_index[1]
  srcp = _pad_idx(src, 0)
  dstp = _pad_idx(dst, NP - 1)
  scc = jnp.concatenate([srcp, srcp + N]).reshape(2 * NSC * CPT, CHUNK)
  dcc = dstp.reshape(NSC * CPT, CHUNK)
  ecc = jnp.concatenate([_pad_idx(src, NP - 1), dstp]
                        ).reshape(2 * NSC * CPT, CHUNK)
  zeros = jnp.zeros((NP, DH), jnp.float32)
  ones = jnp.ones((CHUNK, DH), jnp.float32)

  deg3 = _sc_degrees(ecc, ones, zeros).reshape(2, NP, DH)

  b1_2d = b1.reshape(1, D)
  g1_2d = g1.reshape(1, D)
  be1_2d = be1.reshape(1, D)
  b2_2d = b2.reshape(1, D)
  g2_2d = g2.reshape(1, D)
  be2_2d = be2.reshape(1, D)
  wm_pad = jnp.pad(Wm, ((0, 0), (0, 128 - Wm.shape[1])))
  n2g8 = jnp.broadcast_to(node2graph[:, None], (N, 8))
  bm64 = jnp.broadcast_to(bm.reshape(1, 1), (1, G))

  hs3 = _tc_prep(x, deg3)
  agg3 = _sc_aggregate(hs3.reshape(2 * N, DH), scc, dcc, zeros
                       ).reshape(2, NP, DH)
  hs2_3 = _tc_convbn(agg3, deg3, W1, b1_2d, g1_2d, be1_2d)
  agg2_3 = _sc_aggregate(hs2_3.reshape(2 * N, DH), scc, dcc, zeros
                         ).reshape(2, NP, DH)
  out = _tc_convread(agg2_3, deg3, W2, b2_2d, g2_2d, be2_2d,
                     wm_pad, n2g8, bm64)
  return out.reshape(G)

# --- scband reference (transcript-rebuilt; emitter-appended) ---
"""Pipeline reference for scband-gcn-62105227100405 (READ-ONLY COPY).

The authoritative reference and input builder live on the scoring server;
editing this copy changes nothing except your own understanding.
"""

import jax, jax.numpy as jnp
import numpy as np

N = 10000
E = 160000
D_IN = 256
H = 256
G = 64


def setup_inputs(seed: int = 0) -> dict:
    key = jax.random.key(seed)
    ks = jax.random.split(key, 12)
    x = jax.random.normal(ks[0], (N, D_IN), dtype=jnp.float32)
    edge_index = jax.random.randint(ks[1], (2, E), 0, N, dtype=jnp.int32)
    node2graph = jnp.sort(jax.random.randint(ks[2], (N,), 0, G, dtype=jnp.int32))
    W1 = jax.random.normal(ks[3], (D_IN, H), dtype=jnp.float32) * (1.0 / np.sqrt(D_IN))
    b1 = jnp.zeros((H,), dtype=jnp.float32)
    g1 = jnp.ones((H,), dtype=jnp.float32)
    be1 = jnp.zeros((H,), dtype=jnp.float32)
    W2 = jax.random.normal(ks[4], (H, H), dtype=jnp.float32) * (1.0 / np.sqrt(H))
    b2 = jnp.zeros((H,), dtype=jnp.float32)
    g2 = jnp.ones((H,), dtype=jnp.float32)
    be2 = jnp.zeros((H,), dtype=jnp.float32)
    Wm = jax.random.normal(ks[5], (H, 1), dtype=jnp.float32) * (1.0 / np.sqrt(H))
    bm = jnp.zeros((1,), dtype=jnp.float32)
    return {"x": x, "W1": W1, "b1": b1, "g1": g1, "be1": be1,
            "W2": W2, "b2": b2, "g2": g2, "be2": be2,
            "Wm": Wm, "bm": bm,
            "edge_index": edge_index, "node2graph": node2graph}


def reference(x, W1, b1, g1, be1, W2, b2, g2, be2, Wm, bm, edge_index, node2graph):
    src = edge_index[0]
    dst = edge_index[1]
    ones = jnp.ones((E,), dtype=jnp.float32)
    out_deg = jax.ops.segment_sum(ones, src, num_segments=N)
    in_deg = jax.ops.segment_sum(ones, dst, num_segments=N)
    out_norm = jnp.where(out_deg > 0, jax.lax.rsqrt(jnp.maximum(out_deg, 1e-12)), 0.0)
    in_norm = jnp.where(in_deg > 0, jax.lax.rsqrt(jnp.maximum(in_deg, 1e-12)), 0.0)

    def graph_conv(h, W, b):
        # DGL-style GraphConv with norm='both': D^{-1/2} A D^{-1/2} H W, relu activation
        hs = h * out_norm[:, None]
        agg = jax.ops.segment_sum(jnp.take(hs, src, axis=0), dst, num_segments=N)
        agg = agg * in_norm[:, None]
        return jax.nn.relu(agg @ W + b)

    def batch_norm(h, g, be):
        mu = jnp.mean(h, axis=0)
        var = jnp.var(h, axis=0)
        return (h - mu) / jnp.sqrt(var + 1e-5) * g + be

    # dropout is identity in eval mode
    h1 = batch_norm(graph_conv(x, W1, b1), g1, be1)
    h2 = batch_norm(graph_conv(h1, W2, b2), g2, be2)
    # SumReadout: per-graph sum over nodes
    graph_feature = jax.ops.segment_sum(h2, node2graph, num_segments=G)
    pred = (graph_feature @ Wm + bm).squeeze(-1)
    return jax.nn.sigmoid(pred)

if __name__ == "__main__":
    import jax
    _d = setup_inputs()
    print(jax.jit(kernel)(*tuple(_d.values())))

</pallas_src>

<mosaic_0001>
#map = affine_map<(d0, d1) -> (0, 0)>
module attributes {stable_mosaic.version = 14 : i64} {
  func.func @k(%arg0: i32, %arg1: i32, %arg2: memref<2560x128xi32, #tpu.memory_space<hbm>>, %arg3: memref<128x128xf32, #tpu.memory_space<hbm>>, %arg4: memref<10240x128xf32, #tpu.memory_space<hbm>>, %arg5: memref<20480x128xf32, #tpu.memory_space<hbm>>, %arg6: memref<80x128xi32, #tpu.memory_space<vmem>>, %arg7: memref<128x128xf32, #tpu.memory_space<vmem>>, %arg8: memref<10240x128xf32, #tpu.memory_space<vmem_shared>>, %arg9: memref<!tpu.dma_semaphore, #tpu.memory_space<semaphore_mem>>) attributes {dimension_semantics = [#tpu.dimension_semantics<core_parallel>, #tpu.dimension_semantics<subcore_parallel>], iteration_bounds = array<i64: 2, 16>, scalar_prefetch = 0 : i64, scratch_operands = 4 : i64, tpu.core_type = #tpu.core_type<sc_vector_subcore>, window_params = [{transform_indices = #map}, {transform_indices = #map}, {transform_indices = #map}, {transform_indices = #map}]} {
    %mul3A = arith.constant 640 : i32
    %mul3A_0 = arith.muli %arg1, %mul3A : i32
    "tpu.region"() ({
      %run_scoped3A = tpu.sem_alloc : memref<!tpu.dma_semaphore, #tpu.memory_space<semaphore_mem>>
      %dma_start3A_116 = arith.constant 0 : i32
      %dma_start3A_117 = tpu.memref_slice %arg8[%mul3A_0, %dma_start3A_116] : memref<10240x128xf32, #tpu.memory_space<vmem_shared>> -> memref<640x128xf32, #tpu.memory_space<vmem_shared>>
      %dma_start3A_118 = arith.constant 0 : i32
      %dma_start3A_119 = tpu.memref_slice %arg4[%mul3A_0, %dma_start3A_118] : memref<10240x128xf32, #tpu.memory_space<hbm>> -> memref<640x128xf32, #tpu.memory_space<hbm>>
      tpu.enqueue_dma source(%dma_start3A_119 : memref<640x128xf32, #tpu.memory_space<hbm>>) target(%dma_start3A_117 : memref<640x128xf32, #tpu.memory_space<vmem_shared>>) target_semaphore(%run_scoped3A : memref<!tpu.dma_semaphore, #tpu.memory_space<semaphore_mem>>)
      %dma_wait3A_120 = arith.constant 0 : i32
      %dma_wait3A_121 = tpu.memref_slice %arg8[%mul3A_0, %dma_wait3A_120] : memref<10240x128xf32, #tpu.memory_space<vmem_shared>> -> memref<640x128xf32, #tpu.memory_space<vmem_shared>>
      %dma_wait3A_122 = arith.constant 0 : i32
      %dma_wait3A_123 = tpu.memref_slice %arg4[%mul3A_0, %dma_wait3A_122] : memref<10240x128xf32, #tpu.memory_space<hbm>> -> memref<640x128xf32, #tpu.memory_space<hbm>>
      tpu.wait_dma2 semaphore(%run_scoped3A : memref<!tpu.dma_semaphore, #tpu.memory_space<semaphore_mem>>) src(%dma_wait3A_123 : memref<640x128xf32, #tpu.memory_space<hbm>>) dst(%dma_wait3A_121 : memref<640x128xf32, #tpu.memory_space<vmem_shared>>)
      tpu.yield
    }) : () -> ()
    "tpu.region"() ({
      %run_scoped3A = tpu.sem_alloc : memref<!tpu.dma_semaphore, #tpu.memory_space<semaphore_mem>>
      tpu.enqueue_dma source(%arg3 : memref<128x128xf32, #tpu.memory_space<hbm>>) target(%arg7 : memref<128x128xf32, #tpu.memory_space<vmem>>) target_semaphore(%run_scoped3A : memref<!tpu.dma_semaphore, #tpu.memory_space<semaphore_mem>>)
      tpu.wait_dma2 semaphore(%run_scoped3A : memref<!tpu.dma_semaphore, #tpu.memory_space<semaphore_mem>>) src(%arg3 : memref<128x128xf32, #tpu.memory_space<hbm>>) dst(%arg7 : memref<128x128xf32, #tpu.memory_space<vmem>>)
      tpu.yield
    }) : () -> ()
    %mul3A_1 = arith.constant 16 : i32
    %mul3A_2 = arith.muli %arg0, %mul3A_1 : i32
    %add3A = arith.addi %mul3A_2, %arg1 : i32
    %mul3A_3 = arith.constant 80 : i32
    %mul3A_4 = arith.muli %add3A, %mul3A_3 : i32
    %multiple_of3A = tpu.assume_multiple %mul3A_4, 8 : i32
    "tpu.region"() ({
      %run_scoped3A = tpu.sem_alloc : memref<!tpu.dma_semaphore, #tpu.memory_space<semaphore_mem>>
      %dma_start3A_116 = arith.constant 0 : i32
      %dma_start3A_117 = tpu.memref_slice %arg2[%multiple_of3A, %dma_start3A_116] : memref<2560x128xi32, #tpu.memory_space<hbm>> -> memref<80x128xi32, #tpu.memory_space<hbm>>
      %dma_start3A_118 = arith.constant 0 : i32
      %dma_start3A_119 = tpu.memref_slice %arg2[%multiple_of3A, %dma_start3A_118] : memref<2560x128xi32, #tpu.memory_space<hbm>> -> memref<80x128xi32, #tpu.memory_space<hbm>>
      tpu.enqueue_dma source(%dma_start3A_119 : memref<80x128xi32, #tpu.memory_space<hbm>>) target(%arg6 : memref<80x128xi32, #tpu.memory_space<vmem>>) target_semaphore(%run_scoped3A : memref<!tpu.dma_semaphore, #tpu.memory_space<semaphore_mem>>)
      %dma_wait3A_120 = arith.constant 0 : i32
      %dma_wait3A_121 = tpu.memref_slice %arg2[%multiple_of3A, %dma_wait3A_120] : memref<2560x128xi32, #tpu.memory_space<hbm>> -> memref<80x128xi32, #tpu.memory_space<hbm>>
      %dma_wait3A_122 = arith.constant 0 : i32
      %dma_wait3A_123 = tpu.memref_slice %arg2[%multiple_of3A, %dma_wait3A_122] : memref<2560x128xi32, #tpu.memory_space<hbm>> -> memref<80x128xi32, #tpu.memory_space<hbm>>
      tpu.wait_dma2 semaphore(%run_scoped3A : memref<!tpu.dma_semaphore, #tpu.memory_space<semaphore_mem>>) src(%dma_wait3A_123 : memref<80x128xi32, #tpu.memory_space<hbm>>) dst(%arg6 : memref<80x128xi32, #tpu.memory_space<vmem>>)
      tpu.yield
    }) : () -> ()
    %barrier3A = arith.constant 0 : index
    tpu.barrier barrier_id(%barrier3A)
    %dma_start3A = arith.constant 0 : i32
    %dma_start3A_5 = arith.constant 0 : i32
    %dma_start3A_6 = tpu.memref_slice %arg6[%dma_start3A, %dma_start3A_5] : memref<80x128xi32, #tpu.memory_space<vmem>> -> memref<1x128xi32, #tpu.memory_space<vmem>>
    %dma_start3A_7 = tpu.memref_squeeze %dma_start3A_6 : memref<1x128xi32, #tpu.memory_space<vmem>> -> memref<128xi32, #tpu.memory_space<vmem>>
    %dma_start3A_8 = arith.constant 0 : i32
    %dma_start3A_9 = arith.constant 0 : i32
    %dma_start3A_10 = tpu.memref_slice %arg8[%dma_start3A_8, %dma_start3A_9] : memref<10240x128xf32, #tpu.memory_space<vmem_shared>> -> memref<10240x128xf32, #tpu.memory_space<vmem_shared>>
    tpu.enqueue_indirect_dma source(%arg7 : memref<128x128xf32, #tpu.memory_space<vmem>>) target(%dma_start3A_10 : memref<10240x128xf32, #tpu.memory_space<vmem_shared>>) offsets(%dma_start3A_7 : memref<128xi32, #tpu.memory_space<vmem>>) semaphore(%arg9 : memref<!tpu.dma_semaphore, #tpu.memory_space<semaphore_mem>>) {add = true}
    %dma_start3A_11 = arith.constant 1 : i32
    %dma_start3A_12 = arith.constant 0 : i32
    %dma_start3A_13 = tpu.memref_slice %arg6[%dma_start3A_11, %dma_start3A_12] : memref<80x128xi32, #tpu.memory_space<vmem>> -> memref<1x128xi32, #tpu.memory_space<vmem>>
    %dma_start3A_14 = tpu.memref_squeeze %dma_start3A_13 : memref<1x128xi32, #tpu.memory_space<vmem>> -> memref<128xi32, #tpu.memory_space<vmem>>
    %dma_start3A_15 = arith.constant 0 : i32
    %dma_start3A_16 = arith.constant 0 : i32
    %dma_start3A_17 = tpu.memref_slice %arg8[%dma_start3A_15, %dma_start3A_16] : memref<10240x128xf32, #tpu.memory_space<vmem_shared>> -> memref<10240x128xf32, #tpu.memory_space<vmem_shared>>
    tpu.enqueue_indirect_dma source(%arg7 : memref<128x128xf32, #tpu.memory_space<vmem>>) target(%dma_start3A_17 : memref<10240x128xf32, #tpu.memory_space<vmem_shared>>) offsets(%dma_start3A_14 : memref<128xi32, #tpu.memory_space<vmem>>) semaphore(%arg9 : memref<!tpu.dma_semaphore, #tpu.memory_space<semaphore_mem>>) {add = true}
    %dma_start3A_18 = arith.constant 2 : i32
    %dma_start3A_19 = arith.constant 0 : i32
    %dma_start3A_20 = tpu.memref_slice %arg6[%dma_start3A_18, %dma_start3A_19] : memref<80x128xi32, #tpu.memory_space<vmem>> -> memref<1x128xi32, #tpu.memory_space<vmem>>
    %dma_start3A_21 = tpu.memref_squeeze %dma_start3A_20 : memref<1x128xi32, #tpu.memory_space<vmem>> -> memref<128xi32, #tpu.memory_space<vmem>>
    %dma_start3A_22 = arith.constant 0 : i32
    %dma_start3A_23 = arith.constant 0 : i32
    %dma_start3A_24 = tpu.memref_slice %arg8[%dma_start3A_22, %dma_start3A_23] : memref<10240x128xf32, #tpu.memory_space<vmem_shared>> -> memref<10240x128xf32, #tpu.memory_space<vmem_shared>>
    tpu.enqueue_indirect_dma source(%arg7 : memref<128x128xf32, #tpu.memory_space<vmem>>) target(%dma_start3A_24 : memref<10240x128xf32, #tpu.memory_space<vmem_shared>>) offsets(%dma_start3A_21 : memref<128xi32, #tpu.memory_space<vmem>>) semaphore(%arg9 : memref<!tpu.dma_semaphore, #tpu.memory_space<semaphore_mem>>) {add = true}
    %dma_start3A_25 = arith.constant 3 : i32
    %dma_start3A_26 = arith.constant 0 : i32
    %dma_start3A_27 = tpu.memref_slice %arg6[%dma_start3A_25, %dma_start3A_26] : memref<80x128xi32, #tpu.memory_space<vmem>> -> memref<1x128xi32, #tpu.memory_space<vmem>>
    %dma_start3A_28 = tpu.memref_squeeze %dma_start3A_27 : memref<1x128xi32, #tpu.memory_space<vmem>> -> memref<128xi32, #tpu.memory_space<vmem>>
    %dma_start3A_29 = arith.constant 0 : i32
    %dma_start3A_30 = arith.constant 0 : i32
    %dma_start3A_31 = tpu.memref_slice %arg8[%dma_start3A_29, %dma_start3A_30] : memref<10240x128xf32, #tpu.memory_space<vmem_shared>> -> memref<10240x128xf32, #tpu.memory_space<vmem_shared>>
    tpu.enqueue_indirect_dma source(%arg7 : memref<128x128xf32, #tpu.memory_space<vmem>>) target(%dma_start3A_31 : memref<10240x128xf32, #tpu.memory_space<vmem_shared>>) offsets(%dma_start3A_28 : memref<128xi32, #tpu.memory_space<vmem>>) semaphore(%arg9 : memref<!tpu.dma_semaphore, #tpu.memory_space<semaphore_mem>>) {add = true}
    %dma_start3A_32 = arith.constant 4 : i32
    %dma_start3A_33 = arith.constant 0 : i32
    %dma_start3A_34 = tpu.memref_slice %arg6[%dma_start3A_32, %dma_start3A_33] : memref<80x128xi32, #tpu.memory_space<vmem>> -> memref<1x128xi32, #tpu.memory_space<vmem>>
    %dma_start3A_35 = tpu.memref_squeeze %dma_start3A_34 : memref<1x128xi32, #tpu.memory_space<vmem>> -> memref<128xi32, #tpu.memory_space<vmem>>
    %dma_start3A_36 = arith.constant 0 : i32
    %dma_start3A_37 = arith.constant 0 : i32
    %dma_start3A_38 = tpu.memref_slice %arg8[%dma_start3A_36, %dma_start3A_37] : memref<10240x128xf32, #tpu.memory_space<vmem_shared>> -> memref<10240x128xf32, #tpu.memory_space<vmem_shared>>
    tpu.enqueue_indirect_dma source(%arg7 : memref<128x128xf32, #tpu.memory_space<vmem>>) target(%dma_start3A_38 : memref<10240x128xf32, #tpu.memory_space<vmem_shared>>) offsets(%dma_start3A_35 : memref<128xi32, #tpu.memory_space<vmem>>) semaphore(%arg9 : memref<!tpu.dma_semaphore, #tpu.memory_space<semaphore_mem>>) {add = true}
    %dma_start3A_39 = arith.constant 5 : i32
    %dma_start3A_40 = arith.constant 0 : i32
    %dma_start3A_41 = tpu.memref_slice %arg6[%dma_start3A_39, %dma_start3A_40] : memref<80x128xi32, #tpu.memory_space<vmem>> -> memref<1x128xi32, #tpu.memory_space<vmem>>
    %dma_start3A_42 = tpu.memref_squeeze %dma_start3A_41 : memref<1x128xi32, #tpu.memory_space<vmem>> -> memref<128xi32, #tpu.memory_space<vmem>>
    %dma_start3A_43 = arith.constant 0 : i32
    %dma_start3A_44 = arith.constant 0 : i32
    %dma_start3A_45 = tpu.memref_slice %arg8[%dma_start3A_43, %dma_start3A_44] : memref<10240x128xf32, #tpu.memory_space<vmem_shared>> -> memref<10240x128xf32, #tpu.memory_space<vmem_shared>>
    tpu.enqueue_indirect_dma source(%arg7 : memref<128x128xf32, #tpu.memory_space<vmem>>) target(%dma_start3A_45 : memref<10240x128xf32, #tpu.memory_space<vmem_shared>>) offsets(%dma_start3A_42 : memref<128xi32, #tpu.memory_space<vmem>>) semaphore(%arg9 : memref<!tpu.dma_semaphore, #tpu.memory_space<semaphore_mem>>) {add = true}
    %dma_start3A_46 = arith.constant 6 : i32
    %dma_start3A_47 = arith.constant 0 : i32
    %dma_start3A_48 = tpu.memref_slice %arg6[%dma_start3A_46, %dma_start3A_47] : memref<80x128xi32, #tpu.memory_space<vmem>> -> memref<1x128xi32, #tpu.memory_space<vmem>>
    %dma_start3A_49 = tpu.memref_squeeze %dma_start3A_48 : memref<1x128xi32, #tpu.memory_space<vmem>> -> memref<128xi32, #tpu.memory_space<vmem>>
    %dma_start3A_50 = arith.constant 0 : i32
    %dma_start3A_51 = arith.constant 0 : i32
    %dma_start3A_52 = tpu.memref_slice %arg8[%dma_start3A_50, %dma_start3A_51] : memref<10240x128xf32, #tpu.memory_space<vmem_shared>> -> memref<10240x128xf32, #tpu.memory_space<vmem_shared>>
    tpu.enqueue_indirect_dma source(%arg7 : memref<128x128xf32, #tpu.memory_space<vmem>>) target(%dma_start3A_52 : memref<10240x128xf32, #tpu.memory_space<vmem_shared>>) offsets(%dma_start3A_49 : memref<128xi32, #tpu.memory_space<vmem>>) semaphore(%arg9 : memref<!tpu.dma_semaphore, #tpu.memory_space<semaphore_mem>>) {add = true}
    %dma_start3A_53 = arith.constant 7 : i32
    %dma_start3A_54 = arith.constant 0 : i32
    %dma_start3A_55 = tpu.memref_slice %arg6[%dma_start3A_53, %dma_start3A_54] : memref<80x128xi32, #tpu.memory_space<vmem>> -> memref<1x128xi32, #tpu.memory_space<vmem>>
    %dma_start3A_56 = tpu.memref_squeeze %dma_start3A_55 : memref<1x128xi32, #tpu.memory_space<vmem>> -> memref<128xi32, #tpu.memory_space<vmem>>
    %dma_start3A_57 = arith.constant 0 : i32
    %dma_start3A_58 = arith.constant 0 : i32
    %dma_start3A_59 = tpu.memref_slice %arg8[%dma_start3A_57, %dma_start3A_58] : memref<10240x128xf32, #tpu.memory_space<vmem_shared>> -> memref<10240x128xf32, #tpu.memory_space<vmem_shared>>
    tpu.enqueue_indirect_dma source(%arg7 : memref<128x128xf32, #tpu.memory_space<vmem>>) target(%dma_start3A_59 : memref<10240x128xf32, #tpu.memory_space<vmem_shared>>) offsets(%dma_start3A_56 : memref<128xi32, #tpu.memory_space<vmem>>) semaphore(%arg9 : memref<!tpu.dma_semaphore, #tpu.memory_space<semaphore_mem>>) {add = true}
    %scan3A = arith.constant 0 : i32
    %scan3A_60 = arith.constant 72 : i32
    %scan3A_61 = arith.addi %scan3A, %scan3A_60 : i32
    %scan3A_62 = arith.constant 1 : i32
    scf.for %scan3A_116 = %scan3A to %scan3A_61 step %scan3A_62  : i32 {
      %dma_wait3A_117 = arith.constant 0 : i32
      %dma_wait3A_118 = arith.constant 0 : i32
      %dma_wait3A_119 = tpu.memref_slice %arg4[%dma_wait3A_117, %dma_wait3A_118] : memref<10240x128xf32, #tpu.memory_space<hbm>> -> memref<128x128xf32, #tpu.memory_space<hbm>>
      %dma_wait3A_120 = arith.constant 0 : i32
      %dma_wait3A_121 = arith.constant 0 : i32
      %dma_wait3A_122 = tpu.memref_slice %arg4[%dma_wait3A_120, %dma_wait3A_121] : memref<10240x128xf32, #tpu.memory_space<hbm>> -> memref<128x128xf32, #tpu.memory_space<hbm>>
      tpu.wait_dma2 semaphore(%arg9 : memref<!tpu.dma_semaphore, #tpu.memory_space<semaphore_mem>>) src(%dma_wait3A_122 : memref<128x128xf32, #tpu.memory_space<hbm>>) dst(%arg7 : memref<128x128xf32, #tpu.memory_space<vmem>>)
      %add3A_123 = arith.constant 8 : i32
      %add3A_124 = arith.addi %scan3A_116, %add3A_123 : i32
      %dma_start3A_125 = arith.constant 0 : i32
      %dma_start3A_126 = tpu.memref_slice %arg6[%add3A_124, %dma_start3A_125] : memref<80x128xi32, #tpu.memory_space<vmem>> -> memref<1x128xi32, #tpu.memory_space<vmem>>
      %dma_start3A_127 = tpu.memref_squeeze %dma_start3A_126 : memref<1x128xi32, #tpu.memory_space<vmem>> -> memref<128xi32, #tpu.memory_space<vmem>>
      %dma_start3A_128 = arith.constant 0 : i32
      %dma_start3A_129 = arith.constant 0 : i32
      %dma_start3A_130 = tpu.memref_slice %arg8[%dma_start3A_128, %dma_start3A_129] : memref<10240x128xf32, #tpu.memory_space<vmem_shared>> -> memref<10240x128xf32, #tpu.memory_space<vmem_shared>>
      tpu.enqueue_indirect_dma source(%arg7 : memref<128x128xf32, #tpu.memory_space<vmem>>) target(%dma_start3A_130 : memref<10240x128xf32, #tpu.memory_space<vmem_shared>>) offsets(%dma_start3A_127 : memref<128xi32, #tpu.memory_space<vmem>>) semaphore(%arg9 : memref<!tpu.dma_semaphore, #tpu.memory_space<semaphore_mem>>) {add = true}
    }
    %scan3A_63 = arith.constant 72 : i32
    %dma_wait3A = arith.constant 0 : i32
    %dma_wait3A_64 = arith.constant 0 : i32
    %dma_wait3A_65 = tpu.memref_slice %arg4[%dma_wait3A, %dma_wait3A_64] : memref<10240x128xf32, #tpu.memory_space<hbm>> -> memref<128x128xf32, #tpu.memory_space<hbm>>
    %dma_wait3A_66 = arith.constant 0 : i32
    %dma_wait3A_67 = arith.constant 0 : i32
    %dma_wait3A_68 = tpu.memref_slice %arg4[%dma_wait3A_66, %dma_wait3A_67] : memref<10240x128xf32, #tpu.memory_space<hbm>> -> memref<128x128xf32, #tpu.memory_space<hbm>>
    tpu.wait_dma2 semaphore(%arg9 : memref<!tpu.dma_semaphore, #tpu.memory_space<semaphore_mem>>) src(%dma_wait3A_68 : memref<128x128xf32, #tpu.memory_space<hbm>>) dst(%arg7 : memref<128x128xf32, #tpu.memory_space<vmem>>)
    %dma_wait3A_69 = arith.constant 0 : i32
    %dma_wait3A_70 = arith.constant 0 : i32
    %dma_wait3A_71 = tpu.memref_slice %arg4[%dma_wait3A_69, %dma_wait3A_70] : memref<10240x128xf32, #tpu.memory_space<hbm>> -> memref<128x128xf32, #tpu.memory_space<hbm>>
    %dma_wait3A_72 = arith.constant 0 : i32
    %dma_wait3A_73 = arith.constant 0 : i32
    %dma_wait3A_74 = tpu.memref_slice %arg4[%dma_wait3A_72, %dma_wait3A_73] : memref<10240x128xf32, #tpu.memory_space<hbm>> -> memref<128x128xf32, #tpu.memory_space<hbm>>
    tpu.wait_dma2 semaphore(%arg9 : memref<!tpu.dma_semaphore, #tpu.memory_space<semaphore_mem>>) src(%dma_wait3A_74 : memref<128x128xf32, #tpu.memory_space<hbm>>) dst(%arg7 : memref<128x128xf32, #tpu.memory_space<vmem>>)
    %dma_wait3A_75 = arith.constant 0 : i32
    %dma_wait3A_76 = arith.constant 0 : i32
    %dma_wait3A_77 = tpu.memref_slice %arg4[%dma_wait3A_75, %dma_wait3A_76] : memref<10240x128xf32, #tpu.memory_space<hbm>> -> memref<128x128xf32, #tpu.memory_space<hbm>>
    %dma_wait3A_78 = arith.constant 0 : i32
    %dma_wait3A_79 = arith.constant 0 : i32
    %dma_wait3A_80 = tpu.memref_slice %arg4[%dma_wait3A_78, %dma_wait3A_79] : memref<10240x128xf32, #tpu.memory_space<hbm>> -> memref<128x128xf32, #tpu.memory_space<hbm>>
    tpu.wait_dma2 semaphore(%arg9 : memref<!tpu.dma_semaphore, #tpu.memory_space<semaphore_mem>>) src(%dma_wait3A_80 : memref<128x128xf32, #tpu.memory_space<hbm>>) dst(%arg7 : memref<128x128xf32, #tpu.memory_space<vmem>>)
    %dma_wait3A_81 = arith.constant 0 : i32
    %dma_wait3A_82 = arith.constant 0 : i32
    %dma_wait3A_83 = tpu.memref_slice %arg4[%dma_wait3A_81, %dma_wait3A_82] : memref<10240x128xf32, #tpu.memory_space<hbm>> -> memref<128x128xf32, #tpu.memory_space<hbm>>
    %dma_wait3A_84 = arith.constant 0 : i32
    %dma_wait3A_85 = arith.constant 0 : i32
    %dma_wait3A_86 = tpu.memref_slice %arg4[%dma_wait3A_84, %dma_wait3A_85] : memref<10240x128xf32, #tpu.memory_space<hbm>> -> memref<128x128xf32, #tpu.memory_space<hbm>>
    tpu.wait_dma2 semaphore(%arg9 : memref<!tpu.dma_semaphore, #tpu.memory_space<semaphore_mem>>) src(%dma_wait3A_86 : memref<128x128xf32, #tpu.memory_space<hbm>>) dst(%arg7 : memref<128x128xf32, #tpu.memory_space<vmem>>)
    %dma_wait3A_87 = arith.constant 0 : i32
    %dma_wait3A_88 = arith.constant 0 : i32
    %dma_wait3A_89 = tpu.memref_slice %arg4[%dma_wait3A_87, %dma_wait3A_88] : memref<10240x128xf32, #tpu.memory_space<hbm>> -> memref<128x128xf32, #tpu.memory_space<hbm>>
    %dma_wait3A_90 = arith.constant 0 : i32
    %dma_wait3A_91 = arith.constant 0 : i32
    %dma_wait3A_92 = tpu.memref_slice %arg4[%dma_wait3A_90, %dma_wait3A_91] : memref<10240x128xf32, #tpu.memory_space<hbm>> -> memref<128x128xf32, #tpu.memory_space<hbm>>
    tpu.wait_dma2 semaphore(%arg9 : memref<!tpu.dma_semaphore, #tpu.memory_space<semaphore_mem>>) src(%dma_wait3A_92 : memref<128x128xf32, #tpu.memory_space<hbm>>) dst(%arg7 : memref<128x128xf32, #tpu.memory_space<vmem>>)
    %dma_wait3A_93 = arith.constant 0 : i32
    %dma_wait3A_94 = arith.constant 0 : i32
    %dma_wait3A_95 = tpu.memref_slice %arg4[%dma_wait3A_93, %dma_wait3A_94] : memref<10240x128xf32, #tpu.memory_space<hbm>> -> memref<128x128xf32, #tpu.memory_space<hbm>>
    %dma_wait3A_96 = arith.constant 0 : i32
    %dma_wait3A_97 = arith.constant 0 : i32
    %dma_wait3A_98 = tpu.memref_slice %arg4[%dma_wait3A_96, %dma_wait3A_97] : memref<10240x128xf32, #tpu.memory_space<hbm>> -> memref<128x128xf32, #tpu.memory_space<hbm>>
    tpu.wait_dma2 semaphore(%arg9 : memref<!tpu.dma_semaphore, #tpu.memory_space<semaphore_mem>>) src(%dma_wait3A_98 : memref<128x128xf32, #tpu.memory_space<hbm>>) dst(%arg7 : memref<128x128xf32, #tpu.memory_space<vmem>>)
    %dma_wait3A_99 = arith.constant 0 : i32
    %dma_wait3A_100 = arith.constant 0 : i32
    %dma_wait3A_101 = tpu.memref_slice %arg4[%dma_wait3A_99, %dma_wait3A_100] : memref<10240x128xf32, #tpu.memory_space<hbm>> -> memref<128x128xf32, #tpu.memory_space<hbm>>
    %dma_wait3A_102 = arith.constant 0 : i32
    %dma_wait3A_103 = arith.constant 0 : i32
    %dma_wait3A_104 = tpu.memref_slice %arg4[%dma_wait3A_102, %dma_wait3A_103] : memref<10240x128xf32, #tpu.memory_space<hbm>> -> memref<128x128xf32, #tpu.memory_space<hbm>>
    tpu.wait_dma2 semaphore(%arg9 : memref<!tpu.dma_semaphore, #tpu.memory_space<semaphore_mem>>) src(%dma_wait3A_104 : memref<128x128xf32, #tpu.memory_space<hbm>>) dst(%arg7 : memref<128x128xf32, #tpu.memory_space<vmem>>)
    %dma_wait3A_105 = arith.constant 0 : i32
    %dma_wait3A_106 = arith.constant 0 : i32
    %dma_wait3A_107 = tpu.memref_slice %arg4[%dma_wait3A_105, %dma_wait3A_106] : memref<10240x128xf32, #tpu.memory_space<hbm>> -> memref<128x128xf32, #tpu.memory_space<hbm>>
    %dma_wait3A_108 = arith.constant 0 : i32
    %dma_wait3A_109 = arith.constant 0 : i32
    %dma_wait3A_110 = tpu.memref_slice %arg4[%dma_wait3A_108, %dma_wait3A_109] : memref<10240x128xf32, #tpu.memory_space<hbm>> -> memref<128x128xf32, #tpu.memory_space<hbm>>
    tpu.wait_dma2 semaphore(%arg9 : memref<!tpu.dma_semaphore, #tpu.memory_space<semaphore_mem>>) src(%dma_wait3A_110 : memref<128x128xf32, #tpu.memory_space<hbm>>) dst(%arg7 : memref<128x128xf32, #tpu.memory_space<vmem>>)
    %barrier3A_111 = arith.constant 0 : index
    tpu.barrier barrier_id(%barrier3A_111)
    %mul3A_112 = arith.constant 10240 : i32
    %mul3A_113 = arith.muli %arg0, %mul3A_112 : i32
    %add3A_114 = arith.addi %mul3A_113, %mul3A_0 : i32
    %multiple_of3A_115 = tpu.assume_multiple %add3A_114, 8 : i32
    "tpu.region"() ({
      %run_scoped3A = tpu.sem_alloc : memref<!tpu.dma_semaphore, #tpu.memory_space<semaphore_mem>>
      %dma_start3A_116 = arith.constant 0 : i32
      %dma_start3A_117 = tpu.memref_slice %arg5[%multiple_of3A_115, %dma_start3A_116] : memref<20480x128xf32, #tpu.memory_space<hbm>> -> memref<640x128xf32, #tpu.memory_space<hbm>>
      %dma_start3A_118 = arith.constant 0 : i32
      %dma_start3A_119 = tpu.memref_slice %arg8[%mul3A_0, %dma_start3A_118] : memref<10240x128xf32, #tpu.memory_space<vmem_shared>> -> memref<640x128xf32, #tpu.memory_space<vmem_shared>>
      tpu.enqueue_dma source(%dma_start3A_119 : memref<640x128xf32, #tpu.memory_space<vmem_shared>>) target(%dma_start3A_117 : memref<640x128xf32, #tpu.memory_space<hbm>>) target_semaphore(%run_scoped3A : memref<!tpu.dma_semaphore, #tpu.memory_space<semaphore_mem>>)
      %dma_wait3A_120 = arith.constant 0 : i32
      %dma_wait3A_121 = tpu.memref_slice %arg5[%multiple_of3A_115, %dma_wait3A_120] : memref<20480x128xf32, #tpu.memory_space<hbm>> -> memref<640x128xf32, #tpu.memory_space<hbm>>
      %dma_wait3A_122 = arith.constant 0 : i32
      %dma_wait3A_123 = tpu.memref_slice %arg8[%mul3A_0, %dma_wait3A_122] : memref<10240x128xf32, #tpu.memory_space<vmem_shared>> -> memref<640x128xf32, #tpu.memory_space<vmem_shared>>
      tpu.wait_dma2 semaphore(%run_scoped3A : memref<!tpu.dma_semaphore, #tpu.memory_space<semaphore_mem>>) src(%dma_wait3A_123 : memref<640x128xf32, #tpu.memory_space<vmem_shared>>) dst(%dma_wait3A_121 : memref<640x128xf32, #tpu.memory_space<hbm>>)
      tpu.yield
    }) : () -> ()
    return
  }
}

#map = affine_map<(d0, d1) -> (0, 0)>
module attributes {stable_mosaic.version = 14 : i64} {
  func.func @k(%arg0: i32, %arg1: i32, %arg2: memref<20000x128xf32, #tpu.memory_space<hbm>>, %arg3: memref<2560x128xi32, #tpu.memory_space<hbm>>, %arg4: memref<1280x128xi32, #tpu.memory_space<hbm>>, %arg5: memref<10240x128xf32, #tpu.memory_space<hbm>>, %arg6: memref<20480x128xf32, #tpu.memory_space<hbm>>, %arg7: memref<80x128xi32, #tpu.memory_space<vmem>>, %arg8: memref<40x128xi32, #tpu.memory_space<vmem>>, %arg9: memref<128x128xf32, #tpu.memory_space<vmem>>, %arg10: memref<128x128xf32, #tpu.memory_space<vmem>>, %arg11: memref<10240x128xf32, #tpu.memory_space<vmem_shared>>, %arg12: memref<!tpu.dma_semaphore, #tpu.memory_space<semaphore_mem>>, %arg13: memref<!tpu.dma_semaphore, #tpu.memory_space<semaphore_mem>>) attributes {dimension_semantics = [#tpu.dimension_semantics<core_parallel>, #tpu.dimension_semantics<subcore_parallel>], iteration_bounds = array<i64: 2, 16>, scalar_prefetch = 0 : i64, scratch_operands = 7 : i64, tpu.core_type = #tpu.core_type<sc_vector_subcore>, window_params = [{transform_indices = #map}, {transform_indices = #map}, {transform_indices = #map}, {transform_indices = #map}, {transform_indices = #map}]} {
    %mul3A = arith.constant 640 : i32
    %mul3A_0 = arith.muli %arg1, %mul3A : i32
    "tpu.region"() ({
      %run_scoped3A_54 = tpu.sem_alloc : memref<!tpu.dma_semaphore, #tpu.memory_space<semaphore_mem>>
      %dma_start3A_55 = arith.constant 0 : i32
      %dma_start3A_56 = tpu.memref_slice %arg11[%mul3A_0, %dma_start3A_55] : memref<10240x128xf32, #tpu.memory_space<vmem_shared>> -> memref<640x128xf32, #tpu.memory_space<vmem_shared>>
      %dma_start3A_57 = arith.constant 0 : i32
      %dma_start3A_58 = tpu.memref_slice %arg5[%mul3A_0, %dma_start3A_57] : memref<10240x128xf32, #tpu.memory_space<hbm>> -> memref<640x128xf32, #tpu.memory_space<hbm>>
      tpu.enqueue_dma source(%dma_start3A_58 : memref<640x128xf32, #tpu.memory_space<hbm>>) target(%dma_start3A_56 : memref<640x128xf32, #tpu.memory_space<vmem_shared>>) target_semaphore(%run_scoped3A_54 : memref<!tpu.dma_semaphore, #tpu.memory_space<semaphore_mem>>)
      %dma_wait3A_59 = arith.constant 0 : i32
      %dma_wait3A_60 = tpu.memref_slice %arg11[%mul3A_0, %dma_wait3A_59] : memref<10240x128xf32, #tpu.memory_space<vmem_shared>> -> memref<640x128xf32, #tpu.memory_space<vmem_shared>>
      %dma_wait3A_61 = arith.constant 0 : i32
      %dma_wait3A_62 = tpu.memref_slice %arg5[%mul3A_0, %dma_wait3A_61] : memref<10240x128xf32, #tpu.memory_space<hbm>> -> memref<640x128xf32, #tpu.memory_space<hbm>>
      tpu.wait_dma2 semaphore(%run_scoped3A_54 : memref<!tpu.dma_semaphore, #tpu.memory_space<semaphore_mem>>) src(%dma_wait3A_62 : memref<640x128xf32, #tpu.memory_space<hbm>>) dst(%dma_wait3A_60 : memref<640x128xf32, #tpu.memory_space<vmem_shared>>)
      tpu.yield
    }) : () -> ()
    %mul3A_1 = arith.constant 16 : i32
    %mul3A_2 = arith.muli %arg0, %mul3A_1 : i32
    %add3A = arith.addi %mul3A_2, %arg1 : i32
    %mul3A_3 = arith.constant 80 : i32
    %mul3A_4 = arith.muli %add3A, %mul3A_3 : i32
    %multiple_of3A = tpu.assume_multiple %mul3A_4, 8 : i32
    "tpu.region"() ({
      %run_scoped3A_54 = tpu.sem_alloc : memref<!tpu.dma_semaphore, #tpu.memory_space<semaphore_mem>>
      %dma_start3A_55 = arith.constant 0 : i32
      %dma_start3A_56 = tpu.memref_slice %arg3[%multiple_of3A, %dma_start3A_55] : memref<2560x128xi32, #tpu.memory_space<hbm>> -> memref<80x128xi32, #tpu.memory_space<hbm>>
      %dma_start3A_57 = arith.constant 0 : i32
      %dma_start3A_58 = tpu.memref_slice %arg3[%multiple_of3A, %dma_start3A_57] : memref<2560x128xi32, #tpu.memory_space<hbm>> -> memref<80x128xi32, #tpu.memory_space<hbm>>
      tpu.enqueue_dma source(%dma_start3A_58 : memref<80x128xi32, #tpu.memory_space<hbm>>) target(%arg7 : memref<80x128xi32, #tpu.memory_space<vmem>>) target_semaphore(%run_scoped3A_54 : memref<!tpu.dma_semaphore, #tpu.memory_space<semaphore_mem>>)
      %dma_wait3A_59 = arith.constant 0 : i32
      %dma_wait3A_60 = tpu.memref_slice %arg3[%multiple_of3A, %dma_wait3A_59] : memref<2560x128xi32, #tpu.memory_space<hbm>> -> memref<80x128xi32, #tpu.memory_space<hbm>>
      %dma_wait3A_61 = arith.constant 0 : i32
      %dma_wait3A_62 = tpu.memref_slice %arg3[%multiple_of3A, %dma_wait3A_61] : memref<2560x128xi32, #tpu.memory_space<hbm>> -> memref<80x128xi32, #tpu.memory_space<hbm>>
      tpu.wait_dma2 semaphore(%run_scoped3A_54 : memref<!tpu.dma_semaphore, #tpu.memory_space<semaphore_mem>>) src(%dma_wait3A_62 : memref<80x128xi32, #tpu.memory_space<hbm>>) dst(%arg7 : memref<80x128xi32, #tpu.memory_space<vmem>>)
      tpu.yield
    }) : () -> ()
    %barrier3A = arith.constant 0 : index
    tpu.barrier barrier_id(%barrier3A)
    %dma_start3A = arith.constant 0 : i32
    %dma_start3A_5 = arith.constant 0 : i32
    %dma_start3A_6 = tpu.memref_slice %arg7[%dma_start3A, %dma_start3A_5] : memref<80x128xi32, #tpu.memory_space<vmem>> -> memref<1x128xi32, #tpu.memory_space<vmem>>
    %dma_start3A_7 = tpu.memref_squeeze %dma_start3A_6 : memref<1x128xi32, #tpu.memory_space<vmem>> -> memref<128xi32, #tpu.memory_space<vmem>>
    %dma_start3A_8 = arith.constant 0 : i32
    %dma_start3A_9 = arith.constant 0 : i32
    %dma_start3A_10 = tpu.memref_slice %arg2[%dma_start3A_8, %dma_start3A_9] : memref<20000x128xf32, #tpu.memory_space<hbm>> -> memref<20000x128xf32, #tpu.memory_space<hbm>>
    tpu.enqueue_indirect_dma source(%dma_start3A_10 : memref<20000x128xf32, #tpu.memory_space<hbm>>) target(%arg9 : memref<128x128xf32, #tpu.memory_space<vmem>>) offsets(%dma_start3A_7 : memref<128xi32, #tpu.memory_space<vmem>>) semaphore(%arg12 : memref<!tpu.dma_semaphore, #tpu.memory_space<semaphore_mem>>)
    %mul3A_11 = arith.constant 80 : i32
    %mul3A_12 = arith.muli %arg1, %mul3A_11 : i32
    %add3A_13 = arith.constant 0 : i32
    %add3A_14 = arith.addi %mul3A_12, %add3A_13 : i32
    %multiple_of3A_15 = tpu.assume_multiple %add3A_14, 8 : i32
    "tpu.region"() ({
      %run_scoped3A_54 = tpu.sem_alloc : memref<!tpu.dma_semaphore, #tpu.memory_space<semaphore_mem>>
      %dma_start3A_55 = arith.constant 0 : i32
      %dma_start3A_56 = tpu.memref_slice %arg4[%multiple_of3A_15, %dma_start3A_55] : memref<1280x128xi32, #tpu.memory_space<hbm>> -> memref<40x128xi32, #tpu.memory_space<hbm>>
      %dma_start3A_57 = arith.constant 0 : i32
      %dma_start3A_58 = tpu.memref_slice %arg4[%multiple_of3A_15, %dma_start3A_57] : memref<1280x128xi32, #tpu.memory_space<hbm>> -> memref<40x128xi32, #tpu.memory_space<hbm>>
      tpu.enqueue_dma source(%dma_start3A_58 : memref<40x128xi32, #tpu.memory_space<hbm>>) target(%arg8 : memref<40x128xi32, #tpu.memory_space<vmem>>) target_semaphore(%run_scoped3A_54 : memref<!tpu.dma_semaphore, #tpu.memory_space<semaphore_mem>>)
      %dma_wait3A_59 = arith.constant 0 : i32
      %dma_wait3A_60 = tpu.memref_slice %arg4[%multiple_of3A_15, %dma_wait3A_59] : memref<1280x128xi32, #tpu.memory_space<hbm>> -> memref<40x128xi32, #tpu.memory_space<hbm>>
      %dma_wait3A_61 = arith.constant 0 : i32
      %dma_wait3A_62 = tpu.memref_slice %arg4[%multiple_of3A_15, %dma_wait3A_61] : memref<1280x128xi32, #tpu.memory_space<hbm>> -> memref<40x128xi32, #tpu.memory_space<hbm>>
      tpu.wait_dma2 semaphore(%run_scoped3A_54 : memref<!tpu.dma_semaphore, #tpu.memory_space<semaphore_mem>>) src(%dma_wait3A_62 : memref<40x128xi32, #tpu.memory_space<hbm>>) dst(%arg8 : memref<40x128xi32, #tpu.memory_space<vmem>>)
      tpu.yield
    }) : () -> ()
    %scan3A = arith.constant 0 : i32
    %scan3A_16 = arith.constant 20 : i32
    %scan3A_17 = arith.addi %scan3A, %scan3A_16 : i32
    %scan3A_18 = arith.constant 1 : i32
    scf.for %scan3A_54 = %scan3A to %scan3A_17 step %scan3A_18  : i32 {
      %mul3A_55 = arith.constant 2 : i32
      %mul3A_56 = arith.muli %mul3A_55, %scan3A_54 : i32
      %add3A_57 = arith.constant 0 : i32
      %add3A_58 = arith.addi %add3A_57, %mul3A_56 : i32
      %dma_wait3A_59 = arith.constant 0 : i32
      %dma_wait3A_60 = arith.constant 0 : i32
      %dma_wait3A_61 = tpu.memref_slice %arg2[%dma_wait3A_59, %dma_wait3A_60] : memref<20000x128xf32, #tpu.memory_space<hbm>> -> memref<128x128xf32, #tpu.memory_space<hbm>>
      %dma_wait3A_62 = arith.constant 0 : i32
      %dma_wait3A_63 = arith.constant 0 : i32
      %dma_wait3A_64 = tpu.memref_slice %arg2[%dma_wait3A_62, %dma_wait3A_63] : memref<20000x128xf32, #tpu.memory_space<hbm>> -> memref<128x128xf32, #tpu.memory_space<hbm>>
      tpu.wait_dma2 semaphore(%arg12 : memref<!tpu.dma_semaphore, #tpu.memory_space<semaphore_mem>>) src(%dma_wait3A_64 : memref<128x128xf32, #tpu.memory_space<hbm>>) dst(%arg9 : memref<128x128xf32, #tpu.memory_space<vmem>>)
      %add3A_65 = arith.constant 1 : i32
      %add3A_66 = arith.addi %add3A_58, %add3A_65 : i32
      %dma_start3A_67 = arith.constant 0 : i32
      %dma_start3A_68 = tpu.memref_slice %arg7[%add3A_66, %dma_start3A_67] : memref<80x128xi32, #tpu.memory_space<vmem>> -> memref<1x128xi32, #tpu.memory_space<vmem>>
      %dma_start3A_69 = tpu.memref_squeeze %dma_start3A_68 : memref<1x128xi32, #tpu.memory_space<vmem>> -> memref<128xi32, #tpu.memory_space<vmem>>
      %dma_start3A_70 = arith.constant 0 : i32
      %dma_start3A_71 = arith.constant 0 : i32
      %dma_start3A_72 = tpu.memref_slice %arg2[%dma_start3A_70, %dma_start3A_71] : memref<20000x128xf32, #tpu.memory_space<hbm>> -> memref<20000x128xf32, #tpu.memory_space<hbm>>
      tpu.enqueue_indirect_dma source(%dma_start3A_72 : memref<20000x128xf32, #tpu.memory_space<hbm>>) target(%arg10 : memref<128x128xf32, #tpu.memory_space<vmem>>) offsets(%dma_start3A_69 : memref<128xi32, #tpu.memory_space<vmem>>) semaphore(%arg13 : memref<!tpu.dma_semaphore, #tpu.memory_space<semaphore_mem>>)
      %mul3A_73 = arith.constant 2 : i32
      %mul3A_74 = arith.muli %mul3A_73, %scan3A_54 : i32
      "tpu.region"() ({
        %run_scoped3A_93 = tpu.sem_alloc : memref<!tpu.dma_semaphore, #tpu.memory_space<semaphore_mem>>
        %dma_start3A_94 = arith.constant 0 : i32
        %dma_start3A_95 = tpu.memref_slice %arg8[%mul3A_74, %dma_start3A_94] : memref<40x128xi32, #tpu.memory_space<vmem>> -> memref<1x128xi32, #tpu.memory_space<vmem>>
        %dma_start3A_96 = tpu.memref_squeeze %dma_start3A_95 : memref<1x128xi32, #tpu.memory_space<vmem>> -> memref<128xi32, #tpu.memory_space<vmem>>
        %dma_start3A_97 = arith.constant 0 : i32
        %dma_start3A_98 = arith.constant 0 : i32
        %dma_start3A_99 = tpu.memref_slice %arg11[%dma_start3A_97, %dma_start3A_98] : memref<10240x128xf32, #tpu.memory_space<vmem_shared>> -> memref<10240x128xf32, #tpu.memory_space<vmem_shared>>
        tpu.enqueue_indirect_dma source(%arg9 : memref<128x128xf32, #tpu.memory_space<vmem>>) target(%dma_start3A_99 : memref<10240x128xf32, #tpu.memory_space<vmem_shared>>) offsets(%dma_start3A_96 : memref<128xi32, #tpu.memory_space<vmem>>) semaphore(%run_scoped3A_93 : memref<!tpu.dma_semaphore, #tpu.memory_space<semaphore_mem>>) {add = true}
        %dma_wait3A_100 = arith.constant 0 : i32
        %dma_wait3A_101 = tpu.memref_slice %arg8[%mul3A_74, %dma_wait3A_100] : memref<40x128xi32, #tpu.memory_space<vmem>> -> memref<1x128xi32, #tpu.memory_space<vmem>>
        %dma_wait3A_102 = tpu.memref_squeeze %dma_wait3A_101 : memref<1x128xi32, #tpu.memory_space<vmem>> -> memref<128xi32, #tpu.memory_space<vmem>>
        %dma_wait3A_103 = arith.constant 0 : i32
        %dma_wait3A_104 = arith.constant 0 : i32
        %dma_wait3A_105 = tpu.memref_slice %arg11[%dma_wait3A_103, %dma_wait3A_104] : memref<10240x128xf32, #tpu.memory_space<vmem_shared>> -> memref<10240x128xf32, #tpu.memory_space<vmem_shared>>
        tpu.wait_indirect_dma semaphore(%run_scoped3A_93 : memref<!tpu.dma_semaphore, #tpu.memory_space<semaphore_mem>>) src(%arg9 : memref<128x128xf32, #tpu.memory_space<vmem>>) dst(%dma_wait3A_105 : memref<10240x128xf32, #tpu.memory_space<vmem_shared>>)
        tpu.yield
      }) : () -> ()
      %dma_wait3A_75 = arith.constant 0 : i32
      %dma_wait3A_76 = arith.constant 0 : i32
      %dma_wait3A_77 = tpu.memref_slice %arg2[%dma_wait3A_75, %dma_wait3A_76] : memref<20000x128xf32, #tpu.memory_space<hbm>> -> memref<128x128xf32, #tpu.memory_space<hbm>>
      %dma_wait3A_78 = arith.constant 0 : i32
      %dma_wait3A_79 = arith.constant 0 : i32
      %dma_wait3A_80 = tpu.memref_slice %arg2[%dma_wait3A_78, %dma_wait3A_79] : memref<20000x128xf32, #tpu.memory_space<hbm>> -> memref<128x128xf32, #tpu.memory_space<hbm>>
      tpu.wait_dma2 semaphore(%arg13 : memref<!tpu.dma_semaphore, #tpu.memory_space<semaphore_mem>>) src(%dma_wait3A_80 : memref<128x128xf32, #tpu.memory_space<hbm>>) dst(%arg10 : memref<128x128xf32, #tpu.memory_space<vmem>>)
      %add3A_81 = arith.constant 2 : i32
      %add3A_82 = arith.addi %add3A_58, %add3A_81 : i32
      %dma_start3A_83 = arith.constant 0 : i32
      %dma_start3A_84 = tpu.memref_slice %arg7[%add3A_82, %dma_start3A_83] : memref<80x128xi32, #tpu.memory_space<vmem>> -> memref<1x128xi32, #tpu.memory_space<vmem>>
      %dma_start3A_85 = tpu.memref_squeeze %dma_start3A_84 : memref<1x128xi32, #tpu.memory_space<vmem>> -> memref<128xi32, #tpu.memory_space<vmem>>
      %dma_start3A_86 = arith.constant 0 : i32
      %dma_start3A_87 = arith.constant 0 : i32
      %dma_start3A_88 = tpu.memref_slice %arg2[%dma_start3A_86, %dma_start3A_87] : memref<20000x128xf32, #tpu.memory_space<hbm>> -> memref<20000x128xf32, #tpu.memory_space<hbm>>
      tpu.enqueue_indirect_dma source(%dma_start3A_88 : memref<20000x128xf32, #tpu.memory_space<hbm>>) target(%arg9 : memref<128x128xf32, #tpu.memory_space<vmem>>) offsets(%dma_start3A_85 : memref<128xi32, #tpu.memory_space<vmem>>) semaphore(%arg12 : memref<!tpu.dma_semaphore, #tpu.memory_space<semaphore_mem>>)
      %mul3A_89 = arith.constant 2 : i32
      %mul3A_90 = arith.muli %mul3A_89, %scan3A_54 : i32
      %add3A_91 = arith.constant 1 : i32
      %add3A_92 = arith.addi %mul3A_90, %add3A_91 : i32
      "tpu.region"() ({
        %run_scoped3A_93 = tpu.sem_alloc : memref<!tpu.dma_semaphore, #tpu.memory_space<semaphore_mem>>
        %dma_start3A_94 = arith.constant 0 : i32
        %dma_start3A_95 = tpu.memref_slice %arg8[%add3A_92, %dma_start3A_94] : memref<40x128xi32, #tpu.memory_space<vmem>> -> memref<1x128xi32, #tpu.memory_space<vmem>>
        %dma_start3A_96 = tpu.memref_squeeze %dma_start3A_95 : memref<1x128xi32, #tpu.memory_space<vmem>> -> memref<128xi32, #tpu.memory_space<vmem>>
        %dma_start3A_97 = arith.constant 0 : i32
        %dma_start3A_98 = arith.constant 0 : i32
        %dma_start3A_99 = tpu.memref_slice %arg11[%dma_start3A_97, %dma_start3A_98] : memref<10240x128xf32, #tpu.memory_space<vmem_shared>> -> memref<10240x128xf32, #tpu.memory_space<vmem_shared>>
        tpu.enqueue_indirect_dma source(%arg10 : memref<128x128xf32, #tpu.memory_space<vmem>>) target(%dma_start3A_99 : memref<10240x128xf32, #tpu.memory_space<vmem_shared>>) offsets(%dma_start3A_96 : memref<128xi32, #tpu.memory_space<vmem>>) semaphore(%run_scoped3A_93 : memref<!tpu.dma_semaphore, #tpu.memory_space<semaphore_mem>>) {add = true}
        %dma_wait3A_100 = arith.constant 0 : i32
        %dma_wait3A_101 = tpu.memref_slice %arg8[%add3A_92, %dma_wait3A_100] : memref<40x128xi32, #tpu.memory_space<vmem>> -> memref<1x128xi32, #tpu.memory_space<vmem>>
        %dma_wait3A_102 = tpu.memref_squeeze %dma_wait3A_101 : memref<1x128xi32, #tpu.memory_space<vmem>> -> memref<128xi32, #tpu.memory_space<vmem>>
        %dma_wait3A_103 = arith.constant 0 : i32
        %dma_wait3A_104 = arith.constant 0 : i32
        %dma_wait3A_105 = tpu.memref_slice %arg11[%dma_wait3A_103, %dma_wait3A_104] : memref<10240x128xf32, #tpu.memory_space<vmem_shared>> -> memref<10240x128xf32, #tpu.memory_space<vmem_shared>>
        tpu.wait_indirect_dma semaphore(%run_scoped3A_93 : memref<!tpu.dma_semaphore, #tpu.memory_space<semaphore_mem>>) src(%arg10 : memref<128x128xf32, #tpu.memory_space<vmem>>) dst(%dma_wait3A_105 : memref<10240x128xf32, #tpu.memory_space<vmem_shared>>)
        tpu.yield
      }) : () -> ()
    }
    %scan3A_19 = arith.constant 20 : i32
    %mul3A_20 = arith.constant 80 : i32
    %mul3A_21 = arith.muli %arg1, %mul3A_20 : i32
    %add3A_22 = arith.constant 40 : i32
    %add3A_23 = arith.addi %mul3A_21, %add3A_22 : i32
    %multiple_of3A_24 = tpu.assume_multiple %add3A_23, 8 : i32
    "tpu.region"() ({
      %run_scoped3A_54 = tpu.sem_alloc : memref<!tpu.dma_semaphore, #tpu.memory_space<semaphore_mem>>
      %dma_start3A_55 = arith.constant 0 : i32
      %dma_start3A_56 = tpu.memref_slice %arg4[%multiple_of3A_24, %dma_start3A_55] : memref<1280x128xi32, #tpu.memory_space<hbm>> -> memref<40x128xi32, #tpu.memory_space<hbm>>
      %dma_start3A_57 = arith.constant 0 : i32
      %dma_start3A_58 = tpu.memref_slice %arg4[%multiple_of3A_24, %dma_start3A_57] : memref<1280x128xi32, #tpu.memory_space<hbm>> -> memref<40x128xi32, #tpu.memory_space<hbm>>
      tpu.enqueue_dma source(%dma_start3A_58 : memref<40x128xi32, #tpu.memory_space<hbm>>) target(%arg8 : memref<40x128xi32, #tpu.memory_space<vmem>>) target_semaphore(%run_scoped3A_54 : memref<!tpu.dma_semaphore, #tpu.memory_space<semaphore_mem>>)
      %dma_wait3A_59 = arith.constant 0 : i32
      %dma_wait3A_60 = tpu.memref_slice %arg4[%multiple_of3A_24, %dma_wait3A_59] : memref<1280x128xi32, #tpu.memory_space<hbm>> -> memref<40x128xi32, #tpu.memory_space<hbm>>
      %dma_wait3A_61 = arith.constant 0 : i32
      %dma_wait3A_62 = tpu.memref_slice %arg4[%multiple_of3A_24, %dma_wait3A_61] : memref<1280x128xi32, #tpu.memory_space<hbm>> -> memref<40x128xi32, #tpu.memory_space<hbm>>
      tpu.wait_dma2 semaphore(%run_scoped3A_54 : memref<!tpu.dma_semaphore, #tpu.memory_space<semaphore_mem>>) src(%dma_wait3A_62 : memref<40x128xi32, #tpu.memory_space<hbm>>) dst(%arg8 : memref<40x128xi32, #tpu.memory_space<vmem>>)
      tpu.yield
    }) : () -> ()
    %scan3A_25 = arith.constant 0 : i32
    %scan3A_26 = arith.constant 19 : i32
    %scan3A_27 = arith.addi %scan3A_25, %scan3A_26 : i32
    %scan3A_28 = arith.constant 1 : i32
    scf.for %scan3A_54 = %scan3A_25 to %scan3A_27 step %scan3A_28  : i32 {
      %mul3A_55 = arith.constant 2 : i32
      %mul3A_56 = arith.muli %mul3A_55, %scan3A_54 : i32
      %add3A_57 = arith.constant 40 : i32
      %add3A_58 = arith.addi %add3A_57, %mul3A_56 : i32
      %dma_wait3A_59 = arith.constant 0 : i32
      %dma_wait3A_60 = arith.constant 0 : i32
      %dma_wait3A_61 = tpu.memref_slice %arg2[%dma_wait3A_59, %dma_wait3A_60] : memref<20000x128xf32, #tpu.memory_space<hbm>> -> memref<128x128xf32, #tpu.memory_space<hbm>>
      %dma_wait3A_62 = arith.constant 0 : i32
      %dma_wait3A_63 = arith.constant 0 : i32
      %dma_wait3A_64 = tpu.memref_slice %arg2[%dma_wait3A_62, %dma_wait3A_63] : memref<20000x128xf32, #tpu.memory_space<hbm>> -> memref<128x128xf32, #tpu.memory_space<hbm>>
      tpu.wait_dma2 semaphore(%arg12 : memref<!tpu.dma_semaphore, #tpu.memory_space<semaphore_mem>>) src(%dma_wait3A_64 : memref<128x128xf32, #tpu.memory_space<hbm>>) dst(%arg9 : memref<128x128xf32, #tpu.memory_space<vmem>>)
      %add3A_65 = arith.constant 1 : i32
      %add3A_66 = arith.addi %add3A_58, %add3A_65 : i32
      %dma_start3A_67 = arith.constant 0 : i32
      %dma_start3A_68 = tpu.memref_slice %arg7[%add3A_66, %dma_start3A_67] : memref<80x128xi32, #tpu.memory_space<vmem>> -> memref<1x128xi32, #tpu.memory_space<vmem>>
      %dma_start3A_69 = tpu.memref_squeeze %dma_start3A_68 : memref<1x128xi32, #tpu.memory_space<vmem>> -> memref<128xi32, #tpu.memory_space<vmem>>
      %dma_start3A_70 = arith.constant 0 : i32
      %dma_start3A_71 = arith.constant 0 : i32
      %dma_start3A_72 = tpu.memref_slice %arg2[%dma_start3A_70, %dma_start3A_71] : memref<20000x128xf32, #tpu.memory_space<hbm>> -> memref<20000x128xf32, #tpu.memory_space<hbm>>
      tpu.enqueue_indirect_dma source(%dma_start3A_72 : memref<20000x128xf32, #tpu.memory_space<hbm>>) target(%arg10 : memref<128x128xf32, #tpu.memory_space<vmem>>) offsets(%dma_start3A_69 : memref<128xi32, #tpu.memory_space<vmem>>) semaphore(%arg13 : memref<!tpu.dma_semaphore, #tpu.memory_space<semaphore_mem>>)
      %mul3A_73 = arith.constant 2 : i32
      %mul3A_74 = arith.muli %mul3A_73, %scan3A_54 : i32
      "tpu.region"() ({
        %run_scoped3A_93 = tpu.sem_alloc : memref<!tpu.dma_semaphore, #tpu.memory_space<semaphore_mem>>
        %dma_start3A_94 = arith.constant 0 : i32
        %dma_start3A_95 = tpu.memref_slice %arg8[%mul3A_74, %dma_start3A_94] : memref<40x128xi32, #tpu.memory_space<vmem>> -> memref<1x128xi32, #tpu.memory_space<vmem>>
        %dma_start3A_96 = tpu.memref_squeeze %dma_start3A_95 : memref<1x128xi32, #tpu.memory_space<vmem>> -> memref<128xi32, #tpu.memory_space<vmem>>
        %dma_start3A_97 = arith.constant 0 : i32
        %dma_start3A_98 = arith.constant 0 : i32
        %dma_start3A_99 = tpu.memref_slice %arg11[%dma_start3A_97, %dma_start3A_98] : memref<10240x128xf32, #tpu.memory_space<vmem_shared>> -> memref<10240x128xf32, #tpu.memory_space<vmem_shared>>
        tpu.enqueue_indirect_dma source(%arg9 : memref<128x128xf32, #tpu.memory_space<vmem>>) target(%dma_start3A_99 : memref<10240x128xf32, #tpu.memory_space<vmem_shared>>) offsets(%dma_start3A_96 : memref<128xi32, #tpu.memory_space<vmem>>) semaphore(%run_scoped3A_93 : memref<!tpu.dma_semaphore, #tpu.memory_space<semaphore_mem>>) {add = true}
        %dma_wait3A_100 = arith.constant 0 : i32
        %dma_wait3A_101 = tpu.memref_slice %arg8[%mul3A_74, %dma_wait3A_100] : memref<40x128xi32, #tpu.memory_space<vmem>> -> memref<1x128xi32, #tpu.memory_space<vmem>>
        %dma_wait3A_102 = tpu.memref_squeeze %dma_wait3A_101 : memref<1x128xi32, #tpu.memory_space<vmem>> -> memref<128xi32, #tpu.memory_space<vmem>>
        %dma_wait3A_103 = arith.constant 0 : i32
        %dma_wait3A_104 = arith.constant 0 : i32
        %dma_wait3A_105 = tpu.memref_slice %arg11[%dma_wait3A_103, %dma_wait3A_104] : memref<10240x128xf32, #tpu.memory_space<vmem_shared>> -> memref<10240x128xf32, #tpu.memory_space<vmem_shared>>
        tpu.wait_indirect_dma semaphore(%run_scoped3A_93 : memref<!tpu.dma_semaphore, #tpu.memory_space<semaphore_mem>>) src(%arg9 : memref<128x128xf32, #tpu.memory_space<vmem>>) dst(%dma_wait3A_105 : memref<10240x128xf32, #tpu.memory_space<vmem_shared>>)
        tpu.yield
      }) : () -> ()
      %dma_wait3A_75 = arith.constant 0 : i32
      %dma_wait3A_76 = arith.constant 0 : i32
      %dma_wait3A_77 = tpu.memref_slice %arg2[%dma_wait3A_75, %dma_wait3A_76] : memref<20000x128xf32, #tpu.memory_space<hbm>> -> memref<128x128xf32, #tpu.memory_space<hbm>>
      %dma_wait3A_78 = arith.constant 0 : i32
      %dma_wait3A_79 = arith.constant 0 : i32
      %dma_wait3A_80 = tpu.memref_slice %arg2[%dma_wait3A_78, %dma_wait3A_79] : memref<20000x128xf32, #tpu.memory_space<hbm>> -> memref<128x128xf32, #tpu.memory_space<hbm>>
      tpu.wait_dma2 semaphore(%arg13 : memref<!tpu.dma_semaphore, #tpu.memory_space<semaphore_mem>>) src(%dma_wait3A_80 : memref<128x128xf32, #tpu.memory_space<hbm>>) dst(%arg10 : memref<128x128xf32, #tpu.memory_space<vmem>>)
      %add3A_81 = arith.constant 2 : i32
      %add3A_82 = arith.addi %add3A_58, %add3A_81 : i32
      %dma_start3A_83 = arith.constant 0 : i32
      %dma_start3A_84 = tpu.memref_slice %arg7[%add3A_82, %dma_start3A_83] : memref<80x128xi32, #tpu.memory_space<vmem>> -> memref<1x128xi32, #tpu.memory_space<vmem>>
      %dma_start3A_85 = tpu.memref_squeeze %dma_start3A_84 : memref<1x128xi32, #tpu.memory_space<vmem>> -> memref<128xi32, #tpu.memory_space<vmem>>
      %dma_start3A_86 = arith.constant 0 : i32
      %dma_start3A_87 = arith.constant 0 : i32
      %dma_start3A_88 = tpu.memref_slice %arg2[%dma_start3A_86, %dma_start3A_87] : memref<20000x128xf32, #tpu.memory_space<hbm>> -> memref<20000x128xf32, #tpu.memory_space<hbm>>
      tpu.enqueue_indirect_dma source(%dma_start3A_88 : memref<20000x128xf32, #tpu.memory_space<hbm>>) target(%arg9 : memref<128x128xf32, #tpu.memory_space<vmem>>) offsets(%dma_start3A_85 : memref<128xi32, #tpu.memory_space<vmem>>) semaphore(%arg12 : memref<!tpu.dma_semaphore, #tpu.memory_space<semaphore_mem>>)
      %mul3A_89 = arith.constant 2 : i32
      %mul3A_90 = arith.muli %mul3A_89, %scan3A_54 : i32
      %add3A_91 = arith.constant 1 : i32
      %add3A_92 = arith.addi %mul3A_90, %add3A_91 : i32
      "tpu.region"() ({
        %run_scoped3A_93 = tpu.sem_alloc : memref<!tpu.dma_semaphore, #tpu.memory_space<semaphore_mem>>
        %dma_start3A_94 = arith.constant 0 : i32
        %dma_start3A_95 = tpu.memref_slice %arg8[%add3A_92, %dma_start3A_94] : memref<40x128xi32, #tpu.memory_space<vmem>> -> memref<1x128xi32, #tpu.memory_space<vmem>>
        %dma_start3A_96 = tpu.memref_squeeze %dma_start3A_95 : memref<1x128xi32, #tpu.memory_space<vmem>> -> memref<128xi32, #tpu.memory_space<vmem>>
        %dma_start3A_97 = arith.constant 0 : i32
        %dma_start3A_98 = arith.constant 0 : i32
        %dma_start3A_99 = tpu.memref_slice %arg11[%dma_start3A_97, %dma_start3A_98] : memref<10240x128xf32, #tpu.memory_space<vmem_shared>> -> memref<10240x128xf32, #tpu.memory_space<vmem_shared>>
        tpu.enqueue_indirect_dma source(%arg10 : memref<128x128xf32, #tpu.memory_space<vmem>>) target(%dma_start3A_99 : memref<10240x128xf32, #tpu.memory_space<vmem_shared>>) offsets(%dma_start3A_96 : memref<128xi32, #tpu.memory_space<vmem>>) semaphore(%run_scoped3A_93 : memref<!tpu.dma_semaphore, #tpu.memory_space<semaphore_mem>>) {add = true}
        %dma_wait3A_100 = arith.constant 0 : i32
        %dma_wait3A_101 = tpu.memref_slice %arg8[%add3A_92, %dma_wait3A_100] : memref<40x128xi32, #tpu.memory_space<vmem>> -> memref<1x128xi32, #tpu.memory_space<vmem>>
        %dma_wait3A_102 = tpu.memref_squeeze %dma_wait3A_101 : memref<1x128xi32, #tpu.memory_space<vmem>> -> memref<128xi32, #tpu.memory_space<vmem>>
        %dma_wait3A_103 = arith.constant 0 : i32
        %dma_wait3A_104 = arith.constant 0 : i32
        %dma_wait3A_105 = tpu.memref_slice %arg11[%dma_wait3A_103, %dma_wait3A_104] : memref<10240x128xf32, #tpu.memory_space<vmem_shared>> -> memref<10240x128xf32, #tpu.memory_space<vmem_shared>>
        tpu.wait_indirect_dma semaphore(%run_scoped3A_93 : memref<!tpu.dma_semaphore, #tpu.memory_space<semaphore_mem>>) src(%arg10 : memref<128x128xf32, #tpu.memory_space<vmem>>) dst(%dma_wait3A_105 : memref<10240x128xf32, #tpu.memory_space<vmem_shared>>)
        tpu.yield
      }) : () -> ()
    }
    %scan3A_29 = arith.constant 19 : i32
    %dma_wait3A = arith.constant 0 : i32
    %dma_wait3A_30 = arith.constant 0 : i32
    %dma_wait3A_31 = tpu.memref_slice %arg2[%dma_wait3A, %dma_wait3A_30] : memref<20000x128xf32, #tpu.memory_space<hbm>> -> memref<128x128xf32, #tpu.memory_space<hbm>>
    %dma_wait3A_32 = arith.constant 0 : i32
    %dma_wait3A_33 = arith.constant 0 : i32
    %dma_wait3A_34 = tpu.memref_slice %arg2[%dma_wait3A_32, %dma_wait3A_33] : memref<20000x128xf32, #tpu.memory_space<hbm>> -> memref<128x128xf32, #tpu.memory_space<hbm>>
    tpu.wait_dma2 semaphore(%arg12 : memref<!tpu.dma_semaphore, #tpu.memory_space<semaphore_mem>>) src(%dma_wait3A_34 : memref<128x128xf32, #tpu.memory_space<hbm>>) dst(%arg9 : memref<128x128xf32, #tpu.memory_space<vmem>>)
    %dma_start3A_35 = arith.constant 79 : i32
    %dma_start3A_36 = arith.constant 0 : i32
    %dma_start3A_37 = tpu.memref_slice %arg7[%dma_start3A_35, %dma_start3A_36] : memref<80x128xi32, #tpu.memory_space<vmem>> -> memref<1x128xi32, #tpu.memory_space<vmem>>
    %dma_start3A_38 = tpu.memref_squeeze %dma_start3A_37 : memref<1x128xi32, #tpu.memory_space<vmem>> -> memref<128xi32, #tpu.memory_space<vmem>>
    %dma_start3A_39 = arith.constant 0 : i32
    %dma_start3A_40 = arith.constant 0 : i32
    %dma_start3A_41 = tpu.memref_slice %arg2[%dma_start3A_39, %dma_start3A_40] : memref<20000x128xf32, #tpu.memory_space<hbm>> -> memref<20000x128xf32, #tpu.memory_space<hbm>>
    tpu.enqueue_indirect_dma source(%dma_start3A_41 : memref<20000x128xf32, #tpu.memory_space<hbm>>) target(%arg10 : memref<128x128xf32, #tpu.memory_space<vmem>>) offsets(%dma_start3A_38 : memref<128xi32, #tpu.memory_space<vmem>>) semaphore(%arg13 : memref<!tpu.dma_semaphore, #tpu.memory_space<semaphore_mem>>)
    %run_scoped3A = arith.constant 38 : i32
    "tpu.region"() ({
      %run_scoped3A_54 = tpu.sem_alloc : memref<!tpu.dma_semaphore, #tpu.memory_space<semaphore_mem>>
      %dma_start3A_55 = arith.constant 0 : i32
      %dma_start3A_56 = tpu.memref_slice %arg8[%run_scoped3A, %dma_start3A_55] : memref<40x128xi32, #tpu.memory_space<vmem>> -> memref<1x128xi32, #tpu.memory_space<vmem>>
      %dma_start3A_57 = tpu.memref_squeeze %dma_start3A_56 : memref<1x128xi32, #tpu.memory_space<vmem>> -> memref<128xi32, #tpu.memory_space<vmem>>
      %dma_start3A_58 = arith.constant 0 : i32
      %dma_start3A_59 = arith.constant 0 : i32
      %dma_start3A_60 = tpu.memref_slice %arg11[%dma_start3A_58, %dma_start3A_59] : memref<10240x128xf32, #tpu.memory_space<vmem_shared>> -> memref<10240x128xf32, #tpu.memory_space<vmem_shared>>
      tpu.enqueue_indirect_dma source(%arg9 : memref<128x128xf32, #tpu.memory_space<vmem>>) target(%dma_start3A_60 : memref<10240x128xf32, #tpu.memory_space<vmem_shared>>) offsets(%dma_start3A_57 : memref<128xi32, #tpu.memory_space<vmem>>) semaphore(%run_scoped3A_54 : memref<!tpu.dma_semaphore, #tpu.memory_space<semaphore_mem>>) {add = true}
      %dma_wait3A_61 = arith.constant 0 : i32
      %dma_wait3A_62 = tpu.memref_slice %arg8[%run_scoped3A, %dma_wait3A_61] : memref<40x128xi32, #tpu.memory_space<vmem>> -> memref<1x128xi32, #tpu.memory_space<vmem>>
      %dma_wait3A_63 = tpu.memref_squeeze %dma_wait3A_62 : memref<1x128xi32, #tpu.memory_space<vmem>> -> memref<128xi32, #tpu.memory_space<vmem>>
      %dma_wait3A_64 = arith.constant 0 : i32
      %dma_wait3A_65 = arith.constant 0 : i32
      %dma_wait3A_66 = tpu.memref_slice %arg11[%dma_wait3A_64, %dma_wait3A_65] : memref<10240x128xf32, #tpu.memory_space<vmem_shared>> -> memref<10240x128xf32, #tpu.memory_space<vmem_shared>>
      tpu.wait_indirect_dma semaphore(%run_scoped3A_54 : memref<!tpu.dma_semaphore, #tpu.memory_space<semaphore_mem>>) src(%arg9 : memref<128x128xf32, #tpu.memory_space<vmem>>) dst(%dma_wait3A_66 : memref<10240x128xf32, #tpu.memory_space<vmem_shared>>)
      tpu.yield
    }) : () -> ()
    %dma_wait3A_42 = arith.constant 0 : i32
    %dma_wait3A_43 = arith.constant 0 : i32
    %dma_wait3A_44 = tpu.memref_slice %arg2[%dma_wait3A_42, %dma_wait3A_43] : memref<20000x128xf32, #tpu.memory_space<hbm>> -> memref<128x128xf32, #tpu.memory_space<hbm>>
    %dma_wait3A_45 = arith.constant 0 : i32
    %dma_wait3A_46 = arith.constant 0 : i32
    %dma_wait3A_47 = tpu.memref_slice %arg2[%dma_wait3A_45, %dma_wait3A_46] : memref<20000x128xf32, #tpu.memory_space<hbm>> -> memref<128x128xf32, #tpu.memory_space<hbm>>
    tpu.wait_dma2 semaphore(%arg13 : memref<!tpu.dma_semaphore, #tpu.memory_space<semaphore_mem>>) src(%dma_wait3A_47 : memref<128x128xf32, #tpu.memory_space<hbm>>) dst(%arg10 : memref<128x128xf32, #tpu.memory_space<vmem>>)
    %run_scoped3A_48 = arith.constant 39 : i32
    "tpu.region"() ({
      %run_scoped3A_54 = tpu.sem_alloc : memref<!tpu.dma_semaphore, #tpu.memory_space<semaphore_mem>>
      %dma_start3A_55 = arith.constant 0 : i32
      %dma_start3A_56 = tpu.memref_slice %arg8[%run_scoped3A_48, %dma_start3A_55] : memref<40x128xi32, #tpu.memory_space<vmem>> -> memref<1x128xi32, #tpu.memory_space<vmem>>
      %dma_start3A_57 = tpu.memref_squeeze %dma_start3A_56 : memref<1x128xi32, #tpu.memory_space<vmem>> -> memref<128xi32, #tpu.memory_space<vmem>>
      %dma_start3A_58 = arith.constant 0 : i32
      %dma_start3A_59 = arith.constant 0 : i32
      %dma_start3A_60 = tpu.memref_slice %arg11[%dma_start3A_58, %dma_start3A_59] : memref<10240x128xf32, #tpu.memory_space<vmem_shared>> -> memref<10240x128xf32, #tpu.memory_space<vmem_shared>>
      tpu.enqueue_indirect_dma source(%arg10 : memref<128x128xf32, #tpu.memory_space<vmem>>) target(%dma_start3A_60 : memref<10240x128xf32, #tpu.memory_space<vmem_shared>>) offsets(%dma_start3A_57 : memref<128xi32, #tpu.memory_space<vmem>>) semaphore(%run_scoped3A_54 : memref<!tpu.dma_semaphore, #tpu.memory_space<semaphore_mem>>) {add = true}
      %dma_wait3A_61 = arith.constant 0 : i32
      %dma_wait3A_62 = tpu.memref_slice %arg8[%run_scoped3A_48, %dma_wait3A_61] : memref<40x128xi32, #tpu.memory_space<vmem>> -> memref<1x128xi32, #tpu.memory_space<vmem>>
      %dma_wait3A_63 = tpu.memref_squeeze %dma_wait3A_62 : memref<1x128xi32, #tpu.memory_space<vmem>> -> memref<128xi32, #tpu.memory_space<vmem>>
      %dma_wait3A_64 = arith.constant 0 : i32
      %dma_wait3A_65 = arith.constant 0 : i32
      %dma_wait3A_66 = tpu.memref_slice %arg11[%dma_wait3A_64, %dma_wait3A_65] : memref<10240x128xf32, #tpu.memory_space<vmem_shared>> -> memref<10240x128xf32, #tpu.memory_space<vmem_shared>>
      tpu.wait_indirect_dma semaphore(%run_scoped3A_54 : memref<!tpu.dma_semaphore, #tpu.memory_space<semaphore_mem>>) src(%arg10 : memref<128x128xf32, #tpu.memory_space<vmem>>) dst(%dma_wait3A_66 : memref<10240x128xf32, #tpu.memory_space<vmem_shared>>)
      tpu.yield
    }) : () -> ()
    %barrier3A_49 = arith.constant 0 : index
    tpu.barrier barrier_id(%barrier3A_49)
    %mul3A_50 = arith.constant 10240 : i32
    %mul3A_51 = arith.muli %arg0, %mul3A_50 : i32
    %add3A_52 = arith.addi %mul3A_51, %mul3A_0 : i32
    %multiple_of3A_53 = tpu.assume_multiple %add3A_52, 8 : i32
    "tpu.region"() ({
      %run_scoped3A_54 = tpu.sem_alloc : memref<!tpu.dma_semaphore, #tpu.memory_space<semaphore_mem>>
      %dma_start3A_55 = arith.constant 0 : i32
      %dma_start3A_56 = tpu.memref_slice %arg6[%multiple_of3A_53, %dma_start3A_55] : memref<20480x128xf32, #tpu.memory_space<hbm>> -> memref<640x128xf32, #tpu.memory_space<hbm>>
      %dma_start3A_57 = arith.constant 0 : i32
      %dma_start3A_58 = tpu.memref_slice %arg11[%mul3A_0, %dma_start3A_57] : memref<10240x128xf32, #tpu.memory_space<vmem_shared>> -> memref<640x128xf32, #tpu.memory_space<vmem_shared>>
      tpu.enqueue_dma source(%dma_start3A_58 : memref<640x128xf32, #tpu.memory_space<vmem_shared>>) target(%dma_start3A_56 : memref<640x128xf32, #tpu.memory_space<hbm>>) target_semaphore(%run_scoped3A_54 : memref<!tpu.dma_semaphore, #tpu.memory_space<semaphore_mem>>)
      %dma_wait3A_59 = arith.constant 0 : i32
      %dma_wait3A_60 = tpu.memref_slice %arg6[%multiple_of3A_53, %dma_wait3A_59] : memref<20480x128xf32, #tpu.memory_space<hbm>> -> memref<640x128xf32, #tpu.memory_space<hbm>>
      %dma_wait3A_61 = arith.constant 0 : i32
      %dma_wait3A_62 = tpu.memref_slice %arg11[%mul3A_0, %dma_wait3A_61] : memref<10240x128xf32, #tpu.memory_space<vmem_shared>> -> memref<640x128xf32, #tpu.memory_space<vmem_shared>>
      tpu.wait_dma2 semaphore(%run_scoped3A_54 : memref<!tpu.dma_semaphore, #tpu.memory_space<semaphore_mem>>) src(%dma_wait3A_62 : memref<640x128xf32, #tpu.memory_space<vmem_shared>>) dst(%dma_wait3A_60 : memref<640x128xf32, #tpu.memory_space<hbm>>)
      tpu.yield
    }) : () -> ()
    return
  }
}

#map = affine_map<(d0, d1) -> (0, 0)>
module attributes {stable_mosaic.version = 14 : i64} {
  func.func @k(%arg0: i32, %arg1: i32, %arg2: memref<20000x128xf32, #tpu.memory_space<hbm>>, %arg3: memref<2560x128xi32, #tpu.memory_space<hbm>>, %arg4: memref<1280x128xi32, #tpu.memory_space<hbm>>, %arg5: memref<10240x128xf32, #tpu.memory_space<hbm>>, %arg6: memref<20480x128xf32, #tpu.memory_space<hbm>>, %arg7: memref<80x128xi32, #tpu.memory_space<vmem>>, %arg8: memref<40x128xi32, #tpu.memory_space<vmem>>, %arg9: memref<128x128xf32, #tpu.memory_space<vmem>>, %arg10: memref<128x128xf32, #tpu.memory_space<vmem>>, %arg11: memref<10240x128xf32, #tpu.memory_space<vmem_shared>>, %arg12: memref<!tpu.dma_semaphore, #tpu.memory_space<semaphore_mem>>, %arg13: memref<!tpu.dma_semaphore, #tpu.memory_space<semaphore_mem>>) attributes {dimension_semantics = [#tpu.dimension_semantics<core_parallel>, #tpu.dimension_semantics<subcore_parallel>], iteration_bounds = array<i64: 2, 16>, scalar_prefetch = 0 : i64, scratch_operands = 7 : i64, tpu.core_type = #tpu.core_type<sc_vector_subcore>, window_params = [{transform_indices = #map}, {transform_indices = #map}, {transform_indices = #map}, {transform_indices = #map}, {transform_indices = #map}]} {
    %mul3A = arith.constant 640 : i32
    %mul3A_0 = arith.muli %arg1, %mul3A : i32
    "tpu.region"() ({
      %run_scoped3A_54 = tpu.sem_alloc : memref<!tpu.dma_semaphore, #tpu.memory_space<semaphore_mem>>
      %dma_start3A_55 = arith.constant 0 : i32
      %dma_start3A_56 = tpu.memref_slice %arg11[%mul3A_0, %dma_start3A_55] : memref<10240x128xf32, #tpu.memory_space<vmem_shared>> -> memref<640x128xf32, #tpu.memory_space<vmem_shared>>
      %dma_start3A_57 = arith.constant 0 : i32
      %dma_start3A_58 = tpu.memref_slice %arg5[%mul3A_0, %dma_start3A_57] : memref<10240x128xf32, #tpu.memory_space<hbm>> -> memref<640x128xf32, #tpu.memory_space<hbm>>
      tpu.enqueue_dma source(%dma_start3A_58 : memref<640x128xf32, #tpu.memory_space<hbm>>) target(%dma_start3A_56 : memref<640x128xf32, #tpu.memory_space<vmem_shared>>) target_semaphore(%run_scoped3A_54 : memref<!tpu.dma_semaphore, #tpu.memory_space<semaphore_mem>>)
      %dma_wait3A_59 = arith.constant 0 : i32
      %dma_wait3A_60 = tpu.memref_slice %arg11[%mul3A_0, %dma_wait3A_59] : memref<10240x128xf32, #tpu.memory_space<vmem_shared>> -> memref<640x128xf32, #tpu.memory_space<vmem_shared>>
      %dma_wait3A_61 = arith.constant 0 : i32
      %dma_wait3A_62 = tpu.memref_slice %arg5[%mul3A_0, %dma_wait3A_61] : memref<10240x128xf32, #tpu.memory_space<hbm>> -> memref<640x128xf32, #tpu.memory_space<hbm>>
      tpu.wait_dma2 semaphore(%run_scoped3A_54 : memref<!tpu.dma_semaphore, #tpu.memory_space<semaphore_mem>>) src(%dma_wait3A_62 : memref<640x128xf32, #tpu.memory_space<hbm>>) dst(%dma_wait3A_60 : memref<640x128xf32, #tpu.memory_space<vmem_shared>>)
      tpu.yield
    }) : () -> ()
    %mul3A_1 = arith.constant 16 : i32
    %mul3A_2 = arith.muli %arg0, %mul3A_1 : i32
    %add3A = arith.addi %mul3A_2, %arg1 : i32
    %mul3A_3 = arith.constant 80 : i32
    %mul3A_4 = arith.muli %add3A, %mul3A_3 : i32
    %multiple_of3A = tpu.assume_multiple %mul3A_4, 8 : i32
    "tpu.region"() ({
      %run_scoped3A_54 = tpu.sem_alloc : memref<!tpu.dma_semaphore, #tpu.memory_space<semaphore_mem>>
      %dma_start3A_55 = arith.constant 0 : i32
      %dma_start3A_56 = tpu.memref_slice %arg3[%multiple_of3A, %dma_start3A_55] : memref<2560x128xi32, #tpu.memory_space<hbm>> -> memref<80x128xi32, #tpu.memory_space<hbm>>
      %dma_start3A_57 = arith.constant 0 : i32
      %dma_start3A_58 = tpu.memref_slice %arg3[%multiple_of3A, %dma_start3A_57] : memref<2560x128xi32, #tpu.memory_space<hbm>> -> memref<80x128xi32, #tpu.memory_space<hbm>>
      tpu.enqueue_dma source(%dma_start3A_58 : memref<80x128xi32, #tpu.memory_space<hbm>>) target(%arg7 : memref<80x128xi32, #tpu.memory_space<vmem>>) target_semaphore(%run_scoped3A_54 : memref<!tpu.dma_semaphore, #tpu.memory_space<semaphore_mem>>)
      %dma_wait3A_59 = arith.constant 0 : i32
      %dma_wait3A_60 = tpu.memref_slice %arg3[%multiple_of3A, %dma_wait3A_59] : memref<2560x128xi32, #tpu.memory_space<hbm>> -> memref<80x128xi32, #tpu.memory_space<hbm>>
      %dma_wait3A_61 = arith.constant 0 : i32
      %dma_wait3A_62 = tpu.memref_slice %arg3[%multiple_of3A, %dma_wait3A_61] : memref<2560x128xi32, #tpu.memory_space<hbm>> -> memref<80x128xi32, #tpu.memory_space<hbm>>
      tpu.wait_dma2 semaphore(%run_scoped3A_54 : memref<!tpu.dma_semaphore, #tpu.memory_space<semaphore_mem>>) src(%dma_wait3A_62 : memref<80x128xi32, #tpu.memory_space<hbm>>) dst(%arg7 : memref<80x128xi32, #tpu.memory_space<vmem>>)
      tpu.yield
    }) : () -> ()
    %barrier3A = arith.constant 0 : index
    tpu.barrier barrier_id(%barrier3A)
    %dma_start3A = arith.constant 0 : i32
    %dma_start3A_5 = arith.constant 0 : i32
    %dma_start3A_6 = tpu.memref_slice %arg7[%dma_start3A, %dma_start3A_5] : memref<80x128xi32, #tpu.memory_space<vmem>> -> memref<1x128xi32, #tpu.memory_space<vmem>>
    %dma_start3A_7 = tpu.memref_squeeze %dma_start3A_6 : memref<1x128xi32, #tpu.memory_space<vmem>> -> memref<128xi32, #tpu.memory_space<vmem>>
    %dma_start3A_8 = arith.constant 0 : i32
    %dma_start3A_9 = arith.constant 0 : i32
    %dma_start3A_10 = tpu.memref_slice %arg2[%dma_start3A_8, %dma_start3A_9] : memref<20000x128xf32, #tpu.memory_space<hbm>> -> memref<20000x128xf32, #tpu.memory_space<hbm>>
    tpu.enqueue_indirect_dma source(%dma_start3A_10 : memref<20000x128xf32, #tpu.memory_space<hbm>>) target(%arg9 : memref<128x128xf32, #tpu.memory_space<vmem>>) offsets(%dma_start3A_7 : memref<128xi32, #tpu.memory_space<vmem>>) semaphore(%arg12 : memref<!tpu.dma_semaphore, #tpu.memory_space<semaphore_mem>>)
    %mul3A_11 = arith.constant 80 : i32
    %mul3A_12 = arith.muli %arg1, %mul3A_11 : i32
    %add3A_13 = arith.constant 0 : i32
    %add3A_14 = arith.addi %mul3A_12, %add3A_13 : i32
    %multiple_of3A_15 = tpu.assume_multiple %add3A_14, 8 : i32
    "tpu.region"() ({
      %run_scoped3A_54 = tpu.sem_alloc : memref<!tpu.dma_semaphore, #tpu.memory_space<semaphore_mem>>
      %dma_start3A_55 = arith.constant 0 : i32
      %dma_start3A_56 = tpu.memref_slice %arg4[%multiple_of3A_15, %dma_start3A_55] : memref<1280x128xi32, #tpu.memory_space<hbm>> -> memref<40x128xi32, #tpu.memory_space<hbm>>
      %dma_start3A_57 = arith.constant 0 : i32
      %dma_start3A_58 = tpu.memref_slice %arg4[%multiple_of3A_15, %dma_start3A_57] : memref<1280x128xi32, #tpu.memory_space<hbm>> -> memref<40x128xi32, #tpu.memory_space<hbm>>
      tpu.enqueue_dma source(%dma_start3A_58 : memref<40x128xi32, #tpu.memory_space<hbm>>) target(%arg8 : memref<40x128xi32, #tpu.memory_space<vmem>>) target_semaphore(%run_scoped3A_54 : memref<!tpu.dma_semaphore, #tpu.memory_space<semaphore_mem>>)
      %dma_wait3A_59 = arith.constant 0 : i32
      %dma_wait3A_60 = tpu.memref_slice %arg4[%multiple_of3A_15, %dma_wait3A_59] : memref<1280x128xi32, #tpu.memory_space<hbm>> -> memref<40x128xi32, #tpu.memory_space<hbm>>
      %dma_wait3A_61 = arith.constant 0 : i32
      %dma_wait3A_62 = tpu.memref_slice %arg4[%multiple_of3A_15, %dma_wait3A_61] : memref<1280x128xi32, #tpu.memory_space<hbm>> -> memref<40x128xi32, #tpu.memory_space<hbm>>
      tpu.wait_dma2 semaphore(%run_scoped3A_54 : memref<!tpu.dma_semaphore, #tpu.memory_space<semaphore_mem>>) src(%dma_wait3A_62 : memref<40x128xi32, #tpu.memory_space<hbm>>) dst(%arg8 : memref<40x128xi32, #tpu.memory_space<vmem>>)
      tpu.yield
    }) : () -> ()
    %scan3A = arith.constant 0 : i32
    %scan3A_16 = arith.constant 20 : i32
    %scan3A_17 = arith.addi %scan3A, %scan3A_16 : i32
    %scan3A_18 = arith.constant 1 : i32
    scf.for %scan3A_54 = %scan3A to %scan3A_17 step %scan3A_18  : i32 {
      %mul3A_55 = arith.constant 2 : i32
      %mul3A_56 = arith.muli %mul3A_55, %scan3A_54 : i32
      %add3A_57 = arith.constant 0 : i32
      %add3A_58 = arith.addi %add3A_57, %mul3A_56 : i32
      %dma_wait3A_59 = arith.constant 0 : i32
      %dma_wait3A_60 = arith.constant 0 : i32
      %dma_wait3A_61 = tpu.memref_slice %arg2[%dma_wait3A_59, %dma_wait3A_60] : memref<20000x128xf32, #tpu.memory_space<hbm>> -> memref<128x128xf32, #tpu.memory_space<hbm>>
      %dma_wait3A_62 = arith.constant 0 : i32
      %dma_wait3A_63 = arith.constant 0 : i32
      %dma_wait3A_64 = tpu.memref_slice %arg2[%dma_wait3A_62, %dma_wait3A_63] : memref<20000x128xf32, #tpu.memory_space<hbm>> -> memref<128x128xf32, #tpu.memory_space<hbm>>
      tpu.wait_dma2 semaphore(%arg12 : memref<!tpu.dma_semaphore, #tpu.memory_space<semaphore_mem>>) src(%dma_wait3A_64 : memref<128x128xf32, #tpu.memory_space<hbm>>) dst(%arg9 : memref<128x128xf32, #tpu.memory_space<vmem>>)
      %add3A_65 = arith.constant 1 : i32
      %add3A_66 = arith.addi %add3A_58, %add3A_65 : i32
      %dma_start3A_67 = arith.constant 0 : i32
      %dma_start3A_68 = tpu.memref_slice %arg7[%add3A_66, %dma_start3A_67] : memref<80x128xi32, #tpu.memory_space<vmem>> -> memref<1x128xi32, #tpu.memory_space<vmem>>
      %dma_start3A_69 = tpu.memref_squeeze %dma_start3A_68 : memref<1x128xi32, #tpu.memory_space<vmem>> -> memref<128xi32, #tpu.memory_space<vmem>>
      %dma_start3A_70 = arith.constant 0 : i32
      %dma_start3A_71 = arith.constant 0 : i32
      %dma_start3A_72 = tpu.memref_slice %arg2[%dma_start3A_70, %dma_start3A_71] : memref<20000x128xf32, #tpu.memory_space<hbm>> -> memref<20000x128xf32, #tpu.memory_space<hbm>>
      tpu.enqueue_indirect_dma source(%dma_start3A_72 : memref<20000x128xf32, #tpu.memory_space<hbm>>) target(%arg10 : memref<128x128xf32, #tpu.memory_space<vmem>>) offsets(%dma_start3A_69 : memref<128xi32, #tpu.memory_space<vmem>>) semaphore(%arg13 : memref<!tpu.dma_semaphore, #tpu.memory_space<semaphore_mem>>)
      %mul3A_73 = arith.constant 2 : i32
      %mul3A_74 = arith.muli %mul3A_73, %scan3A_54 : i32
      "tpu.region"() ({
        %run_scoped3A_93 = tpu.sem_alloc : memref<!tpu.dma_semaphore, #tpu.memory_space<semaphore_mem>>
        %dma_start3A_94 = arith.constant 0 : i32
        %dma_start3A_95 = tpu.memref_slice %arg8[%mul3A_74, %dma_start3A_94] : memref<40x128xi32, #tpu.memory_space<vmem>> -> memref<1x128xi32, #tpu.memory_space<vmem>>
        %dma_start3A_96 = tpu.memref_squeeze %dma_start3A_95 : memref<1x128xi32, #tpu.memory_space<vmem>> -> memref<128xi32, #tpu.memory_space<vmem>>
        %dma_start3A_97 = arith.constant 0 : i32
        %dma_start3A_98 = arith.constant 0 : i32
        %dma_start3A_99 = tpu.memref_slice %arg11[%dma_start3A_97, %dma_start3A_98] : memref<10240x128xf32, #tpu.memory_space<vmem_shared>> -> memref<10240x128xf32, #tpu.memory_space<vmem_shared>>
        tpu.enqueue_indirect_dma source(%arg9 : memref<128x128xf32, #tpu.memory_space<vmem>>) target(%dma_start3A_99 : memref<10240x128xf32, #tpu.memory_space<vmem_shared>>) offsets(%dma_start3A_96 : memref<128xi32, #tpu.memory_space<vmem>>) semaphore(%run_scoped3A_93 : memref<!tpu.dma_semaphore, #tpu.memory_space<semaphore_mem>>) {add = true}
        %dma_wait3A_100 = arith.constant 0 : i32
        %dma_wait3A_101 = tpu.memref_slice %arg8[%mul3A_74, %dma_wait3A_100] : memref<40x128xi32, #tpu.memory_space<vmem>> -> memref<1x128xi32, #tpu.memory_space<vmem>>
        %dma_wait3A_102 = tpu.memref_squeeze %dma_wait3A_101 : memref<1x128xi32, #tpu.memory_space<vmem>> -> memref<128xi32, #tpu.memory_space<vmem>>
        %dma_wait3A_103 = arith.constant 0 : i32
        %dma_wait3A_104 = arith.constant 0 : i32
        %dma_wait3A_105 = tpu.memref_slice %arg11[%dma_wait3A_103, %dma_wait3A_104] : memref<10240x128xf32, #tpu.memory_space<vmem_shared>> -> memref<10240x128xf32, #tpu.memory_space<vmem_shared>>
        tpu.wait_indirect_dma semaphore(%run_scoped3A_93 : memref<!tpu.dma_semaphore, #tpu.memory_space<semaphore_mem>>) src(%arg9 : memref<128x128xf32, #tpu.memory_space<vmem>>) dst(%dma_wait3A_105 : memref<10240x128xf32, #tpu.memory_space<vmem_shared>>)
        tpu.yield
      }) : () -> ()
      %dma_wait3A_75 = arith.constant 0 : i32
      %dma_wait3A_76 = arith.constant 0 : i32
      %dma_wait3A_77 = tpu.memref_slice %arg2[%dma_wait3A_75, %dma_wait3A_76] : memref<20000x128xf32, #tpu.memory_space<hbm>> -> memref<128x128xf32, #tpu.memory_space<hbm>>
      %dma_wait3A_78 = arith.constant 0 : i32
      %dma_wait3A_79 = arith.constant 0 : i32
      %dma_wait3A_80 = tpu.memref_slice %arg2[%dma_wait3A_78, %dma_wait3A_79] : memref<20000x128xf32, #tpu.memory_space<hbm>> -> memref<128x128xf32, #tpu.memory_space<hbm>>
      tpu.wait_dma2 semaphore(%arg13 : memref<!tpu.dma_semaphore, #tpu.memory_space<semaphore_mem>>) src(%dma_wait3A_80 : memref<128x128xf32, #tpu.memory_space<hbm>>) dst(%arg10 : memref<128x128xf32, #tpu.memory_space<vmem>>)
      %add3A_81 = arith.constant 2 : i32
      %add3A_82 = arith.addi %add3A_58, %add3A_81 : i32
      %dma_start3A_83 = arith.constant 0 : i32
      %dma_start3A_84 = tpu.memref_slice %arg7[%add3A_82, %dma_start3A_83] : memref<80x128xi32, #tpu.memory_space<vmem>> -> memref<1x128xi32, #tpu.memory_space<vmem>>
      %dma_start3A_85 = tpu.memref_squeeze %dma_start3A_84 : memref<1x128xi32, #tpu.memory_space<vmem>> -> memref<128xi32, #tpu.memory_space<vmem>>
      %dma_start3A_86 = arith.constant 0 : i32
      %dma_start3A_87 = arith.constant 0 : i32
      %dma_start3A_88 = tpu.memref_slice %arg2[%dma_start3A_86, %dma_start3A_87] : memref<20000x128xf32, #tpu.memory_space<hbm>> -> memref<20000x128xf32, #tpu.memory_space<hbm>>
      tpu.enqueue_indirect_dma source(%dma_start3A_88 : memref<20000x128xf32, #tpu.memory_space<hbm>>) target(%arg9 : memref<128x128xf32, #tpu.memory_space<vmem>>) offsets(%dma_start3A_85 : memref<128xi32, #tpu.memory_space<vmem>>) semaphore(%arg12 : memref<!tpu.dma_semaphore, #tpu.memory_space<semaphore_mem>>)
      %mul3A_89 = arith.constant 2 : i32
      %mul3A_90 = arith.muli %mul3A_89, %scan3A_54 : i32
      %add3A_91 = arith.constant 1 : i32
      %add3A_92 = arith.addi %mul3A_90, %add3A_91 : i32
      "tpu.region"() ({
        %run_scoped3A_93 = tpu.sem_alloc : memref<!tpu.dma_semaphore, #tpu.memory_space<semaphore_mem>>
        %dma_start3A_94 = arith.constant 0 : i32
        %dma_start3A_95 = tpu.memref_slice %arg8[%add3A_92, %dma_start3A_94] : memref<40x128xi32, #tpu.memory_space<vmem>> -> memref<1x128xi32, #tpu.memory_space<vmem>>
        %dma_start3A_96 = tpu.memref_squeeze %dma_start3A_95 : memref<1x128xi32, #tpu.memory_space<vmem>> -> memref<128xi32, #tpu.memory_space<vmem>>
        %dma_start3A_97 = arith.constant 0 : i32
        %dma_start3A_98 = arith.constant 0 : i32
        %dma_start3A_99 = tpu.memref_slice %arg11[%dma_start3A_97, %dma_start3A_98] : memref<10240x128xf32, #tpu.memory_space<vmem_shared>> -> memref<10240x128xf32, #tpu.memory_space<vmem_shared>>
        tpu.enqueue_indirect_dma source(%arg10 : memref<128x128xf32, #tpu.memory_space<vmem>>) target(%dma_start3A_99 : memref<10240x128xf32, #tpu.memory_space<vmem_shared>>) offsets(%dma_start3A_96 : memref<128xi32, #tpu.memory_space<vmem>>) semaphore(%run_scoped3A_93 : memref<!tpu.dma_semaphore, #tpu.memory_space<semaphore_mem>>) {add = true}
        %dma_wait3A_100 = arith.constant 0 : i32
        %dma_wait3A_101 = tpu.memref_slice %arg8[%add3A_92, %dma_wait3A_100] : memref<40x128xi32, #tpu.memory_space<vmem>> -> memref<1x128xi32, #tpu.memory_space<vmem>>
        %dma_wait3A_102 = tpu.memref_squeeze %dma_wait3A_101 : memref<1x128xi32, #tpu.memory_space<vmem>> -> memref<128xi32, #tpu.memory_space<vmem>>
        %dma_wait3A_103 = arith.constant 0 : i32
        %dma_wait3A_104 = arith.constant 0 : i32
        %dma_wait3A_105 = tpu.memref_slice %arg11[%dma_wait3A_103, %dma_wait3A_104] : memref<10240x128xf32, #tpu.memory_space<vmem_shared>> -> memref<10240x128xf32, #tpu.memory_space<vmem_shared>>
        tpu.wait_indirect_dma semaphore(%run_scoped3A_93 : memref<!tpu.dma_semaphore, #tpu.memory_space<semaphore_mem>>) src(%arg10 : memref<128x128xf32, #tpu.memory_space<vmem>>) dst(%dma_wait3A_105 : memref<10240x128xf32, #tpu.memory_space<vmem_shared>>)
        tpu.yield
      }) : () -> ()
    }
    %scan3A_19 = arith.constant 20 : i32
    %mul3A_20 = arith.constant 80 : i32
    %mul3A_21 = arith.muli %arg1, %mul3A_20 : i32
    %add3A_22 = arith.constant 40 : i32
    %add3A_23 = arith.addi %mul3A_21, %add3A_22 : i32
    %multiple_of3A_24 = tpu.assume_multiple %add3A_23, 8 : i32
    "tpu.region"() ({
      %run_scoped3A_54 = tpu.sem_alloc : memref<!tpu.dma_semaphore, #tpu.memory_space<semaphore_mem>>
      %dma_start3A_55 = arith.constant 0 : i32
      %dma_start3A_56 = tpu.memref_slice %arg4[%multiple_of3A_24, %dma_start3A_55] : memref<1280x128xi32, #tpu.memory_space<hbm>> -> memref<40x128xi32, #tpu.memory_space<hbm>>
      %dma_start3A_57 = arith.constant 0 : i32
      %dma_start3A_58 = tpu.memref_slice %arg4[%multiple_of3A_24, %dma_start3A_57] : memref<1280x128xi32, #tpu.memory_space<hbm>> -> memref<40x128xi32, #tpu.memory_space<hbm>>
      tpu.enqueue_dma source(%dma_start3A_58 : memref<40x128xi32, #tpu.memory_space<hbm>>) target(%arg8 : memref<40x128xi32, #tpu.memory_space<vmem>>) target_semaphore(%run_scoped3A_54 : memref<!tpu.dma_semaphore, #tpu.memory_space<semaphore_mem>>)
      %dma_wait3A_59 = arith.constant 0 : i32
      %dma_wait3A_60 = tpu.memref_slice %arg4[%multiple_of3A_24, %dma_wait3A_59] : memref<1280x128xi32, #tpu.memory_space<hbm>> -> memref<40x128xi32, #tpu.memory_space<hbm>>
      %dma_wait3A_61 = arith.constant 0 : i32
      %dma_wait3A_62 = tpu.memref_slice %arg4[%multiple_of3A_24, %dma_wait3A_61] : memref<1280x128xi32, #tpu.memory_space<hbm>> -> memref<40x128xi32, #tpu.memory_space<hbm>>
      tpu.wait_dma2 semaphore(%run_scoped3A_54 : memref<!tpu.dma_semaphore, #tpu.memory_space<semaphore_mem>>) src(%dma_wait3A_62 : memref<40x128xi32, #tpu.memory_space<hbm>>) dst(%arg8 : memref<40x128xi32, #tpu.memory_space<vmem>>)
      tpu.yield
    }) : () -> ()
    %scan3A_25 = arith.constant 0 : i32
    %scan3A_26 = arith.constant 19 : i32
    %scan3A_27 = arith.addi %scan3A_25, %scan3A_26 : i32
    %scan3A_28 = arith.constant 1 : i32
    scf.for %scan3A_54 = %scan3A_25 to %scan3A_27 step %scan3A_28  : i32 {
      %mul3A_55 = arith.constant 2 : i32
      %mul3A_56 = arith.muli %mul3A_55, %scan3A_54 : i32
      %add3A_57 = arith.constant 40 : i32
      %add3A_58 = arith.addi %add3A_57, %mul3A_56 : i32
      %dma_wait3A_59 = arith.constant 0 : i32
      %dma_wait3A_60 = arith.constant 0 : i32
      %dma_wait3A_61 = tpu.memref_slice %arg2[%dma_wait3A_59, %dma_wait3A_60] : memref<20000x128xf32, #tpu.memory_space<hbm>> -> memref<128x128xf32, #tpu.memory_space<hbm>>
      %dma_wait3A_62 = arith.constant 0 : i32
      %dma_wait3A_63 = arith.constant 0 : i32
      %dma_wait3A_64 = tpu.memref_slice %arg2[%dma_wait3A_62, %dma_wait3A_63] : memref<20000x128xf32, #tpu.memory_space<hbm>> -> memref<128x128xf32, #tpu.memory_space<hbm>>
      tpu.wait_dma2 semaphore(%arg12 : memref<!tpu.dma_semaphore, #tpu.memory_space<semaphore_mem>>) src(%dma_wait3A_64 : memref<128x128xf32, #tpu.memory_space<hbm>>) dst(%arg9 : memref<128x128xf32, #tpu.memory_space<vmem>>)
      %add3A_65 = arith.constant 1 : i32
      %add3A_66 = arith.addi %add3A_58, %add3A_65 : i32
      %dma_start3A_67 = arith.constant 0 : i32
      %dma_start3A_68 = tpu.memref_slice %arg7[%add3A_66, %dma_start3A_67] : memref<80x128xi32, #tpu.memory_space<vmem>> -> memref<1x128xi32, #tpu.memory_space<vmem>>
      %dma_start3A_69 = tpu.memref_squeeze %dma_start3A_68 : memref<1x128xi32, #tpu.memory_space<vmem>> -> memref<128xi32, #tpu.memory_space<vmem>>
      %dma_start3A_70 = arith.constant 0 : i32
      %dma_start3A_71 = arith.constant 0 : i32
      %dma_start3A_72 = tpu.memref_slice %arg2[%dma_start3A_70, %dma_start3A_71] : memref<20000x128xf32, #tpu.memory_space<hbm>> -> memref<20000x128xf32, #tpu.memory_space<hbm>>
      tpu.enqueue_indirect_dma source(%dma_start3A_72 : memref<20000x128xf32, #tpu.memory_space<hbm>>) target(%arg10 : memref<128x128xf32, #tpu.memory_space<vmem>>) offsets(%dma_start3A_69 : memref<128xi32, #tpu.memory_space<vmem>>) semaphore(%arg13 : memref<!tpu.dma_semaphore, #tpu.memory_space<semaphore_mem>>)
      %mul3A_73 = arith.constant 2 : i32
      %mul3A_74 = arith.muli %mul3A_73, %scan3A_54 : i32
      "tpu.region"() ({
        %run_scoped3A_93 = tpu.sem_alloc : memref<!tpu.dma_semaphore, #tpu.memory_space<semaphore_mem>>
        %dma_start3A_94 = arith.constant 0 : i32
        %dma_start3A_95 = tpu.memref_slice %arg8[%mul3A_74, %dma_start3A_94] : memref<40x128xi32, #tpu.memory_space<vmem>> -> memref<1x128xi32, #tpu.memory_space<vmem>>
        %dma_start3A_96 = tpu.memref_squeeze %dma_start3A_95 : memref<1x128xi32, #tpu.memory_space<vmem>> -> memref<128xi32, #tpu.memory_space<vmem>>
        %dma_start3A_97 = arith.constant 0 : i32
        %dma_start3A_98 = arith.constant 0 : i32
        %dma_start3A_99 = tpu.memref_slice %arg11[%dma_start3A_97, %dma_start3A_98] : memref<10240x128xf32, #tpu.memory_space<vmem_shared>> -> memref<10240x128xf32, #tpu.memory_space<vmem_shared>>
        tpu.enqueue_indirect_dma source(%arg9 : memref<128x128xf32, #tpu.memory_space<vmem>>) target(%dma_start3A_99 : memref<10240x128xf32, #tpu.memory_space<vmem_shared>>) offsets(%dma_start3A_96 : memref<128xi32, #tpu.memory_space<vmem>>) semaphore(%run_scoped3A_93 : memref<!tpu.dma_semaphore, #tpu.memory_space<semaphore_mem>>) {add = true}
        %dma_wait3A_100 = arith.constant 0 : i32
        %dma_wait3A_101 = tpu.memref_slice %arg8[%mul3A_74, %dma_wait3A_100] : memref<40x128xi32, #tpu.memory_space<vmem>> -> memref<1x128xi32, #tpu.memory_space<vmem>>
        %dma_wait3A_102 = tpu.memref_squeeze %dma_wait3A_101 : memref<1x128xi32, #tpu.memory_space<vmem>> -> memref<128xi32, #tpu.memory_space<vmem>>
        %dma_wait3A_103 = arith.constant 0 : i32
        %dma_wait3A_104 = arith.constant 0 : i32
        %dma_wait3A_105 = tpu.memref_slice %arg11[%dma_wait3A_103, %dma_wait3A_104] : memref<10240x128xf32, #tpu.memory_space<vmem_shared>> -> memref<10240x128xf32, #tpu.memory_space<vmem_shared>>
        tpu.wait_indirect_dma semaphore(%run_scoped3A_93 : memref<!tpu.dma_semaphore, #tpu.memory_space<semaphore_mem>>) src(%arg9 : memref<128x128xf32, #tpu.memory_space<vmem>>) dst(%dma_wait3A_105 : memref<10240x128xf32, #tpu.memory_space<vmem_shared>>)
        tpu.yield
      }) : () -> ()
      %dma_wait3A_75 = arith.constant 0 : i32
      %dma_wait3A_76 = arith.constant 0 : i32
      %dma_wait3A_77 = tpu.memref_slice %arg2[%dma_wait3A_75, %dma_wait3A_76] : memref<20000x128xf32, #tpu.memory_space<hbm>> -> memref<128x128xf32, #tpu.memory_space<hbm>>
      %dma_wait3A_78 = arith.constant 0 : i32
      %dma_wait3A_79 = arith.constant 0 : i32
      %dma_wait3A_80 = tpu.memref_slice %arg2[%dma_wait3A_78, %dma_wait3A_79] : memref<20000x128xf32, #tpu.memory_space<hbm>> -> memref<128x128xf32, #tpu.memory_space<hbm>>
      tpu.wait_dma2 semaphore(%arg13 : memref<!tpu.dma_semaphore, #tpu.memory_space<semaphore_mem>>) src(%dma_wait3A_80 : memref<128x128xf32, #tpu.memory_space<hbm>>) dst(%arg10 : memref<128x128xf32, #tpu.memory_space<vmem>>)
      %add3A_81 = arith.constant 2 : i32
      %add3A_82 = arith.addi %add3A_58, %add3A_81 : i32
      %dma_start3A_83 = arith.constant 0 : i32
      %dma_start3A_84 = tpu.memref_slice %arg7[%add3A_82, %dma_start3A_83] : memref<80x128xi32, #tpu.memory_space<vmem>> -> memref<1x128xi32, #tpu.memory_space<vmem>>
      %dma_start3A_85 = tpu.memref_squeeze %dma_start3A_84 : memref<1x128xi32, #tpu.memory_space<vmem>> -> memref<128xi32, #tpu.memory_space<vmem>>
      %dma_start3A_86 = arith.constant 0 : i32
      %dma_start3A_87 = arith.constant 0 : i32
      %dma_start3A_88 = tpu.memref_slice %arg2[%dma_start3A_86, %dma_start3A_87] : memref<20000x128xf32, #tpu.memory_space<hbm>> -> memref<20000x128xf32, #tpu.memory_space<hbm>>
      tpu.enqueue_indirect_dma source(%dma_start3A_88 : memref<20000x128xf32, #tpu.memory_space<hbm>>) target(%arg9 : memref<128x128xf32, #tpu.memory_space<vmem>>) offsets(%dma_start3A_85 : memref<128xi32, #tpu.memory_space<vmem>>) semaphore(%arg12 : memref<!tpu.dma_semaphore, #tpu.memory_space<semaphore_mem>>)
      %mul3A_89 = arith.constant 2 : i32
      %mul3A_90 = arith.muli %mul3A_89, %scan3A_54 : i32
      %add3A_91 = arith.constant 1 : i32
      %add3A_92 = arith.addi %mul3A_90, %add3A_91 : i32
      "tpu.region"() ({
        %run_scoped3A_93 = tpu.sem_alloc : memref<!tpu.dma_semaphore, #tpu.memory_space<semaphore_mem>>
        %dma_start3A_94 = arith.constant 0 : i32
        %dma_start3A_95 = tpu.memref_slice %arg8[%add3A_92, %dma_start3A_94] : memref<40x128xi32, #tpu.memory_space<vmem>> -> memref<1x128xi32, #tpu.memory_space<vmem>>
        %dma_start3A_96 = tpu.memref_squeeze %dma_start3A_95 : memref<1x128xi32, #tpu.memory_space<vmem>> -> memref<128xi32, #tpu.memory_space<vmem>>
        %dma_start3A_97 = arith.constant 0 : i32
        %dma_start3A_98 = arith.constant 0 : i32
        %dma_start3A_99 = tpu.memref_slice %arg11[%dma_start3A_97, %dma_start3A_98] : memref<10240x128xf32, #tpu.memory_space<vmem_shared>> -> memref<10240x128xf32, #tpu.memory_space<vmem_shared>>
        tpu.enqueue_indirect_dma source(%arg10 : memref<128x128xf32, #tpu.memory_space<vmem>>) target(%dma_start3A_99 : memref<10240x128xf32, #tpu.memory_space<vmem_shared>>) offsets(%dma_start3A_96 : memref<128xi32, #tpu.memory_space<vmem>>) semaphore(%run_scoped3A_93 : memref<!tpu.dma_semaphore, #tpu.memory_space<semaphore_mem>>) {add = true}
        %dma_wait3A_100 = arith.constant 0 : i32
        %dma_wait3A_101 = tpu.memref_slice %arg8[%add3A_92, %dma_wait3A_100] : memref<40x128xi32, #tpu.memory_space<vmem>> -> memref<1x128xi32, #tpu.memory_space<vmem>>
        %dma_wait3A_102 = tpu.memref_squeeze %dma_wait3A_101 : memref<1x128xi32, #tpu.memory_space<vmem>> -> memref<128xi32, #tpu.memory_space<vmem>>
        %dma_wait3A_103 = arith.constant 0 : i32
        %dma_wait3A_104 = arith.constant 0 : i32
        %dma_wait3A_105 = tpu.memref_slice %arg11[%dma_wait3A_103, %dma_wait3A_104] : memref<10240x128xf32, #tpu.memory_space<vmem_shared>> -> memref<10240x128xf32, #tpu.memory_space<vmem_shared>>
        tpu.wait_indirect_dma semaphore(%run_scoped3A_93 : memref<!tpu.dma_semaphore, #tpu.memory_space<semaphore_mem>>) src(%arg10 : memref<128x128xf32, #tpu.memory_space<vmem>>) dst(%dma_wait3A_105 : memref<10240x128xf32, #tpu.memory_space<vmem_shared>>)
        tpu.yield
      }) : () -> ()
    }
    %scan3A_29 = arith.constant 19 : i32
    %dma_wait3A = arith.constant 0 : i32
    %dma_wait3A_30 = arith.constant 0 : i32
    %dma_wait3A_31 = tpu.memref_slice %arg2[%dma_wait3A, %dma_wait3A_30] : memref<20000x128xf32, #tpu.memory_space<hbm>> -> memref<128x128xf32, #tpu.memory_space<hbm>>
    %dma_wait3A_32 = arith.constant 0 : i32
    %dma_wait3A_33 = arith.constant 0 : i32
    %dma_wait3A_34 = tpu.memref_slice %arg2[%dma_wait3A_32, %dma_wait3A_33] : memref<20000x128xf32, #tpu.memory_space<hbm>> -> memref<128x128xf32, #tpu.memory_space<hbm>>
    tpu.wait_dma2 semaphore(%arg12 : memref<!tpu.dma_semaphore, #tpu.memory_space<semaphore_mem>>) src(%dma_wait3A_34 : memref<128x128xf32, #tpu.memory_space<hbm>>) dst(%arg9 : memref<128x128xf32, #tpu.memory_space<vmem>>)
    %dma_start3A_35 = arith.constant 79 : i32
    %dma_start3A_36 = arith.constant 0 : i32
    %dma_start3A_37 = tpu.memref_slice %arg7[%dma_start3A_35, %dma_start3A_36] : memref<80x128xi32, #tpu.memory_space<vmem>> -> memref<1x128xi32, #tpu.memory_space<vmem>>
    %dma_start3A_38 = tpu.memref_squeeze %dma_start3A_37 : memref<1x128xi32, #tpu.memory_space<vmem>> -> memref<128xi32, #tpu.memory_space<vmem>>
    %dma_start3A_39 = arith.constant 0 : i32
    %dma_start3A_40 = arith.constant 0 : i32
    %dma_start3A_41 = tpu.memref_slice %arg2[%dma_start3A_39, %dma_start3A_40] : memref<20000x128xf32, #tpu.memory_space<hbm>> -> memref<20000x128xf32, #tpu.memory_space<hbm>>
    tpu.enqueue_indirect_dma source(%dma_start3A_41 : memref<20000x128xf32, #tpu.memory_space<hbm>>) target(%arg10 : memref<128x128xf32, #tpu.memory_space<vmem>>) offsets(%dma_start3A_38 : memref<128xi32, #tpu.memory_space<vmem>>) semaphore(%arg13 : memref<!tpu.dma_semaphore, #tpu.memory_space<semaphore_mem>>)
    %run_scoped3A = arith.constant 38 : i32
    "tpu.region"() ({
      %run_scoped3A_54 = tpu.sem_alloc : memref<!tpu.dma_semaphore, #tpu.memory_space<semaphore_mem>>
      %dma_start3A_55 = arith.constant 0 : i32
      %dma_start3A_56 = tpu.memref_slice %arg8[%run_scoped3A, %dma_start3A_55] : memref<40x128xi32, #tpu.memory_space<vmem>> -> memref<1x128xi32, #tpu.memory_space<vmem>>
      %dma_start3A_57 = tpu.memref_squeeze %dma_start3A_56 : memref<1x128xi32, #tpu.memory_space<vmem>> -> memref<128xi32, #tpu.memory_space<vmem>>
      %dma_start3A_58 = arith.constant 0 : i32
      %dma_start3A_59 = arith.constant 0 : i32
      %dma_start3A_60 = tpu.memref_slice %arg11[%dma_start3A_58, %dma_start3A_59] : memref<10240x128xf32, #tpu.memory_space<vmem_shared>> -> memref<10240x128xf32, #tpu.memory_space<vmem_shared>>
      tpu.enqueue_indirect_dma source(%arg9 : memref<128x128xf32, #tpu.memory_space<vmem>>) target(%dma_start3A_60 : memref<10240x128xf32, #tpu.memory_space<vmem_shared>>) offsets(%dma_start3A_57 : memref<128xi32, #tpu.memory_space<vmem>>) semaphore(%run_scoped3A_54 : memref<!tpu.dma_semaphore, #tpu.memory_space<semaphore_mem>>) {add = true}
      %dma_wait3A_61 = arith.constant 0 : i32
      %dma_wait3A_62 = tpu.memref_slice %arg8[%run_scoped3A, %dma_wait3A_61] : memref<40x128xi32, #tpu.memory_space<vmem>> -> memref<1x128xi32, #tpu.memory_space<vmem>>
      %dma_wait3A_63 = tpu.memref_squeeze %dma_wait3A_62 : memref<1x128xi32, #tpu.memory_space<vmem>> -> memref<128xi32, #tpu.memory_space<vmem>>
      %dma_wait3A_64 = arith.constant 0 : i32
      %dma_wait3A_65 = arith.constant 0 : i32
      %dma_wait3A_66 = tpu.memref_slice %arg11[%dma_wait3A_64, %dma_wait3A_65] : memref<10240x128xf32, #tpu.memory_space<vmem_shared>> -> memref<10240x128xf32, #tpu.memory_space<vmem_shared>>
      tpu.wait_indirect_dma semaphore(%run_scoped3A_54 : memref<!tpu.dma_semaphore, #tpu.memory_space<semaphore_mem>>) src(%arg9 : memref<128x128xf32, #tpu.memory_space<vmem>>) dst(%dma_wait3A_66 : memref<10240x128xf32, #tpu.memory_space<vmem_shared>>)
      tpu.yield
    }) : () -> ()
    %dma_wait3A_42 = arith.constant 0 : i32
    %dma_wait3A_43 = arith.constant 0 : i32
    %dma_wait3A_44 = tpu.memref_slice %arg2[%dma_wait3A_42, %dma_wait3A_43] : memref<20000x128xf32, #tpu.memory_space<hbm>> -> memref<128x128xf32, #tpu.memory_space<hbm>>
    %dma_wait3A_45 = arith.constant 0 : i32
    %dma_wait3A_46 = arith.constant 0 : i32
    %dma_wait3A_47 = tpu.memref_slice %arg2[%dma_wait3A_45, %dma_wait3A_46] : memref<20000x128xf32, #tpu.memory_space<hbm>> -> memref<128x128xf32, #tpu.memory_space<hbm>>
    tpu.wait_dma2 semaphore(%arg13 : memref<!tpu.dma_semaphore, #tpu.memory_space<semaphore_mem>>) src(%dma_wait3A_47 : memref<128x128xf32, #tpu.memory_space<hbm>>) dst(%arg10 : memref<128x128xf32, #tpu.memory_space<vmem>>)
    %run_scoped3A_48 = arith.constant 39 : i32
    "tpu.region"() ({
      %run_scoped3A_54 = tpu.sem_alloc : memref<!tpu.dma_semaphore, #tpu.memory_space<semaphore_mem>>
      %dma_start3A_55 = arith.constant 0 : i32
      %dma_start3A_56 = tpu.memref_slice %arg8[%run_scoped3A_48, %dma_start3A_55] : memref<40x128xi32, #tpu.memory_space<vmem>> -> memref<1x128xi32, #tpu.memory_space<vmem>>
      %dma_start3A_57 = tpu.memref_squeeze %dma_start3A_56 : memref<1x128xi32, #tpu.memory_space<vmem>> -> memref<128xi32, #tpu.memory_space<vmem>>
      %dma_start3A_58 = arith.constant 0 : i32
      %dma_start3A_59 = arith.constant 0 : i32
      %dma_start3A_60 = tpu.memref_slice %arg11[%dma_start3A_58, %dma_start3A_59] : memref<10240x128xf32, #tpu.memory_space<vmem_shared>> -> memref<10240x128xf32, #tpu.memory_space<vmem_shared>>
      tpu.enqueue_indirect_dma source(%arg10 : memref<128x128xf32, #tpu.memory_space<vmem>>) target(%dma_start3A_60 : memref<10240x128xf32, #tpu.memory_space<vmem_shared>>) offsets(%dma_start3A_57 : memref<128xi32, #tpu.memory_space<vmem>>) semaphore(%run_scoped3A_54 : memref<!tpu.dma_semaphore, #tpu.memory_space<semaphore_mem>>) {add = true}
      %dma_wait3A_61 = arith.constant 0 : i32
      %dma_wait3A_62 = tpu.memref_slice %arg8[%run_scoped3A_48, %dma_wait3A_61] : memref<40x128xi32, #tpu.memory_space<vmem>> -> memref<1x128xi32, #tpu.memory_space<vmem>>
      %dma_wait3A_63 = tpu.memref_squeeze %dma_wait3A_62 : memref<1x128xi32, #tpu.memory_space<vmem>> -> memref<128xi32, #tpu.memory_space<vmem>>
      %dma_wait3A_64 = arith.constant 0 : i32
      %dma_wait3A_65 = arith.constant 0 : i32
      %dma_wait3A_66 = tpu.memref_slice %arg11[%dma_wait3A_64, %dma_wait3A_65] : memref<10240x128xf32, #tpu.memory_space<vmem_shared>> -> memref<10240x128xf32, #tpu.memory_space<vmem_shared>>
      tpu.wait_indirect_dma semaphore(%run_scoped3A_54 : memref<!tpu.dma_semaphore, #tpu.memory_space<semaphore_mem>>) src(%arg10 : memref<128x128xf32, #tpu.memory_space<vmem>>) dst(%dma_wait3A_66 : memref<10240x128xf32, #tpu.memory_space<vmem_shared>>)
      tpu.yield
    }) : () -> ()
    %barrier3A_49 = arith.constant 0 : index
    tpu.barrier barrier_id(%barrier3A_49)
    %mul3A_50 = arith.constant 10240 : i32
    %mul3A_51 = arith.muli %arg0, %mul3A_50 : i32
    %add3A_52 = arith.addi %mul3A_51, %mul3A_0 : i32
    %multiple_of3A_53 = tpu.assume_multiple %add3A_52, 8 : i32
    "tpu.region"() ({
      %run_scoped3A_54 = tpu.sem_alloc : memref<!tpu.dma_semaphore, #tpu.memory_space<semaphore_mem>>
      %dma_start3A_55 = arith.constant 0 : i32
      %dma_start3A_56 = tpu.memref_slice %arg6[%multiple_of3A_53, %dma_start3A_55] : memref<20480x128xf32, #tpu.memory_space<hbm>> -> memref<640x128xf32, #tpu.memory_space<hbm>>
      %dma_start3A_57 = arith.constant 0 : i32
      %dma_start3A_58 = tpu.memref_slice %arg11[%mul3A_0, %dma_start3A_57] : memref<10240x128xf32, #tpu.memory_space<vmem_shared>> -> memref<640x128xf32, #tpu.memory_space<vmem_shared>>
      tpu.enqueue_dma source(%dma_start3A_58 : memref<640x128xf32, #tpu.memory_space<vmem_shared>>) target(%dma_start3A_56 : memref<640x128xf32, #tpu.memory_space<hbm>>) target_semaphore(%run_scoped3A_54 : memref<!tpu.dma_semaphore, #tpu.memory_space<semaphore_mem>>)
      %dma_wait3A_59 = arith.constant 0 : i32
      %dma_wait3A_60 = tpu.memref_slice %arg6[%multiple_of3A_53, %dma_wait3A_59] : memref<20480x128xf32, #tpu.memory_space<hbm>> -> memref<640x128xf32, #tpu.memory_space<hbm>>
      %dma_wait3A_61 = arith.constant 0 : i32
      %dma_wait3A_62 = tpu.memref_slice %arg11[%mul3A_0, %dma_wait3A_61] : memref<10240x128xf32, #tpu.memory_space<vmem_shared>> -> memref<640x128xf32, #tpu.memory_space<vmem_shared>>
      tpu.wait_dma2 semaphore(%run_scoped3A_54 : memref<!tpu.dma_semaphore, #tpu.memory_space<semaphore_mem>>) src(%dma_wait3A_62 : memref<640x128xf32, #tpu.memory_space<vmem_shared>>) dst(%dma_wait3A_60 : memref<640x128xf32, #tpu.memory_space<hbm>>)
      tpu.yield
    }) : () -> ()
    return
  }
}

module attributes {stable_mosaic.version = 14 : i64} {
  func.func @_prep_body(%arg0: i32, %arg1: memref<1000x256xf32, #tpu.memory_space<vmem>>, %arg2: memref<1x1000x128xf32, #tpu.memory_space<vmem>>, %arg3: memref<2x1000x128xf32, #tpu.memory_space<vmem>>) attributes {dimension_semantics = [#tpu.dimension_semantics<arbitrary>], iteration_bounds = array<i64: 10>, scalar_prefetch = 0 : i64, scratch_operands = 0 : i64, tpu.core_type = #tpu.core_type<tc>, window_params = [{transform_indices = @transform_0, window_bounds = array<i64: 1000, 256>}, {transform_indices = @transform_1, window_bounds = array<i64: 1, 1000, 128>}, {transform_indices = @transform_2, window_bounds = array<i64: 2, 1000, 128>}]} {
    %get3A = arith.constant 0 : index
    %get3A_0 = arith.constant 0 : index
    %get3A_1 = arith.constant 0 : index
    %get3A_2 = vector.load %arg2[%get3A, %get3A_0, %get3A_1] : memref<1x1000x128xf32, #tpu.memory_space<vmem>>, vector<1x1000x1xf32>
    %get3A_3 = vector.shape_cast %get3A_2 : vector<1x1000x1xf32> to vector<1000x1xf32>
    %gt3A = arith.constant 0.000000e+00 : f32
    %gt3A_4 = vector.broadcast %gt3A : f32 to vector<1000x1xf32>
    %gt3A_5 = arith.cmpf ogt, %get3A_3, %gt3A_4 : vector<1000x1xf32>
    %max3A = arith.constant 9.99999996E-13 : f32
    %max3A_6 = vector.broadcast %max3A : f32 to vector<1000x1xf32>
    %max3A_7 = arith.maximumf %get3A_3, %max3A_6 : vector<1000x1xf32>
    %rsqrt3A = math.rsqrt %max3A_7 : vector<1000x1xf32>
    %jit3A = arith.constant 0.000000e+00 : f32
    %broadcast_in_dim3A = vector.broadcast %jit3A : f32 to vector<1000x1xf32>
    %select_n3A = arith.select %gt3A_5, %rsqrt3A, %broadcast_in_dim3A : vector<1000x1xi1>, vector<1000x1xf32>
    %get3A_8 = arith.constant 0 : index
    %get3A_9 = arith.constant 0 : index
    %get3A_10 = vector.load %arg1[%get3A_8, %get3A_9] : memref<1000x256xf32, #tpu.memory_space<vmem>>, vector<1000x256xf32>
    %mul3A = vector.broadcast %select_n3A : vector<1000x1xf32> to vector<1000x256xf32>
    %mul3A_11 = arith.mulf %get3A_10, %mul3A : vector<1000x256xf32>
    %slice3A = vector.extract_strided_slice %mul3A_11 {offsets = [0, 0], sizes = [1000, 128], strides = [1, 1]} : vector<1000x256xf32> to vector<1000x128xf32>
    %swap3A = arith.constant 0 : index
    %swap3A_12 = arith.constant 0 : index
    %swap3A_13 = arith.constant 0 : index
    %swap3A_14 = vector.load %arg3[%swap3A, %swap3A_12, %swap3A_13] : memref<2x1000x128xf32, #tpu.memory_space<vmem>>, vector<1x1000x128xf32>
    %swap3A_15 = vector.shape_cast %swap3A_14 : vector<1x1000x128xf32> to vector<1000x128xf32>
    %swap3A_16 = vector.shape_cast %slice3A : vector<1000x128xf32> to vector<1x1000x128xf32>
    tpu.vector_store %arg3[%swap3A, %swap3A_12, %swap3A_13], %swap3A_16 {strides = array<i32>} : memref<2x1000x128xf32, #tpu.memory_space<vmem>>, vector<1x1000x128xf32>,
    %slice3A_17 = vector.extract_strided_slice %mul3A_11 {offsets = [0, 128], sizes = [1000, 128], strides = [1, 1]} : vector<1000x256xf32> to vector<1000x128xf32>
    %swap3A_18 = arith.constant 1 : index
    %swap3A_19 = arith.constant 0 : index
    %swap3A_20 = arith.constant 0 : index
    %swap3A_21 = vector.load %arg3[%swap3A_18, %swap3A_19, %swap3A_20] : memref<2x1000x128xf32, #tpu.memory_space<vmem>>, vector<1x1000x128xf32>
    %swap3A_22 = vector.shape_cast %swap3A_21 : vector<1x1000x128xf32> to vector<1000x128xf32>
    %swap3A_23 = vector.shape_cast %slice3A_17 : vector<1000x128xf32> to vector<1x1000x128xf32>
    tpu.vector_store %arg3[%swap3A_18, %swap3A_19, %swap3A_20], %swap3A_23 {strides = array<i32>} : memref<2x1000x128xf32, #tpu.memory_space<vmem>>, vector<1x1000x128xf32>,
    return
  }
  func.func @transform_0(%arg0: i32) -> (i32, i32) {
    %c0_i32 = arith.constant 0 : i32
    %c0_i32_0 = arith.constant 0 : i32
    return %arg0, %c0_i32 : i32, i32
  }
  func.func @transform_1(%arg0: i32) -> (i32, i32, i32) {
    %c0_i32 = arith.constant 0 : i32
    %c0_i32_0 = arith.constant 0 : i32
    %c0_i32_1 = arith.constant 0 : i32
    return %c0_i32, %arg0, %c0_i32_0 : i32, i32, i32
  }
  func.func @transform_2(%arg0: i32) -> (i32, i32, i32) {
    %c0_i32 = arith.constant 0 : i32
    %c0_i32_0 = arith.constant 0 : i32
    %c0_i32_1 = arith.constant 0 : i32
    return %c0_i32, %arg0, %c0_i32_0 : i32, i32, i32
  }
}

module attributes {stable_mosaic.version = 14 : i64} {
  func.func @_convbn_body(%arg0: i32, %arg1: memref<1x1000x128xf32, #tpu.memory_space<vmem>>, %arg2: memref<1x1000x128xf32, #tpu.memory_space<vmem>>, %arg3: memref<1x1000x128xf32, #tpu.memory_space<vmem>>, %arg4: memref<1x1000x128xf32, #tpu.memory_space<vmem>>, %arg5: memref<256x256xf32, #tpu.memory_space<vmem>>, %arg6: memref<1x256xf32, #tpu.memory_space<vmem>>, %arg7: memref<1x256xf32, #tpu.memory_space<vmem>>, %arg8: memref<1x256xf32, #tpu.memory_space<vmem>>, %arg9: memref<2x1000x128xf32, #tpu.memory_space<vmem>>, %arg10: memref<10000x256xf32, #tpu.memory_space<vmem>>, %arg11: memref<1x256xf32, #tpu.memory_space<vmem>>, %arg12: memref<1x256xf32, #tpu.memory_space<vmem>>) attributes {dimension_semantics = [#tpu.dimension_semantics<arbitrary>], iteration_bounds = array<i64: 20>, scalar_prefetch = 0 : i64, scratch_operands = 3 : i64, tpu.core_type = #tpu.core_type<tc>, window_params = [{transform_indices = @transform_0, window_bounds = array<i64: 1, 1000, 128>}, {transform_indices = @transform_1, window_bounds = array<i64: 1, 1000, 128>}, {transform_indices = @transform_2, window_bounds = array<i64: 1, 1000, 128>}, {transform_indices = @transform_3, window_bounds = array<i64: 1, 1000, 128>}, {pipeline_mode = #tpu.pipeline_mode<synchronous>, transform_indices = @transform_4, window_bounds = array<i64: 256, 256>}, {pipeline_mode = #tpu.pipeline_mode<synchronous>, transform_indices = @transform_5, window_bounds = array<i64: 1, 256>}, {pipeline_mode = #tpu.pipeline_mode<synchronous>, transform_indices = @transform_6, window_bounds = array<i64: 1, 256>}, {pipeline_mode = #tpu.pipeline_mode<synchronous>, transform_indices = @transform_7, window_bounds = array<i64: 1, 256>}, {transform_indices = @transform_8, window_bounds = array<i64: 2, 1000, 128>}]} {
    %jit3A = arith.constant 10 : i32
    %eq3A = arith.constant 0 : i32
    %eq3A_0 = arith.cmpi eq, %jit3A, %eq3A : i32
    %jit3A_1 = arith.constant 1 : i32
    %select_n3A = arith.select %eq3A_0, %jit3A_1, %jit3A : i32
    %rem3A = arith.remsi %arg0, %select_n3A : i32
    %ne3A = arith.constant 0 : i32
    %ne3A_2 = arith.cmpi ne, %rem3A, %ne3A : i32
    %lt3A = arith.constant 0 : i32
    %lt3A_3 = arith.cmpi slt, %rem3A, %lt3A : i32
    %lt3A_4 = arith.constant 0 : i32
    %lt3A_5 = arith.cmpi slt, %select_n3A, %lt3A_4 : i32
    %ne3A_6 = arith.xori %lt3A_3, %lt3A_5 : i1
    %and3A = arith.andi %ne3A_6, %ne3A_2 : i1
    %add3A = arith.addi %rem3A, %select_n3A : i32
    %select_n3A_7 = arith.select %and3A, %add3A, %rem3A : i32
    %lt3A_8 = arith.constant 10 : i32
    %lt3A_9 = arith.cmpi slt, %arg0, %lt3A_8 : i32
    %convert_element_type3A = arith.extui %lt3A_9 : i1 to i32
    %cond3A = arith.constant 0 : i32
    %cond3A_10 = arith.cmpi ne, %convert_element_type3A, %cond3A : i32
    scf.if %cond3A_10 {
      %get3A = arith.constant 0 : index
      %get3A_15 = arith.constant 0 : index
      %get3A_16 = arith.constant 0 : index
      %get3A_17 = vector.load %arg3[%get3A, %get3A_15, %get3A_16] : memref<1x1000x128xf32, #tpu.memory_space<vmem>>, vector<1x1000x1xf32>
      %get3A_18 = vector.shape_cast %get3A_17 : vector<1x1000x1xf32> to vector<1000x1xf32>
      %gt3A = arith.constant 0.000000e+00 : f32
      %gt3A_19 = vector.broadcast %gt3A : f32 to vector<1000x1xf32>
      %gt3A_20 = arith.cmpf ogt, %get3A_18, %gt3A_19 : vector<1000x1xf32>
      %max3A = arith.constant 9.99999996E-13 : f32
      %max3A_21 = vector.broadcast %max3A : f32 to vector<1000x1xf32>
      %max3A_22 = arith.maximumf %get3A_18, %max3A_21 : vector<1000x1xf32>
      %rsqrt3A = math.rsqrt %max3A_22 : vector<1000x1xf32>
      %jit3A_23 = arith.constant 0.000000e+00 : f32
      %broadcast_in_dim3A = vector.broadcast %jit3A_23 : f32 to vector<1000x1xf32>
      %select_n3A_24 = arith.select %gt3A_20, %rsqrt3A, %broadcast_in_dim3A : vector<1000x1xi1>, vector<1000x1xf32>
      %get3A_25 = arith.constant 0 : index
      %get3A_26 = arith.constant 0 : index
      %get3A_27 = arith.constant 0 : index
      %get3A_28 = vector.load %arg1[%get3A_25, %get3A_26, %get3A_27] : memref<1x1000x128xf32, #tpu.memory_space<vmem>>, vector<1x1000x128xf32>
      %get3A_29 = vector.shape_cast %get3A_28 : vector<1x1000x128xf32> to vector<1000x128xf32>
      %get3A_30 = arith.constant 0 : index
      %get3A_31 = arith.constant 0 : index
      %get3A_32 = arith.constant 0 : index
      %get3A_33 = vector.load %arg2[%get3A_30, %get3A_31, %get3A_32] : memref<1x1000x128xf32, #tpu.memory_space<vmem>>, vector<1x1000x128xf32>
      %get3A_34 = vector.shape_cast %get3A_33 : vector<1x1000x128xf32> to vector<1000x128xf32>
      %concatenate3A = tpu.concatenate %get3A_29, %get3A_34 in 1 : vector<1000x128xf32>, vector<1000x128xf32> -> vector<1000x256xf32>
      %mul3A = vector.broadcast %select_n3A_24 : vector<1000x1xf32> to vector<1000x256xf32>
      %mul3A_35 = arith.mulf %concatenate3A, %mul3A : vector<1000x256xf32>
      %get3A_36 = arith.constant 0 : index
      %get3A_37 = arith.constant 0 : index
      %get3A_38 = vector.load %arg5[%get3A_36, %get3A_37] : memref<256x256xf32, #tpu.memory_space<vmem>>, vector<256x256xf32>
      %dot_general3A = arith.constant dense<0.000000e+00> : vector<1000x256xf32>
      %dot_general3A_39 = tpu.matmul %mul3A_35, %get3A_38, %dot_general3A {dimension_numbers = #tpu.dot_dimension_numbers<[1], [0], [0], [1], [0, 0, 1, 1], [], []>, transpose_lhs_hint = false} : vector<1000x256xf32>, vector<256x256xf32>, vector<1000x256xf32> -> vector<1000x256xf32>
      %get3A_40 = arith.constant 0 : index
      %get3A_41 = arith.constant 0 : index
      %get3A_42 = vector.load %arg6[%get3A_40, %get3A_41] : memref<1x256xf32, #tpu.memory_space<vmem>>, vector<1x256xf32>
      %add3A_43 = vector.broadcast %get3A_42 : vector<1x256xf32> to vector<1000x256xf32>
      %add3A_44 = arith.addf %dot_general3A_39, %add3A_43 : vector<1000x256xf32>
      %max3A_45 = arith.constant 0.000000e+00 : f32
      %max3A_46 = vector.broadcast %max3A_45 : f32 to vector<1000x256xf32>
      %max3A_47 = arith.maximumf %add3A_44, %max3A_46 : vector<1000x256xf32>
      %mul3A_48 = arith.constant 1000 : i32
      %mul3A_49 = arith.muli %select_n3A_7, %mul3A_48 : i32
      %swap3A = arith.index_cast %mul3A_49 : i32 to index
      %swap3A_50 = arith.constant 0 : index
      %swap3A_51 = vector.load %arg10[%swap3A, %swap3A_50] : memref<10000x256xf32, #tpu.memory_space<vmem>>, vector<1000x256xf32>
      tpu.vector_store %arg10[%swap3A, %swap3A_50], %max3A_47 {strides = array<i32>} : memref<10000x256xf32, #tpu.memory_space<vmem>>, vector<1000x256xf32>,
      %eq3A_52 = arith.constant 0 : i32
      %eq3A_53 = arith.cmpi eq, %arg0, %eq3A_52 : i32
      %convert_element_type3A_54 = arith.extui %eq3A_53 : i1 to i32
      %cond3A_55 = arith.constant 0 : i32
      %cond3A_56 = arith.cmpi ne, %convert_element_type3A_54, %cond3A_55 : i32
      scf.if %cond3A_56 {
        %broadcast_in_dim3A_77 = arith.constant 0.000000e+00 : f32
        %broadcast_in_dim3A_78 = vector.broadcast %broadcast_in_dim3A_77 : f32 to vector<1x256xf32>
        %swap3A_79 = arith.constant 0 : index
        %swap3A_80 = arith.constant 0 : index
        %swap3A_81 = vector.load %arg11[%swap3A_79, %swap3A_80] : memref<1x256xf32, #tpu.memory_space<vmem>>, vector<1x256xf32>
        tpu.vector_store %arg11[%swap3A_79, %swap3A_80], %broadcast_in_dim3A_78 {strides = array<i32>} : memref<1x256xf32, #tpu.memory_space<vmem>>, vector<1x256xf32>,
        %broadcast_in_dim3A_82 = arith.constant 0.000000e+00 : f32
        %broadcast_in_dim3A_83 = vector.broadcast %broadcast_in_dim3A_82 : f32 to vector<1x256xf32>
        %swap3A_84 = arith.constant 0 : index
        %swap3A_85 = arith.constant 0 : index
        %swap3A_86 = vector.load %arg12[%swap3A_84, %swap3A_85] : memref<1x256xf32, #tpu.memory_space<vmem>>, vector<1x256xf32>
        tpu.vector_store %arg12[%swap3A_84, %swap3A_85], %broadcast_in_dim3A_83 {strides = array<i32>} : memref<1x256xf32, #tpu.memory_space<vmem>>, vector<1x256xf32>,
      } else {
      }
      %get3A_57 = arith.constant 0 : index
      %get3A_58 = arith.constant 0 : index
      %get3A_59 = vector.load %arg11[%get3A_57, %get3A_58] : memref<1x256xf32, #tpu.memory_space<vmem>>, vector<1x256xf32>
      %reduce_sum3A = arith.constant dense<0.000000e+00> : vector<256xf32>
      %reduce_sum3A_60 = vector.multi_reduction <add>, %max3A_47, %reduce_sum3A [0] : vector<1000x256xf32> to vector<256xf32>
      %broadcast_in_dim3A_61 = vector.shape_cast %reduce_sum3A_60 : vector<256xf32> to vector<1x256xf32>
      %add3A_62 = arith.addf %get3A_59, %broadcast_in_dim3A_61 : vector<1x256xf32>
      %swap3A_63 = arith.constant 0 : index
      %swap3A_64 = arith.constant 0 : index
      %swap3A_65 = vector.load %arg11[%swap3A_63, %swap3A_64] : memref<1x256xf32, #tpu.memory_space<vmem>>, vector<1x256xf32>
      tpu.vector_store %arg11[%swap3A_63, %swap3A_64], %add3A_62 {strides = array<i32>} : memref<1x256xf32, #tpu.memory_space<vmem>>, vector<1x256xf32>,
      %get3A_66 = arith.constant 0 : index
      %get3A_67 = arith.constant 0 : index
      %get3A_68 = vector.load %arg12[%get3A_66, %get3A_67] : memref<1x256xf32, #tpu.memory_space<vmem>>, vector<1x256xf32>
      %mul3A_69 = arith.mulf %max3A_47, %max3A_47 : vector<1000x256xf32>
      %reduce_sum3A_70 = arith.constant dense<0.000000e+00> : vector<256xf32>
      %reduce_sum3A_71 = vector.multi_reduction <add>, %mul3A_69, %reduce_sum3A_70 [0] : vector<1000x256xf32> to vector<256xf32>
      %broadcast_in_dim3A_72 = vector.shape_cast %reduce_sum3A_71 : vector<256xf32> to vector<1x256xf32>
      %add3A_73 = arith.addf %get3A_68, %broadcast_in_dim3A_72 : vector<1x256xf32>
      %swap3A_74 = arith.constant 0 : index
      %swap3A_75 = arith.constant 0 : index
      %swap3A_76 = vector.load %arg12[%swap3A_74, %swap3A_75] : memref<1x256xf32, #tpu.memory_space<vmem>>, vector<1x256xf32>
      tpu.vector_store %arg12[%swap3A_74, %swap3A_75], %add3A_73 {strides = array<i32>} : memref<1x256xf32, #tpu.memory_space<vmem>>, vector<1x256xf32>,
    } else {
    }
    %ge3A = arith.constant 10 : i32
    %ge3A_11 = arith.cmpi sge, %arg0, %ge3A : i32
    %convert_element_type3A_12 = arith.extui %ge3A_11 : i1 to i32
    %cond3A_13 = arith.constant 0 : i32
    %cond3A_14 = arith.cmpi ne, %convert_element_type3A_12, %cond3A_13 : i32
    scf.if %cond3A_14 {
      %mul3A = arith.constant 1000 : i32
      %mul3A_15 = arith.muli %select_n3A_7, %mul3A : i32
      %get3A = arith.index_cast %mul3A_15 : i32 to index
      %get3A_16 = arith.constant 0 : index
      %get3A_17 = vector.load %arg10[%get3A, %get3A_16] : memref<10000x256xf32, #tpu.memory_space<vmem>>, vector<1000x256xf32>
      %get3A_18 = arith.constant 0 : index
      %get3A_19 = arith.constant 0 : index
      %get3A_20 = vector.load %arg11[%get3A_18, %get3A_19] : memref<1x256xf32, #tpu.memory_space<vmem>>, vector<1x256xf32>
      %div3A = arith.constant 1.000000e+04 : f32
      %div3A_21 = vector.broadcast %div3A : f32 to vector<1x256xf32>
      %div3A_22 = arith.divf %get3A_20, %div3A_21 : vector<1x256xf32>
      %get3A_23 = arith.constant 0 : index
      %get3A_24 = arith.constant 0 : index
      %get3A_25 = vector.load %arg12[%get3A_23, %get3A_24] : memref<1x256xf32, #tpu.memory_space<vmem>>, vector<1x256xf32>
      %div3A_26 = arith.constant 1.000000e+04 : f32
      %div3A_27 = vector.broadcast %div3A_26 : f32 to vector<1x256xf32>
      %div3A_28 = arith.divf %get3A_25, %div3A_27 : vector<1x256xf32>
      %mul3A_29 = arith.mulf %div3A_22, %div3A_22 : vector<1x256xf32>
      %sub3A = arith.subf %div3A_28, %mul3A_29 : vector<1x256xf32>
      %sub3A_30 = vector.broadcast %div3A_22 : vector<1x256xf32> to vector<1000x256xf32>
      %sub3A_31 = arith.subf %get3A_17, %sub3A_30 : vector<1000x256xf32>
      %add3A_32 = arith.constant 9.99999974E-6 : f32
      %add3A_33 = vector.broadcast %add3A_32 : f32 to vector<1x256xf32>
      %add3A_34 = arith.addf %sub3A, %add3A_33 : vector<1x256xf32>
      %sqrt3A = math.sqrt %add3A_34 : vector<1x256xf32>
      %div3A_35 = vector.broadcast %sqrt3A : vector<1x256xf32> to vector<1000x256xf32>
      %div3A_36 = arith.divf %sub3A_31, %div3A_35 : vector<1000x256xf32>
      %get3A_37 = arith.constant 0 : index
      %get3A_38 = arith.constant 0 : index
      %get3A_39 = vector.load %arg7[%get3A_37, %get3A_38] : memref<1x256xf32, #tpu.memory_space<vmem>>, vector<1x256xf32>
      %mul3A_40 = vector.broadcast %get3A_39 : vector<1x256xf32> to vector<1000x256xf32>
      %mul3A_41 = arith.mulf %div3A_36, %mul3A_40 : vector<1000x256xf32>
      %get3A_42 = arith.constant 0 : index
      %get3A_43 = arith.constant 0 : index
      %get3A_44 = vector.load %arg8[%get3A_42, %get3A_43] : memref<1x256xf32, #tpu.memory_space<vmem>>, vector<1x256xf32>
      %add3A_45 = vector.broadcast %get3A_44 : vector<1x256xf32> to vector<1000x256xf32>
      %add3A_46 = arith.addf %mul3A_41, %add3A_45 : vector<1000x256xf32>
      %get3A_47 = arith.constant 0 : index
      %get3A_48 = arith.constant 0 : index
      %get3A_49 = arith.constant 0 : index
      %get3A_50 = vector.load %arg4[%get3A_47, %get3A_48, %get3A_49] : memref<1x1000x128xf32, #tpu.memory_space<vmem>>, vector<1x1000x1xf32>
      %get3A_51 = vector.shape_cast %get3A_50 : vector<1x1000x1xf32> to vector<1000x1xf32>
      %gt3A = arith.constant 0.000000e+00 : f32
      %gt3A_52 = vector.broadcast %gt3A : f32 to vector<1000x1xf32>
      %gt3A_53 = arith.cmpf ogt, %get3A_51, %gt3A_52 : vector<1000x1xf32>
      %max3A = arith.constant 9.99999996E-13 : f32
      %max3A_54 = vector.broadcast %max3A : f32 to vector<1000x1xf32>
      %max3A_55 = arith.maximumf %get3A_51, %max3A_54 : vector<1000x1xf32>
      %rsqrt3A = math.rsqrt %max3A_55 : vector<1000x1xf32>
      %jit3A_56 = arith.constant 0.000000e+00 : f32
      %broadcast_in_dim3A = vector.broadcast %jit3A_56 : f32 to vector<1000x1xf32>
      %select_n3A_57 = arith.select %gt3A_53, %rsqrt3A, %broadcast_in_dim3A : vector<1000x1xi1>, vector<1000x1xf32>
      %mul3A_58 = vector.broadcast %select_n3A_57 : vector<1000x1xf32> to vector<1000x256xf32>
      %mul3A_59 = arith.mulf %add3A_46, %mul3A_58 : vector<1000x256xf32>
      %slice3A = vector.extract_strided_slice %mul3A_59 {offsets = [0, 0], sizes = [1000, 128], strides = [1, 1]} : vector<1000x256xf32> to vector<1000x128xf32>
      %swap3A = arith.constant 0 : index
      %swap3A_60 = arith.constant 0 : index
      %swap3A_61 = arith.constant 0 : index
      %swap3A_62 = vector.load %arg9[%swap3A, %swap3A_60, %swap3A_61] : memref<2x1000x128xf32, #tpu.memory_space<vmem>>, vector<1x1000x128xf32>
      %swap3A_63 = vector.shape_cast %swap3A_62 : vector<1x1000x128xf32> to vector<1000x128xf32>
      %swap3A_64 = vector.shape_cast %slice3A : vector<1000x128xf32> to vector<1x1000x128xf32>
      tpu.vector_store %arg9[%swap3A, %swap3A_60, %swap3A_61], %swap3A_64 {strides = array<i32>} : memref<2x1000x128xf32, #tpu.memory_space<vmem>>, vector<1x1000x128xf32>,
      %slice3A_65 = vector.extract_strided_slice %mul3A_59 {offsets = [0, 128], sizes = [1000, 128], strides = [1, 1]} : vector<1000x256xf32> to vector<1000x128xf32>
      %swap3A_66 = arith.constant 1 : index
      %swap3A_67 = arith.constant 0 : index
      %swap3A_68 = arith.constant 0 : index
      %swap3A_69 = vector.load %arg9[%swap3A_66, %swap3A_67, %swap3A_68] : memref<2x1000x128xf32, #tpu.memory_space<vmem>>, vector<1x1000x128xf32>
      %swap3A_70 = vector.shape_cast %swap3A_69 : vector<1x1000x128xf32> to vector<1000x128xf32>
      %swap3A_71 = vector.shape_cast %slice3A_65 : vector<1000x128xf32> to vector<1x1000x128xf32>
      tpu.vector_store %arg9[%swap3A_66, %swap3A_67, %swap3A_68], %swap3A_71 {strides = array<i32>} : memref<2x1000x128xf32, #tpu.memory_space<vmem>>, vector<1x1000x128xf32>,
    } else {
    }
    return
  }
  func.func @transform_0(%arg0: i32) -> (i32, i32, i32) {
    %jit3A = arith.constant 10 : i32
    %eq3A = arith.constant 0 : i32
    %eq3A_0 = arith.cmpi eq, %jit3A, %eq3A : i32
    %jit3A_1 = arith.constant 1 : i32
    %select_n3A = arith.select %eq3A_0, %jit3A_1, %jit3A : i32
    %rem3A = arith.remsi %arg0, %select_n3A : i32
    %ne3A = arith.constant 0 : i32
    %ne3A_2 = arith.cmpi ne, %rem3A, %ne3A : i32
    %lt3A = arith.constant 0 : i32
    %lt3A_3 = arith.cmpi slt, %rem3A, %lt3A : i32
    %lt3A_4 = arith.constant 0 : i32
    %lt3A_5 = arith.cmpi slt, %select_n3A, %lt3A_4 : i32
    %ne3A_6 = arith.xori %lt3A_3, %lt3A_5 : i1
    %and3A = arith.andi %ne3A_6, %ne3A_2 : i1
    %add3A = arith.addi %rem3A, %select_n3A : i32
    %select_n3A_7 = arith.select %and3A, %add3A, %rem3A : i32
    %c0_i32 = arith.constant 0 : i32
    %c0_i32_8 = arith.constant 0 : i32
    %c0_i32_9 = arith.constant 0 : i32
    return %c0_i32, %select_n3A_7, %c0_i32_8 : i32, i32, i32
  }
  func.func @transform_1(%arg0: i32) -> (i32, i32, i32) {
    %jit3A = arith.constant 10 : i32
    %eq3A = arith.constant 0 : i32
    %eq3A_0 = arith.cmpi eq, %jit3A, %eq3A : i32
    %jit3A_1 = arith.constant 1 : i32
    %select_n3A = arith.select %eq3A_0, %jit3A_1, %jit3A : i32
    %rem3A = arith.remsi %arg0, %select_n3A : i32
    %ne3A = arith.constant 0 : i32
    %ne3A_2 = arith.cmpi ne, %rem3A, %ne3A : i32
    %lt3A = arith.constant 0 : i32
    %lt3A_3 = arith.cmpi slt, %rem3A, %lt3A : i32
    %lt3A_4 = arith.constant 0 : i32
    %lt3A_5 = arith.cmpi slt, %select_n3A, %lt3A_4 : i32
    %ne3A_6 = arith.xori %lt3A_3, %lt3A_5 : i1
    %and3A = arith.andi %ne3A_6, %ne3A_2 : i1
    %add3A = arith.addi %rem3A, %select_n3A : i32
    %select_n3A_7 = arith.select %and3A, %add3A, %rem3A : i32
    %c1_i32 = arith.constant 1 : i32
    %c0_i32 = arith.constant 0 : i32
    %c0_i32_8 = arith.constant 0 : i32
    return %c1_i32, %select_n3A_7, %c0_i32 : i32, i32, i32
  }
  func.func @transform_2(%arg0: i32) -> (i32, i32, i32) {
    %jit3A = arith.constant 10 : i32
    %eq3A = arith.constant 0 : i32
    %eq3A_0 = arith.cmpi eq, %jit3A, %eq3A : i32
    %jit3A_1 = arith.constant 1 : i32
    %select_n3A = arith.select %eq3A_0, %jit3A_1, %jit3A : i32
    %rem3A = arith.remsi %arg0, %select_n3A : i32
    %ne3A = arith.constant 0 : i32
    %ne3A_2 = arith.cmpi ne, %rem3A, %ne3A : i32
    %lt3A = arith.constant 0 : i32
    %lt3A_3 = arith.cmpi slt, %rem3A, %lt3A : i32
    %lt3A_4 = arith.constant 0 : i32
    %lt3A_5 = arith.cmpi slt, %select_n3A, %lt3A_4 : i32
    %ne3A_6 = arith.xori %lt3A_3, %lt3A_5 : i1
    %and3A = arith.andi %ne3A_6, %ne3A_2 : i1
    %add3A = arith.addi %rem3A, %select_n3A : i32
    %select_n3A_7 = arith.select %and3A, %add3A, %rem3A : i32
    %c1_i32 = arith.constant 1 : i32
    %c0_i32 = arith.constant 0 : i32
    %c0_i32_8 = arith.constant 0 : i32
    return %c1_i32, %select_n3A_7, %c0_i32 : i32, i32, i32
  }
  func.func @transform_3(%arg0: i32) -> (i32, i32, i32) {
    %jit3A = arith.constant 10 : i32
    %eq3A = arith.constant 0 : i32
    %eq3A_0 = arith.cmpi eq, %jit3A, %eq3A : i32
    %jit3A_1 = arith.constant 1 : i32
    %select_n3A = arith.select %eq3A_0, %jit3A_1, %jit3A : i32
    %rem3A = arith.remsi %arg0, %select_n3A : i32
    %ne3A = arith.constant 0 : i32
    %ne3A_2 = arith.cmpi ne, %rem3A, %ne3A : i32
    %lt3A = arith.constant 0 : i32
    %lt3A_3 = arith.cmpi slt, %rem3A, %lt3A : i32
    %lt3A_4 = arith.constant 0 : i32
    %lt3A_5 = arith.cmpi slt, %select_n3A, %lt3A_4 : i32
    %ne3A_6 = arith.xori %lt3A_3, %lt3A_5 : i1
    %and3A = arith.andi %ne3A_6, %ne3A_2 : i1
    %add3A = arith.addi %rem3A, %select_n3A : i32
    %select_n3A_7 = arith.select %and3A, %add3A, %rem3A : i32
    %c0_i32 = arith.constant 0 : i32
    %c0_i32_8 = arith.constant 0 : i32
    %c0_i32_9 = arith.constant 0 : i32
    return %c0_i32, %select_n3A_7, %c0_i32_8 : i32, i32, i32
  }
  func.func @transform_4(%arg0: i32) -> (i32, i32) {
    %c0_i32 = arith.constant 0 : i32
    %c0_i32_0 = arith.constant 0 : i32
    %c0_i32_1 = arith.constant 0 : i32
    return %c0_i32, %c0_i32_0 : i32, i32
  }
  func.func @transform_5(%arg0: i32) -> (i32, i32) {
    %c0_i32 = arith.constant 0 : i32
    %c0_i32_0 = arith.constant 0 : i32
    %c0_i32_1 = arith.constant 0 : i32
    return %c0_i32, %c0_i32_0 : i32, i32
  }
  func.func @transform_6(%arg0: i32) -> (i32, i32) {
    %c0_i32 = arith.constant 0 : i32
    %c0_i32_0 = arith.constant 0 : i32
    %c0_i32_1 = arith.constant 0 : i32
    return %c0_i32, %c0_i32_0 : i32, i32
  }
  func.func @transform_7(%arg0: i32) -> (i32, i32) {
    %c0_i32 = arith.constant 0 : i32
    %c0_i32_0 = arith.constant 0 : i32
    %c0_i32_1 = arith.constant 0 : i32
    return %c0_i32, %c0_i32_0 : i32, i32
  }
  func.func @transform_8(%arg0: i32) -> (i32, i32, i32) {
    %jit3A = arith.constant 10 : i32
    %eq3A = arith.constant 0 : i32
    %eq3A_0 = arith.cmpi eq, %jit3A, %eq3A : i32
    %jit3A_1 = arith.constant 1 : i32
    %select_n3A = arith.select %eq3A_0, %jit3A_1, %jit3A : i32
    %rem3A = arith.remsi %arg0, %select_n3A : i32
    %ne3A = arith.constant 0 : i32
    %ne3A_2 = arith.cmpi ne, %rem3A, %ne3A : i32
    %lt3A = arith.constant 0 : i32
    %lt3A_3 = arith.cmpi slt, %rem3A, %lt3A : i32
    %lt3A_4 = arith.constant 0 : i32
    %lt3A_5 = arith.cmpi slt, %select_n3A, %lt3A_4 : i32
    %ne3A_6 = arith.xori %lt3A_3, %lt3A_5 : i1
    %and3A = arith.andi %ne3A_6, %ne3A_2 : i1
    %add3A = arith.addi %rem3A, %select_n3A : i32
    %select_n3A_7 = arith.select %and3A, %add3A, %rem3A : i32
    %c0_i32 = arith.constant 0 : i32
    %c0_i32_8 = arith.constant 0 : i32
    %c0_i32_9 = arith.constant 0 : i32
    return %c0_i32, %select_n3A_7, %c0_i32_8 : i32, i32, i32
  }
}

module attributes {stable_mosaic.version = 14 : i64} {
  func.func @_convread_body(%arg0: i32, %arg1: memref<1x1000x128xf32, #tpu.memory_space<vmem>>, %arg2: memref<1x1000x128xf32, #tpu.memory_space<vmem>>, %arg3: memref<1x1000x128xf32, #tpu.memory_space<vmem>>, %arg4: memref<256x256xf32, #tpu.memory_space<vmem>>, %arg5: memref<1x256xf32, #tpu.memory_space<vmem>>, %arg6: memref<1x256xf32, #tpu.memory_space<vmem>>, %arg7: memref<1x256xf32, #tpu.memory_space<vmem>>, %arg8: memref<256x128xf32, #tpu.memory_space<vmem>>, %arg9: memref<1000x8xi32, #tpu.memory_space<vmem>>, %arg10: memref<1x64xf32, #tpu.memory_space<vmem>>, %arg11: memref<1x64xf32, #tpu.memory_space<vmem>>, %arg12: memref<10000x256xf32, #tpu.memory_space<vmem>>, %arg13: memref<1x256xf32, #tpu.memory_space<vmem>>, %arg14: memref<1x256xf32, #tpu.memory_space<vmem>>) attributes {dimension_semantics = [#tpu.dimension_semantics<arbitrary>], iteration_bounds = array<i64: 20>, scalar_prefetch = 0 : i64, scratch_operands = 3 : i64, tpu.core_type = #tpu.core_type<tc>, window_params = [{transform_indices = @transform_0, window_bounds = array<i64: 1, 1000, 128>}, {transform_indices = @transform_1, window_bounds = array<i64: 1, 1000, 128>}, {transform_indices = @transform_2, window_bounds = array<i64: 1, 1000, 128>}, {pipeline_mode = #tpu.pipeline_mode<synchronous>, transform_indices = @transform_3, window_bounds = array<i64: 256, 256>}, {pipeline_mode = #tpu.pipeline_mode<synchronous>, transform_indices = @transform_4, window_bounds = array<i64: 1, 256>}, {pipeline_mode = #tpu.pipeline_mode<synchronous>, transform_indices = @transform_5, window_bounds = array<i64: 1, 256>}, {pipeline_mode = #tpu.pipeline_mode<synchronous>, transform_indices = @transform_6, window_bounds = array<i64: 1, 256>}, {pipeline_mode = #tpu.pipeline_mode<synchronous>, transform_indices = @transform_7, window_bounds = array<i64: 256, 128>}, {transform_indices = @transform_8, window_bounds = array<i64: 1000, 8>}, {pipeline_mode = #tpu.pipeline_mode<synchronous>, transform_indices = @transform_9, window_bounds = array<i64: 1, 64>}, {pipeline_mode = #tpu.pipeline_mode<synchronous>, transform_indices = @transform_10, window_bounds = array<i64: 1, 64>}]} {
    %jit3A = arith.constant 10 : i32
    %eq3A = arith.constant 0 : i32
    %eq3A_0 = arith.cmpi eq, %jit3A, %eq3A : i32
    %jit3A_1 = arith.constant 1 : i32
    %select_n3A = arith.select %eq3A_0, %jit3A_1, %jit3A : i32
    %rem3A = arith.remsi %arg0, %select_n3A : i32
    %ne3A = arith.constant 0 : i32
    %ne3A_2 = arith.cmpi ne, %rem3A, %ne3A : i32
    %lt3A = arith.constant 0 : i32
    %lt3A_3 = arith.cmpi slt, %rem3A, %lt3A : i32
    %lt3A_4 = arith.constant 0 : i32
    %lt3A_5 = arith.cmpi slt, %select_n3A, %lt3A_4 : i32
    %ne3A_6 = arith.xori %lt3A_3, %lt3A_5 : i1
    %and3A = arith.andi %ne3A_6, %ne3A_2 : i1
    %add3A = arith.addi %rem3A, %select_n3A : i32
    %select_n3A_7 = arith.select %and3A, %add3A, %rem3A : i32
    %lt3A_8 = arith.constant 10 : i32
    %lt3A_9 = arith.cmpi slt, %arg0, %lt3A_8 : i32
    %convert_element_type3A = arith.extui %lt3A_9 : i1 to i32
    %cond3A = arith.constant 0 : i32
    %cond3A_10 = arith.cmpi ne, %convert_element_type3A, %cond3A : i32
    scf.if %cond3A_10 {
      %get3A = arith.constant 0 : index
      %get3A_15 = arith.constant 0 : index
      %get3A_16 = arith.constant 0 : index
      %get3A_17 = vector.load %arg3[%get3A, %get3A_15, %get3A_16] : memref<1x1000x128xf32, #tpu.memory_space<vmem>>, vector<1x1000x1xf32>
      %get3A_18 = vector.shape_cast %get3A_17 : vector<1x1000x1xf32> to vector<1000x1xf32>
      %gt3A = arith.constant 0.000000e+00 : f32
      %gt3A_19 = vector.broadcast %gt3A : f32 to vector<1000x1xf32>
      %gt3A_20 = arith.cmpf ogt, %get3A_18, %gt3A_19 : vector<1000x1xf32>
      %max3A = arith.constant 9.99999996E-13 : f32
      %max3A_21 = vector.broadcast %max3A : f32 to vector<1000x1xf32>
      %max3A_22 = arith.maximumf %get3A_18, %max3A_21 : vector<1000x1xf32>
      %rsqrt3A = math.rsqrt %max3A_22 : vector<1000x1xf32>
      %jit3A_23 = arith.constant 0.000000e+00 : f32
      %broadcast_in_dim3A = vector.broadcast %jit3A_23 : f32 to vector<1000x1xf32>
      %select_n3A_24 = arith.select %gt3A_20, %rsqrt3A, %broadcast_in_dim3A : vector<1000x1xi1>, vector<1000x1xf32>
      %get3A_25 = arith.constant 0 : index
      %get3A_26 = arith.constant 0 : index
      %get3A_27 = arith.constant 0 : index
      %get3A_28 = vector.load %arg1[%get3A_25, %get3A_26, %get3A_27] : memref<1x1000x128xf32, #tpu.memory_space<vmem>>, vector<1x1000x128xf32>
      %get3A_29 = vector.shape_cast %get3A_28 : vector<1x1000x128xf32> to vector<1000x128xf32>
      %get3A_30 = arith.constant 0 : index
      %get3A_31 = arith.constant 0 : index
      %get3A_32 = arith.constant 0 : index
      %get3A_33 = vector.load %arg2[%get3A_30, %get3A_31, %get3A_32] : memref<1x1000x128xf32, #tpu.memory_space<vmem>>, vector<1x1000x128xf32>
      %get3A_34 = vector.shape_cast %get3A_33 : vector<1x1000x128xf32> to vector<1000x128xf32>
      %concatenate3A = tpu.concatenate %get3A_29, %get3A_34 in 1 : vector<1000x128xf32>, vector<1000x128xf32> -> vector<1000x256xf32>
      %mul3A = vector.broadcast %select_n3A_24 : vector<1000x1xf32> to vector<1000x256xf32>
      %mul3A_35 = arith.mulf %concatenate3A, %mul3A : vector<1000x256xf32>
      %get3A_36 = arith.constant 0 : index
      %get3A_37 = arith.constant 0 : index
      %get3A_38 = vector.load %arg4[%get3A_36, %get3A_37] : memref<256x256xf32, #tpu.memory_space<vmem>>, vector<256x256xf32>
      %dot_general3A = arith.constant dense<0.000000e+00> : vector<1000x256xf32>
      %dot_general3A_39 = tpu.matmul %mul3A_35, %get3A_38, %dot_general3A {dimension_numbers = #tpu.dot_dimension_numbers<[1], [0], [0], [1], [0, 0, 1, 1], [], []>, transpose_lhs_hint = false} : vector<1000x256xf32>, vector<256x256xf32>, vector<1000x256xf32> -> vector<1000x256xf32>
      %get3A_40 = arith.constant 0 : index
      %get3A_41 = arith.constant 0 : index
      %get3A_42 = vector.load %arg5[%get3A_40, %get3A_41] : memref<1x256xf32, #tpu.memory_space<vmem>>, vector<1x256xf32>
      %add3A_43 = vector.broadcast %get3A_42 : vector<1x256xf32> to vector<1000x256xf32>
      %add3A_44 = arith.addf %dot_general3A_39, %add3A_43 : vector<1000x256xf32>
      %max3A_45 = arith.constant 0.000000e+00 : f32
      %max3A_46 = vector.broadcast %max3A_45 : f32 to vector<1000x256xf32>
      %max3A_47 = arith.maximumf %add3A_44, %max3A_46 : vector<1000x256xf32>
      %mul3A_48 = arith.constant 1000 : i32
      %mul3A_49 = arith.muli %select_n3A_7, %mul3A_48 : i32
      %swap3A = arith.index_cast %mul3A_49 : i32 to index
      %swap3A_50 = arith.constant 0 : index
      %swap3A_51 = vector.load %arg12[%swap3A, %swap3A_50] : memref<10000x256xf32, #tpu.memory_space<vmem>>, vector<1000x256xf32>
      tpu.vector_store %arg12[%swap3A, %swap3A_50], %max3A_47 {strides = array<i32>} : memref<10000x256xf32, #tpu.memory_space<vmem>>, vector<1000x256xf32>,
      %eq3A_52 = arith.constant 0 : i32
      %eq3A_53 = arith.cmpi eq, %arg0, %eq3A_52 : i32
      %convert_element_type3A_54 = arith.extui %eq3A_53 : i1 to i32
      %cond3A_55 = arith.constant 0 : i32
      %cond3A_56 = arith.cmpi ne, %convert_element_type3A_54, %cond3A_55 : i32
      scf.if %cond3A_56 {
        %broadcast_in_dim3A_77 = arith.constant 0.000000e+00 : f32
        %broadcast_in_dim3A_78 = vector.broadcast %broadcast_in_dim3A_77 : f32 to vector<1x256xf32>
        %swap3A_79 = arith.constant 0 : index
        %swap3A_80 = arith.constant 0 : index
        %swap3A_81 = vector.load %arg13[%swap3A_79, %swap3A_80] : memref<1x256xf32, #tpu.memory_space<vmem>>, vector<1x256xf32>
        tpu.vector_store %arg13[%swap3A_79, %swap3A_80], %broadcast_in_dim3A_78 {strides = array<i32>} : memref<1x256xf32, #tpu.memory_space<vmem>>, vector<1x256xf32>,
        %broadcast_in_dim3A_82 = arith.constant 0.000000e+00 : f32
        %broadcast_in_dim3A_83 = vector.broadcast %broadcast_in_dim3A_82 : f32 to vector<1x256xf32>
        %swap3A_84 = arith.constant 0 : index
        %swap3A_85 = arith.constant 0 : index
        %swap3A_86 = vector.load %arg14[%swap3A_84, %swap3A_85] : memref<1x256xf32, #tpu.memory_space<vmem>>, vector<1x256xf32>
        tpu.vector_store %arg14[%swap3A_84, %swap3A_85], %broadcast_in_dim3A_83 {strides = array<i32>} : memref<1x256xf32, #tpu.memory_space<vmem>>, vector<1x256xf32>,
      } else {
      }
      %get3A_57 = arith.constant 0 : index
      %get3A_58 = arith.constant 0 : index
      %get3A_59 = vector.load %arg13[%get3A_57, %get3A_58] : memref<1x256xf32, #tpu.memory_space<vmem>>, vector<1x256xf32>
      %reduce_sum3A = arith.constant dense<0.000000e+00> : vector<256xf32>
      %reduce_sum3A_60 = vector.multi_reduction <add>, %max3A_47, %reduce_sum3A [0] : vector<1000x256xf32> to vector<256xf32>
      %broadcast_in_dim3A_61 = vector.shape_cast %reduce_sum3A_60 : vector<256xf32> to vector<1x256xf32>
      %add3A_62 = arith.addf %get3A_59, %broadcast_in_dim3A_61 : vector<1x256xf32>
      %swap3A_63 = arith.constant 0 : index
      %swap3A_64 = arith.constant 0 : index
      %swap3A_65 = vector.load %arg13[%swap3A_63, %swap3A_64] : memref<1x256xf32, #tpu.memory_space<vmem>>, vector<1x256xf32>
      tpu.vector_store %arg13[%swap3A_63, %swap3A_64], %add3A_62 {strides = array<i32>} : memref<1x256xf32, #tpu.memory_space<vmem>>, vector<1x256xf32>,
      %get3A_66 = arith.constant 0 : index
      %get3A_67 = arith.constant 0 : index
      %get3A_68 = vector.load %arg14[%get3A_66, %get3A_67] : memref<1x256xf32, #tpu.memory_space<vmem>>, vector<1x256xf32>
      %mul3A_69 = arith.mulf %max3A_47, %max3A_47 : vector<1000x256xf32>
      %reduce_sum3A_70 = arith.constant dense<0.000000e+00> : vector<256xf32>
      %reduce_sum3A_71 = vector.multi_reduction <add>, %mul3A_69, %reduce_sum3A_70 [0] : vector<1000x256xf32> to vector<256xf32>
      %broadcast_in_dim3A_72 = vector.shape_cast %reduce_sum3A_71 : vector<256xf32> to vector<1x256xf32>
      %add3A_73 = arith.addf %get3A_68, %broadcast_in_dim3A_72 : vector<1x256xf32>
      %swap3A_74 = arith.constant 0 : index
      %swap3A_75 = arith.constant 0 : index
      %swap3A_76 = vector.load %arg14[%swap3A_74, %swap3A_75] : memref<1x256xf32, #tpu.memory_space<vmem>>, vector<1x256xf32>
      tpu.vector_store %arg14[%swap3A_74, %swap3A_75], %add3A_73 {strides = array<i32>} : memref<1x256xf32, #tpu.memory_space<vmem>>, vector<1x256xf32>,
    } else {
    }
    %ge3A = arith.constant 10 : i32
    %ge3A_11 = arith.cmpi sge, %arg0, %ge3A : i32
    %convert_element_type3A_12 = arith.extui %ge3A_11 : i1 to i32
    %cond3A_13 = arith.constant 0 : i32
    %cond3A_14 = arith.cmpi ne, %convert_element_type3A_12, %cond3A_13 : i32
    scf.if %cond3A_14 {
      %mul3A = arith.constant 1000 : i32
      %mul3A_15 = arith.muli %select_n3A_7, %mul3A : i32
      %get3A = arith.index_cast %mul3A_15 : i32 to index
      %get3A_16 = arith.constant 0 : index
      %get3A_17 = vector.load %arg12[%get3A, %get3A_16] : memref<10000x256xf32, #tpu.memory_space<vmem>>, vector<1000x256xf32>
      %get3A_18 = arith.constant 0 : index
      %get3A_19 = arith.constant 0 : index
      %get3A_20 = vector.load %arg13[%get3A_18, %get3A_19] : memref<1x256xf32, #tpu.memory_space<vmem>>, vector<1x256xf32>
      %div3A = arith.constant 1.000000e+04 : f32
      %div3A_21 = vector.broadcast %div3A : f32 to vector<1x256xf32>
      %div3A_22 = arith.divf %get3A_20, %div3A_21 : vector<1x256xf32>
      %get3A_23 = arith.constant 0 : index
      %get3A_24 = arith.constant 0 : index
      %get3A_25 = vector.load %arg14[%get3A_23, %get3A_24] : memref<1x256xf32, #tpu.memory_space<vmem>>, vector<1x256xf32>
      %div3A_26 = arith.constant 1.000000e+04 : f32
      %div3A_27 = vector.broadcast %div3A_26 : f32 to vector<1x256xf32>
      %div3A_28 = arith.divf %get3A_25, %div3A_27 : vector<1x256xf32>
      %mul3A_29 = arith.mulf %div3A_22, %div3A_22 : vector<1x256xf32>
      %sub3A = arith.subf %div3A_28, %mul3A_29 : vector<1x256xf32>
      %sub3A_30 = vector.broadcast %div3A_22 : vector<1x256xf32> to vector<1000x256xf32>
      %sub3A_31 = arith.subf %get3A_17, %sub3A_30 : vector<1000x256xf32>
      %add3A_32 = arith.constant 9.99999974E-6 : f32
      %add3A_33 = vector.broadcast %add3A_32 : f32 to vector<1x256xf32>
      %add3A_34 = arith.addf %sub3A, %add3A_33 : vector<1x256xf32>
      %sqrt3A = math.sqrt %add3A_34 : vector<1x256xf32>
      %div3A_35 = vector.broadcast %sqrt3A : vector<1x256xf32> to vector<1000x256xf32>
      %div3A_36 = arith.divf %sub3A_31, %div3A_35 : vector<1000x256xf32>
      %get3A_37 = arith.constant 0 : index
      %get3A_38 = arith.constant 0 : index
      %get3A_39 = vector.load %arg6[%get3A_37, %get3A_38] : memref<1x256xf32, #tpu.memory_space<vmem>>, vector<1x256xf32>
      %mul3A_40 = vector.broadcast %get3A_39 : vector<1x256xf32> to vector<1000x256xf32>
      %mul3A_41 = arith.mulf %div3A_36, %mul3A_40 : vector<1000x256xf32>
      %get3A_42 = arith.constant 0 : index
      %get3A_43 = arith.constant 0 : index
      %get3A_44 = vector.load %arg7[%get3A_42, %get3A_43] : memref<1x256xf32, #tpu.memory_space<vmem>>, vector<1x256xf32>
      %add3A_45 = vector.broadcast %get3A_44 : vector<1x256xf32> to vector<1000x256xf32>
      %add3A_46 = arith.addf %mul3A_41, %add3A_45 : vector<1000x256xf32>
      %get3A_47 = arith.constant 0 : index
      %get3A_48 = arith.constant 0 : index
      %get3A_49 = vector.load %arg8[%get3A_47, %get3A_48] : memref<256x128xf32, #tpu.memory_space<vmem>>, vector<256x128xf32>
      %dot_general3A = arith.constant dense<0.000000e+00> : vector<1000x128xf32>
      %dot_general3A_50 = tpu.matmul %add3A_46, %get3A_49, %dot_general3A {dimension_numbers = #tpu.dot_dimension_numbers<[1], [0], [0], [1], [0, 0, 1, 1], [], []>, transpose_lhs_hint = false} : vector<1000x256xf32>, vector<256x128xf32>, vector<1000x128xf32> -> vector<1000x128xf32>
      %slice3A = vector.extract_strided_slice %dot_general3A_50 {offsets = [0, 0], sizes = [1000, 1], strides = [1, 1]} : vector<1000x128xf32> to vector<1000x1xf32>
      %get3A_51 = arith.constant 0 : index
      %get3A_52 = arith.constant 0 : index
      %get3A_53 = vector.load %arg9[%get3A_51, %get3A_52] : memref<1000x8xi32, #tpu.memory_space<vmem>>, vector<1000x1xi32>
      %iota3A = tpu.iota {dimensions = array<i32: 1>} : vector<1000x64xi32>
      %eq3A_54 = vector.broadcast %get3A_53 : vector<1000x1xi32> to vector<1000x64xi32>
      %eq3A_55 = arith.cmpi eq, %eq3A_54, %iota3A : vector<1000x64xi32>
      %convert_element_type3A_56 = arith.extui %eq3A_55 : vector<1000x64xi1> to vector<1000x64xi32>
      %convert_element_type3A_57 = arith.sitofp %convert_element_type3A_56 : vector<1000x64xi32> to vector<1000x64xf32>
      %mul3A_58 = vector.broadcast %slice3A : vector<1000x1xf32> to vector<1000x64xf32>
      %mul3A_59 = arith.mulf %convert_element_type3A_57, %mul3A_58 : vector<1000x64xf32>
      %reduce_sum3A = arith.constant dense<0.000000e+00> : vector<64xf32>
      %reduce_sum3A_60 = vector.multi_reduction <add>, %mul3A_59, %reduce_sum3A [0] : vector<1000x64xf32> to vector<64xf32>
      %broadcast_in_dim3A = vector.shape_cast %reduce_sum3A_60 : vector<64xf32> to vector<1x64xf32>
      %eq3A_61 = arith.constant 10 : i32
      %eq3A_62 = arith.cmpi eq, %arg0, %eq3A_61 : i32
      %convert_element_type3A_63 = arith.extui %eq3A_62 : i1 to i32
      %cond3A_64 = arith.constant 0 : i32
      %cond3A_65 = arith.cmpi ne, %convert_element_type3A_63, %cond3A_64 : i32
      scf.if %cond3A_65 {
        %broadcast_in_dim3A_77 = arith.constant 0.000000e+00 : f32
        %broadcast_in_dim3A_78 = vector.broadcast %broadcast_in_dim3A_77 : f32 to vector<1x64xf32>
        %swap3A_79 = arith.constant 0 : index
        %swap3A_80 = arith.constant 0 : index
        %swap3A_81 = vector.load %arg11[%swap3A_79, %swap3A_80] : memref<1x64xf32, #tpu.memory_space<vmem>>, vector<1x64xf32>
        tpu.vector_store %arg11[%swap3A_79, %swap3A_80], %broadcast_in_dim3A_78 {strides = array<i32>} : memref<1x64xf32, #tpu.memory_space<vmem>>, vector<1x64xf32>,
      } else {
      }
      %get3A_66 = arith.constant 0 : index
      %get3A_67 = arith.constant 0 : index
      %get3A_68 = vector.load %arg11[%get3A_66, %get3A_67] : memref<1x64xf32, #tpu.memory_space<vmem>>, vector<1x64xf32>
      %add3A_69 = arith.addf %get3A_68, %broadcast_in_dim3A : vector<1x64xf32>
      %swap3A = arith.constant 0 : index
      %swap3A_70 = arith.constant 0 : index
      %swap3A_71 = vector.load %arg11[%swap3A, %swap3A_70] : memref<1x64xf32, #tpu.memory_space<vmem>>, vector<1x64xf32>
      tpu.vector_store %arg11[%swap3A, %swap3A_70], %add3A_69 {strides = array<i32>} : memref<1x64xf32, #tpu.memory_space<vmem>>, vector<1x64xf32>,
      %eq3A_72 = arith.constant 19 : i32
      %eq3A_73 = arith.cmpi eq, %arg0, %eq3A_72 : i32
      %convert_element_type3A_74 = arith.extui %eq3A_73 : i1 to i32
      %cond3A_75 = arith.constant 0 : i32
      %cond3A_76 = arith.cmpi ne, %convert_element_type3A_74, %cond3A_75 : i32
      scf.if %cond3A_76 {
        %get3A_77 = arith.constant 0 : index
        %get3A_78 = arith.constant 0 : index
        %get3A_79 = vector.load %arg11[%get3A_77, %get3A_78] : memref<1x64xf32, #tpu.memory_space<vmem>>, vector<1x64xf32>
        %get3A_80 = arith.constant 0 : index
        %get3A_81 = arith.constant 0 : index
        %get3A_82 = vector.load %arg10[%get3A_80, %get3A_81] : memref<1x64xf32, #tpu.memory_space<vmem>>, vector<1x64xf32>
        %add3A_83 = arith.addf %get3A_79, %get3A_82 : vector<1x64xf32>
        %logistic3A = arith.negf %add3A_83 : vector<1x64xf32>
        %logistic3A_84 = math.exp %logistic3A : vector<1x64xf32>
        %logistic3A_85 = arith.constant 1.000000e+00 : f32
        %logistic3A_86 = vector.broadcast %logistic3A_85 : f32 to vector<1x64xf32>
        %logistic3A_87 = arith.addf %logistic3A_86, %logistic3A_84 : vector<1x64xf32>
        %logistic3A_88 = arith.divf %logistic3A_86, %logistic3A_87 : vector<1x64xf32>
        %swap3A_89 = arith.constant 0 : index
        %swap3A_90 = arith.constant 0 : index
        %swap3A_91 = vector.load %arg11[%swap3A_89, %swap3A_90] : memref<1x64xf32, #tpu.memory_space<vmem>>, vector<1x64xf32>
        tpu.vector_store %arg11[%swap3A_89, %swap3A_90], %logistic3A_88 {strides = array<i32>} : memref<1x64xf32, #tpu.memory_space<vmem>>, vector<1x64xf32>,
      } else {
      }
    } else {
    }
    return
  }
  func.func @transform_0(%arg0: i32) -> (i32, i32, i32) {
    %jit3A = arith.constant 10 : i32
    %eq3A = arith.constant 0 : i32
    %eq3A_0 = arith.cmpi eq, %jit3A, %eq3A : i32
    %jit3A_1 = arith.constant 1 : i32
    %select_n3A = arith.select %eq3A_0, %jit3A_1, %jit3A : i32
    %rem3A = arith.remsi %arg0, %select_n3A : i32
    %ne3A = arith.constant 0 : i32
    %ne3A_2 = arith.cmpi ne, %rem3A, %ne3A : i32
    %lt3A = arith.constant 0 : i32
    %lt3A_3 = arith.cmpi slt, %rem3A, %lt3A : i32
    %lt3A_4 = arith.constant 0 : i32
    %lt3A_5 = arith.cmpi slt, %select_n3A, %lt3A_4 : i32
    %ne3A_6 = arith.xori %lt3A_3, %lt3A_5 : i1
    %and3A = arith.andi %ne3A_6, %ne3A_2 : i1
    %add3A = arith.addi %rem3A, %select_n3A : i32
    %select_n3A_7 = arith.select %and3A, %add3A, %rem3A : i32
    %c0_i32 = arith.constant 0 : i32
    %c0_i32_8 = arith.constant 0 : i32
    %c0_i32_9 = arith.constant 0 : i32
    return %c0_i32, %select_n3A_7, %c0_i32_8 : i32, i32, i32
  }
  func.func @transform_1(%arg0: i32) -> (i32, i32, i32) {
    %jit3A = arith.constant 10 : i32
    %eq3A = arith.constant 0 : i32
    %eq3A_0 = arith.cmpi eq, %jit3A, %eq3A : i32
    %jit3A_1 = arith.constant 1 : i32
    %select_n3A = arith.select %eq3A_0, %jit3A_1, %jit3A : i32
    %rem3A = arith.remsi %arg0, %select_n3A : i32
    %ne3A = arith.constant 0 : i32
    %ne3A_2 = arith.cmpi ne, %rem3A, %ne3A : i32
    %lt3A = arith.constant 0 : i32
    %lt3A_3 = arith.cmpi slt, %rem3A, %lt3A : i32
    %lt3A_4 = arith.constant 0 : i32
    %lt3A_5 = arith.cmpi slt, %select_n3A, %lt3A_4 : i32
    %ne3A_6 = arith.xori %lt3A_3, %lt3A_5 : i1
    %and3A = arith.andi %ne3A_6, %ne3A_2 : i1
    %add3A = arith.addi %rem3A, %select_n3A : i32
    %select_n3A_7 = arith.select %and3A, %add3A, %rem3A : i32
    %c1_i32 = arith.constant 1 : i32
    %c0_i32 = arith.constant 0 : i32
    %c0_i32_8 = arith.constant 0 : i32
    return %c1_i32, %select_n3A_7, %c0_i32 : i32, i32, i32
  }
  func.func @transform_2(%arg0: i32) -> (i32, i32, i32) {
    %jit3A = arith.constant 10 : i32
    %eq3A = arith.constant 0 : i32
    %eq3A_0 = arith.cmpi eq, %jit3A, %eq3A : i32
    %jit3A_1 = arith.constant 1 : i32
    %select_n3A = arith.select %eq3A_0, %jit3A_1, %jit3A : i32
    %rem3A = arith.remsi %arg0, %select_n3A : i32
    %ne3A = arith.constant 0 : i32
    %ne3A_2 = arith.cmpi ne, %rem3A, %ne3A : i32
    %lt3A = arith.constant 0 : i32
    %lt3A_3 = arith.cmpi slt, %rem3A, %lt3A : i32
    %lt3A_4 = arith.constant 0 : i32
    %lt3A_5 = arith.cmpi slt, %select_n3A, %lt3A_4 : i32
    %ne3A_6 = arith.xori %lt3A_3, %lt3A_5 : i1
    %and3A = arith.andi %ne3A_6, %ne3A_2 : i1
    %add3A = arith.addi %rem3A, %select_n3A : i32
    %select_n3A_7 = arith.select %and3A, %add3A, %rem3A : i32
    %c1_i32 = arith.constant 1 : i32
    %c0_i32 = arith.constant 0 : i32
    %c0_i32_8 = arith.constant 0 : i32
    return %c1_i32, %select_n3A_7, %c0_i32 : i32, i32, i32
  }
  func.func @transform_3(%arg0: i32) -> (i32, i32) {
    %c0_i32 = arith.constant 0 : i32
    %c0_i32_0 = arith.constant 0 : i32
    %c0_i32_1 = arith.constant 0 : i32
    return %c0_i32, %c0_i32_0 : i32, i32
  }
  func.func @transform_4(%arg0: i32) -> (i32, i32) {
    %c0_i32 = arith.constant 0 : i32
    %c0_i32_0 = arith.constant 0 : i32
    %c0_i32_1 = arith.constant 0 : i32
    return %c0_i32, %c0_i32_0 : i32, i32
  }
  func.func @transform_5(%arg0: i32) -> (i32, i32) {
    %c0_i32 = arith.constant 0 : i32
    %c0_i32_0 = arith.constant 0 : i32
    %c0_i32_1 = arith.constant 0 : i32
    return %c0_i32, %c0_i32_0 : i32, i32
  }
  func.func @transform_6(%arg0: i32) -> (i32, i32) {
    %c0_i32 = arith.constant 0 : i32
    %c0_i32_0 = arith.constant 0 : i32
    %c0_i32_1 = arith.constant 0 : i32
    return %c0_i32, %c0_i32_0 : i32, i32
  }
  func.func @transform_7(%arg0: i32) -> (i32, i32) {
    %c0_i32 = arith.constant 0 : i32
    %c0_i32_0 = arith.constant 0 : i32
    %c0_i32_1 = arith.constant 0 : i32
    return %c0_i32, %c0_i32_0 : i32, i32
  }
  func.func @transform_8(%arg0: i32) -> (i32, i32) {
    %jit3A = arith.constant 10 : i32
    %eq3A = arith.constant 0 : i32
    %eq3A_0 = arith.cmpi eq, %jit3A, %eq3A : i32
    %jit3A_1 = arith.constant 1 : i32
    %select_n3A = arith.select %eq3A_0, %jit3A_1, %jit3A : i32
    %rem3A = arith.remsi %arg0, %select_n3A : i32
    %ne3A = arith.constant 0 : i32
    %ne3A_2 = arith.cmpi ne, %rem3A, %ne3A : i32
    %lt3A = arith.constant 0 : i32
    %lt3A_3 = arith.cmpi slt, %rem3A, %lt3A : i32
    %lt3A_4 = arith.constant 0 : i32
    %lt3A_5 = arith.cmpi slt, %select_n3A, %lt3A_4 : i32
    %ne3A_6 = arith.xori %lt3A_3, %lt3A_5 : i1
    %and3A = arith.andi %ne3A_6, %ne3A_2 : i1
    %add3A = arith.addi %rem3A, %select_n3A : i32
    %select_n3A_7 = arith.select %and3A, %add3A, %rem3A : i32
    %c0_i32 = arith.constant 0 : i32
    %c0_i32_8 = arith.constant 0 : i32
    return %select_n3A_7, %c0_i32 : i32, i32
  }
  func.func @transform_9(%arg0: i32) -> (i32, i32) {
    %c0_i32 = arith.constant 0 : i32
    %c0_i32_0 = arith.constant 0 : i32
    %c0_i32_1 = arith.constant 0 : i32
    return %c0_i32, %c0_i32_0 : i32, i32
  }
  func.func @transform_10(%arg0: i32) -> (i32, i32) {
    %c0_i32 = arith.constant 0 : i32
    %c0_i32_0 = arith.constant 0 : i32
    %c0_i32_1 = arith.constant 0 : i32
    return %c0_i32, %c0_i32_0 : i32, i32
  }
}

</mosaic_0001>

<sc_bundles>
// kernel: kernel.11.cloned.1.call-start
scs
__scs_entry_jumppad:
0x0: {  	(pc) =	sbr.rel $0x88, $3  }
0x1: {  	(tag) =	ssettag $0x0;
	lr =	simm.s32 $0x1  }
0x2: {  	[smem:$0x3F94] =	sst lr;
	_ =	strace $0xD0000000  }
0x3: {  	_ = 	snop  }
0x4: {  	_ = 	snop  }
0x5: {  	_ = 	snop  }
0x6: {  	_ = 	snop  }
0x7: {  	_ = 	snop  }
__scs_overlays_trampoline_lowered:
0x8: {  	[smem:$0x3FA3] =	sst s0  }
0x9: {  	[smem:$0x3FA4] =	sst s1  }
0xa: {  	[smem:$0x3FA5] =	sst s2  }
0xb: {  	[smem:$0x3FA6] =	sst s3  }
0xc: {  	[smem:$0x3FA7] =	sst s4  }
0xd: {  	[smem:$0x3FA8] =	sst s5  }
0xe: {  	[smem:$0x3FA9] =	sst s6  }
0xf: {  	[smem:$0x3FAA] =	sst s7  }
0x10: {  	[smem:$0x3FAB] =	sst s8  }
0x11: {  	[smem:$0x3FAC] =	sst s9;
	s0 =	simm.s32 @!p0 $0x0  }
0x12: {  	s1 =	sld [smem:$0x3F92];
	s0 =	simm.s32 @p0 $0x1  }
0x13: {  	[smem:$0x3FAD] =	sst s0;
	s0 =	simm.s32 @!p1 $0x0  }
0x14: {  	s2 =	sld [smem:$0x3F91];
	s0 =	simm.s32 @p1 $0x1  }
0x15: {  	[smem:$0x3FAE] =	sst s0;
	s0 =	simm.s32 @!p2 $0x0  }
0x16: {  	s3 =	sld [smem:$0x3FDB];
	s0 =	simm.s32 @p2 $0x1  }
0x17: {  	s4 =	simm.s32 $0x1BF5;
	[smem:$0x3FB0] =	sst s0  }
0x18: {  	s0 =	sld [smem:$0x3F93];
	_ =	swait.ge [sflag:s4], $0x0  }
0x19: {  	s7 =	sld [smem:$0x3F94]  }
0x1a: {  	s8 =	sadd.s32 $0xFFFFE003, lr  }
0x1b: {  	s9 =	sadd.s32 $0xFFFFFEF7, lr;
	s5 =	simm.s32 $0xFFFFFFFF;
	p2 =	slt.u32 s8, $0xFFFFF086  }
0x1c: {  	p1 =	slt.u32 s9, $0xF7A;
	s5 =	simm.s32 @!p2 $0x0  }
0x1d: {  	s5 =	simm.s32 @p1 $0x1;
	p0 =	seq.s32 s7, s2  }
0x1e: {  	s7 =	smul.u32 @!p0 $0xF7A, s2;
	p2 =	seq.s32 @!p0 s5, $0x0  }
0x1f: {  	s9 =	smul.u32 $0xF7A, s1;
	s8 =	simm.s32 @!p0 $0x1BF5;
	p2 =	por !p2, p0  }
0x20: {  	[sflag:s8] =	ssyncset.s32 @!p0 $0xFFFFF086;
	s6 =	sadd.s32 @!p0 s3, s7;
	s7 =	simm.s32 @!p0 $0x108  }
0x21: {  	s3 =	sadd.s32 s3, s9;
	s6 =	sadd.s32 @!p0 $0x88, s6;
	s7 =	simm.s32 @p2 $0x1082  }
0x22: {  	[simem:s7], [sflag:s8] =	dma.local @!p0 [hbm:s6], $0xF7A  }
0x23: {  	s9 =	sor.u32 $0xD0000000, s2;
	s6 =	simm.s32 $0x108;
	_ =	swait.ge @!p0 [sflag:s8], $0x0  }
0x24: {  	s3 =	sadd.s32 $0x88, s3;
	s6 =	simm.s32 @!p1 $0x1082;
	[sflag:s4] =	ssyncset.s32 $0xFFFFF086  }
0x25: {  	[simem:s6], [sflag:s4] =	dma.local [hbm:s3], $0xF7A  }
0x26: {  	[smem:$0x3F94] =	sst s1;
	(tag) =	ssettag s2;
	_ =	strace s9  }
0x27: {  	s1 =	sld [smem:$0x3FA4]  }
0x28: {  	s2 =	sld [smem:$0x3FA5]  }
0x29: {  	s4 =	sld [smem:$0x3FA7]  }
0x2a: {  	p0 =	seq.s32 s5, $0x0;
	s5 =	sld [smem:$0x3FA8]  }
0x2b: {  	s6 =	sld [smem:$0x3FA9]  }
0x2c: {  	s7 =	sld [smem:$0x3FAA]  }
0x2d: {  	s3 =	simm.s32 $0x108;
	s8 =	sld [smem:$0x3FAB]  }
0x2e: {  	s3 =	simm.s32 @!p0 $0x1082;
	s9 =	sld [smem:$0x3FAC]  }
0x2f: {  	lr =	sadd.s32 s0, s3;
	s0 =	sld [smem:$0x3FA3]  }
0x30: {  	s3 =	sld [smem:$0x3FA6]  }
0x31: {  	[smem:$0x3FAF] =	sst s10  }
0x32: {  	s10 =	sld [smem:$0x3FAD];
	_ =	sdelay $0x3  }
0x33: {  	p0 =	seq.s32 s10, $0x1;
	s10 =	sld [smem:$0x3FAF];
	_ =	sdelay $0x3  }
0x34: {  	[smem:$0x3FAF] =	sst s10  }
0x35: {  	s10 =	sld [smem:$0x3FAE];
	_ =	sdelay $0x3  }
0x36: {  	p1 =	seq.s32 s10, $0x1;
	s10 =	sld [smem:$0x3FAF];
	_ =	sdelay $0x3  }
0x37: {  	[smem:$0x3FAF] =	sst s10  }
0x38: {  	s10 =	sld [smem:$0x3FB0]  }
0x39: {  	_ = 	snop;
	(pc) =	sbr.ind lr, $3  }
0x3a: {  	_ = 	snop  }
0x3b: {  	_ = 	snop  }
0x3c: {  	p2 =	seq.s32 s10, $0x1;
	s10 =	sld [smem:$0x3FAF]  }
0x3d: {  	_ =	shalt  }
0x3e: {  	_ =	shalt  }
0x3f: {  	_ =	shalt  }
0x40: {  	_ =	shalt  }
0x41: {  	_ =	shalt  }
0x42: {  	_ =	shalt  }
0x43: {  	_ =	shalt  }
0x44: {  	_ =	shalt  }
0x45: {  	_ =	shalt  }
0x46: {  	_ =	shalt  }
0x47: {  	_ =	shalt  }
0x48: {  	_ =	shalt  }
0x49: {  	_ =	shalt  }
0x4a: {  	_ =	shalt  }
0x4b: {  	_ =	shalt  }
0x4c: {  	_ =	shalt  }
0x4d: {  	_ =	shalt  }
0x4e: {  	_ =	shalt  }
0x4f: {  	_ =	shalt  }
0x50: {  	_ =	shalt  }
0x51: {  	_ =	shalt  }
0x52: {  	_ =	shalt  }
0x53: {  	_ =	shalt  }
0x54: {  	_ =	shalt  }
0x55: {  	_ =	shalt  }
0x56: {  	_ =	shalt  }
0x57: {  	_ =	shalt  }
0x58: {  	_ =	shalt  }
0x59: {  	_ =	shalt  }
0x5a: {  	_ =	shalt  }
0x5b: {  	_ =	shalt  }
0x5c: {  	_ =	shalt  }
0x5d: {  	_ =	shalt  }
0x5e: {  	_ =	shalt  }
0x5f: {  	_ =	shalt  }
0x60: {  	_ =	shalt  }
0x61: {  	_ =	shalt  }
0x62: {  	_ =	shalt  }
0x63: {  	_ =	shalt  }
0x64: {  	_ =	shalt  }
0x65: {  	_ =	shalt  }
0x66: {  	_ =	shalt  }
0x67: {  	_ =	shalt  }
0x68: {  	_ =	shalt  }
0x69: {  	_ =	shalt  }
0x6a: {  	_ =	shalt  }
0x6b: {  	_ =	shalt  }
0x6c: {  	_ =	shalt  }
0x6d: {  	_ =	shalt  }
0x6e: {  	_ =	shalt  }
0x6f: {  	_ =	shalt  }
0x70: {  	_ =	shalt  }
0x71: {  	_ =	shalt  }
0x72: {  	_ =	shalt  }
0x73: {  	_ =	shalt  }
0x74: {  	_ =	shalt  }
0x75: {  	_ =	shalt  }
0x76: {  	_ =	shalt  }
0x77: {  	_ =	shalt  }
0x78: {  	_ =	shalt  }
0x79: {  	_ =	shalt  }
0x7a: {  	_ =	shalt  }
0x7b: {  	_ =	shalt  }
0x7c: {  	_ =	shalt  }
0x7d: {  	_ =	shalt  }
0x7e: {  	_ =	shalt  }
0x7f: {  	_ =	shalt  }
0x80: {  	_ =	shalt  }
0x81: {  	_ =	shalt  }
0x82: {  	_ =	shalt  }
0x83: {  	_ =	shalt  }
0x84: {  	_ =	shalt  }
0x85: {  	_ =	shalt  }
0x86: {  	_ =	shalt  }
0x87: {  	_ =	shalt  }
.Lfunc_end0:
.L_simem_size_0:
called_computation.1_lowered:
.L_overlay_start_0:
0x88: {  	s2 =	sld [smem:$0x3FD9]  }
0x89: {  	s3 =	sld [smem:$0x3FFE];
	_ =	sdelay $0x1  }
0x8a: {  	s1 =	srdreg.scid  }
0x8b: {  	s0 =	sand.u32 $0x1, s1  }
0x8c: {  	s16 =	sshll.u32 s0, $0xA;
	s2 =	sadd.s32 s3, s2  }
0x8d: {  	s2 =	sadd.s32 s2, s16  }
0x8e: {  	[smem:$0x3FBB] =	sst s2  }
0x8f: {  	_ = 	snop  }
0x90: {  	(tm) =	ssettm $0x1  }
0x91: {  	s17 =	sld [smem:$0x3FFB];
	_ =	sdelay $0x3  }
0x92: {  	_ =	strace s17  }
0x93: {  	s2 =	sld [smem:$0x3FFC];
	_ =	sdelay $0x3  }
0x94: {  	_ =	strace s2  }
0x95: {  	s2 =	sld [smem:$0x3FFD];
	_ =	sdelay $0x3  }
0x96: {  	_ =	strace s2  }
0x97: {  	_ =	strace $0x8FFFFFFF  }
0x98: {  	s18 =	sld [smem:$0x3FDB];
	_ =	sdelay $0x1  }
0x99: {  	s19 =	simm.s32 $_scs_section_size  }
0x9a: {  	s4 =	simm.s32 $_size__tile_overlayer_lowered;
	s5 =	simm.s32 $_tile_overlayer_lowered  }
0x9b: {  	s22 =	simm.s32 $0x1BFF;
	s21 =	sshll.u32 s5, $0x1;
	s2 =	sadd.s32 s19, s18  }
0x9c: {  	s6 =	simm.s32 $0x0;
	s20 =	sshll.u32 s4, $0x1;
	s4 =	sadd.s32 s21, s2  }
0x9d: {  	[timem:s6], [sflag:s22] =	dma.local [hbm:s4], s20  }
0x9e: {  	_ =	swait.ge [sflag:s22], s20  }
0x9f: {  	s3 =	ssub.s32 $0x0, s20;
	[sflag:s22] =	ssyncset.done $0x0  }
0xa0: {  	[sflag:s22] =	ssyncadd.s32 s3;
	_ =	sdelay $0x1  }
0xa1: {  	s23 =	simm.s32 $0x1B8B  }
0xa2: {  	_ =	swait.ge [sflag:s23], $0x1  }
0xa3: {  	[sflag:s23] =	ssyncset.done $0x0  }
0xa4: {  	s25 =	simm.s32 $0x1B8E;
	s24 =	sld [smem:$0x3FFE];
	[sflag:s23] =	ssyncadd.s32 $0xFFFFFFFF  }
0xa5: {  	s26 =	simm.s32 $execute0_lowered;
	[smem:$0x3FD2] =	sst s25  }
0xa6: {  	s4 =	sshll.u32 s26, $0x1;
	_ =	strace $0x80000049;
	[dreg:$0x1] =	wrdreg $0xFFFFFFFF  }
0xa7: {  	s28 =	simm.s32 $_size_execute0_lowered;
	s2 =	sadd.s32 s2, s4;
	[dreg:$0x0] =	wrdreg $0x0  }
0xa8: {  	s4 =	sshll.u32 s28, $0x1;
	[dreg:$0x2] =	wrdreg s2  }
0xa9: {  	[dreg:$0x3] =	wrdreg s4  }
0xaa: {  	[dreg:$0x4] =	wrdreg $0xC0  }
0xab: {  	_ =	task [dreg:s6], $0x5FFFF  }
0xac: {  	[dreg:$0x1] =	wrdreg $0xFFFFFFFF  }
0xad: {  	[dreg:$0x0] =	wrdreg $0x60  }
0xae: {  	[dreg:$0x2] =	wrdreg s24  }
0xaf: {  	[dreg:$0x3] =	wrdreg $0xBC000  }
0xb0: {  	[dreg:$0x4] =	wrdreg $0x9  }
0xb1: {  	_ =	task.clear_ibuf [dreg:s6], $0x5FFFF;
	_ =	strace $0x90000049  }
0xb2: {  	s29 =	simm.s32 $0x9;
	_ =	strace $0x8000004B  }
0xb3: {  	_ =	swait.ge [sflag:s29], $0x1  }
0xb4: {  	[sflag:s29] =	ssyncadd.s32 $0xFFFFFFFF  }
0xb5: {  	_ =	strace $0x9000004B  }
0xb6: {  	_ =	sfence  }
0xb7: {  	s30 =	sld [smem:$0x0];
	_ =	sdelay $0x2  }
0xb8: {  	s31 =	sshll.u32 s1, $0xD;
	s1 =	sshrl.u32 s1, $0x2  }
0xb9: {  	s3 =	sand.u32 $0x4000, s31;
	s1 =	sadd.s32 s1, s30  }
0xba: {  	s0 =	sor.u32 s3, s0;
	s1 =	sshll.u32 s1, $0x11  }
0xbb: {  	s0 =	sor.u32 s1, s0  }
0xbc: {  	s0 =	sadd.s32 $0x8F2B, s0  }
0xbd: {  	[sflag:s0] =	ssyncadd.remote.s32 $0x1  }
0xbe: {  	_ =	sfence.sel $0xFFFF  }
0xbf: {  	[dreg:$0x0] =	wrdreg $0xFFFFFFFF;
	(pc) =	sbr.abs _section_cstart, $3  }
0xc0: {  	[dreg:$0x1] =	wrdreg $0xFFFFFFFF  }
0xc1: {  	_ =	task.clear_ibuf [dreg:s6], $0x2FFFF;
	_ =	strace $0x9FFFFFFF  }
0xc2: {  	(tm) =	ssettm $0x7FFFFFFF  }
0xc3: {  	_ =	shalt  }
tec
execute0_lowered:
.L_overlay_start_1:
0x0: {  	(tag) =	ssettag $0x1  }
0x1: {  	s0 =	srdreg.scid;
	s5 =	rddreg [dreg:$0x0]  }
0x2: {  	s2 =	rddreg [dreg:$0x1];
	s1 =	stileid.u32  }
0x3: {  	s3 =	simm.s32 $0x0;
	s16 =	simm.s32 $0x2800;
	s17 =	simm.s32 $0x1  }
0x4: {  	s18 =	simm.s32 $0x7C00;
	s19 =	simm.s32 $0x2;
	s20 =	simm.s32 $0x2780  }
0x5: {  	s21 =	simm.s32 $0x3B00;
	s22 =	simm.s32 $0x3B80;
	s23 =	simm.s32 $0x0  }
0x6: {  	s6 =	sand.u32 $0x1, s0;
	s0 =	rddreg [dreg:$0x2];
	s8 =	smul.u32 $0x2800, s1  }
0x7: {  	[smem:$0x7FF] =	sst s3;
	s10 =	sadd.s32 $0x3000, s5;
	s11 =	smul.u32 $0x50000, s1  }
0x8: {  	s28 =	sshll.u32 s1, $0x6;
	s29 =	smul.u32 $0x500, s1;
	s4 =	sshll.u32 s6, $0x4  }
0x9: {  	_ =	strace $0x8000004A;
	s9 =	smul.u32 $0x28000, s6;
	s6 =	ssub.s32 $0x2, s6  }
0xa: {  	s4 =	sor.u32 s1, s4;
	s12 =	sadd.s32 s8, s5;
	s13 =	sshrl.u32 s6, $0x1  }
0xb: {  	s26 =	sshrl.u32 s11, $0x2;
	s30 =	sshrl.u32 s8, $0x3;
	s7 =	smul.u32 $0x500, s4  }
0xc: {  	s4 =	sadd.s32 $0x94800, s5;
	s9 =	sadd.s32 s8, s9;
	s13 =	ssub.s32 s6, s13  }
0xd: {  	s15 =	sadd.s32 s26, s2;
	s6 =	sor.u32 $0x1C03, s28;
	s31 =	sadd.s32 s10, s30  }
0xe: {  	s8 =	sadd.s32 s10, s29;
	s14 =	sadd.s32 s9, s5;
	s9 =	sadd.s32 $0x280, s31  }
0xf: {  	s11 =	smax.u32 s13, $0x1;
	s13 =	simm.s32 $0x3;
	s7 =	sadd.s32 s7, s5  }
0x10: {  	s5 =	sadd.s32 $0x12000, s12;
	s10 =	sadd.s32 $0xE2A00, s14;
	s12 =	sshrl.u32 s15, $0x3  }
0x11: {  	s14 =	simm.s32 $0x80;
	s15 =	simm.s32 $0x3C00;
	s7 =	sadd.s32 $0x8A800, s7  }
.LBB2_1:
0x12: {  	[spmem:s12], [sflag:s6] =	dma.local [hbm:s5], $0x2800  }
0x13: {  	_ =	swait.ge [sflag:s13], $0x2800  }
0x14: {  	[sflag:s13] =	ssyncset.done $0x0  }
0x15: {  	[sflag:s13] =	ssyncadd.s32 $0xFFFFD800  }
0x16: {  	[tilespmem:s3], [sflag:$0x3] =	stream.linear.gather [hbm4b:s7+s3], $0x2800, $0x38;
	[tilespmem:$0x1FC00] =	vst v63  }
0x17: {  	_ =	swait.ge [sflag:s13], $0x2800  }
0x18: {  	[sflag:s13] =	ssyncset.done $0x0  }
0x19: {  	[sflag:s13] =	ssyncadd.s32 $0xFFFFD800  }
0x1a: {  	[bflag:$0x0] =	sbarrier.arrive $0xFFFF  }
0x1b: {  	[tilespmem:s15], [sflag:$0x1] =	stream.indirect.gather [hbm4b:s4+s14], $0x80, s3, s14, $0xb8;
	[tilespmem:$0x1FC00] =	vst v63  }
0x1c: {  	_ = 	snop  }
0x1d: {  	[tilespmem:s16], [sflag:$0x3] =	stream.linear.gather [hbm4b:s8+s3], $0x1400, $0x38;
	[tilespmem:$0x1FC00] =	vst v63  }
0x1e: {  	_ =	swait.ge [sflag:s13], $0x1400  }
0x1f: {  	[sflag:s13] =	ssyncset.done $0x0  }
0x20: {  	[sflag:s13] =	ssyncadd.s32 $0xFFFFEC00  }
0x21: {  	_ =	swait.ge [sflag:s17], $0x4000  }
0x22: {  	[sflag:s17] =	ssyncset.done $0x0  }
0x23: {  	s24 =	simm.s32 $0x80;
	[sflag:s17] =	ssyncadd.s32 $0xFFFFC000  }
0x24: {  	[tilespmem:s18], [sflag:$0x2] =	stream.indirect.gather [hbm4b:s4+s14], $0x80, s24, s14, $0xb8;
	[tilespmem:$0x1FC00] =	vst v63  }
0x25: {  	s29 =	simm.s32 $0x2800  }
0x26: {  	[spmem:s2] =	stream.indirect.scatter.add.f32 [tilespmem:s15], [sflag:$0x3], $0x80, s29, s14, $0xb8;
	[tilespmem:$0x1FC00] =	vst v63  }
0x27: {  	_ =	swait.ge [sflag:s13], $0x4000  }
0x28: {  	[sflag:s13] =	ssyncset.done $0x0  }
0x29: {  	[sflag:s13] =	ssyncadd.s32 $0xFFFFC000  }
0x2a: {  	_ =	swait.ge [sflag:s19], $0x4000  }
0x2b: {  	[sflag:s19] =	ssyncset.done $0x0  }
0x2c: {  	s30 =	simm.s32 $0x100;
	[sflag:s19] =	ssyncadd.s32 $0xFFFFC000  }
0x2d: {  	[tilespmem:s15], [sflag:$0x1] =	stream.indirect.gather [hbm4b:s4+s14], $0x80, s30, s14, $0xb8;
	[tilespmem:$0x1FC00] =	vst v63  }
0x2e: {  	s31 =	simm.s32 $0x2880  }
0x2f: {  	[spmem:s2] =	stream.indirect.scatter.add.f32 [tilespmem:s18], [sflag:$0x3], $0x80, s31, s14, $0xb8;
	[tilespmem:$0x1FC00] =	vst v63  }
0x30: {  	_ =	swait.ge [sflag:s13], $0x4000  }
0x31: {  	s24 =	simm.s32 $0x400;
	[sflag:s13] =	ssyncset.done $0x0  }
.LBB2_2:
0x32: {  	p0 =	sne.s32 s24, $0x4C00  }
0x33: {  	[sflag:s13] =	ssyncadd.s32 $0xFFFFC000;
	s25 =	smov.u32 s24;
	s24 =	sadd.s32 $0x400, s24  }
0x34: {  	_ = 	snop  }
0x35: {  	_ =	swait.ge [sflag:s17], $0x4000  }
0x36: {  	s25 =	sshra.s32 s25, $0x2;
	[sflag:s17] =	ssyncset.done $0x0  }
0x37: {  	s26 =	sadd.s32 $0x80, s25;
	[sflag:s17] =	ssyncadd.s32 $0xFFFFC000  }
0x38: {  	[tilespmem:s18], [sflag:$0x2] =	stream.indirect.gather [hbm4b:s4+s14], $0x80, s26, s14, $0xb8;
	[tilespmem:$0x1FC00] =	vst v63  }
0x39: {  	s26 =	sadd.s32 $0x2800, s25  }
0x3a: {  	[spmem:s2] =	stream.indirect.scatter.add.f32 [tilespmem:s15], [sflag:$0x3], $0x80, s26, s14, $0xb8;
	[tilespmem:$0x1FC00] =	vst v63  }
0x3b: {  	_ =	swait.ge [sflag:s13], $0x4000  }
0x3c: {  	[sflag:s13] =	ssyncset.done $0x0  }
0x3d: {  	[sflag:s13] =	ssyncadd.s32 $0xFFFFC000  }
0x3e: {  	_ =	swait.ge [sflag:s19], $0x4000  }
0x3f: {  	[sflag:s19] =	ssyncset.done $0x0  }
0x40: {  	s26 =	sadd.s32 $0x100, s25;
	[sflag:s19] =	ssyncadd.s32 $0xFFFFC000  }
0x41: {  	[tilespmem:s15], [sflag:$0x1] =	stream.indirect.gather [hbm4b:s4+s14], $0x80, s26, s14, $0xb8;
	[tilespmem:$0x1FC00] =	vst v63  }
.Ltmp0:
0x42: {  	_ = 	snop;
	(pc) =	sbr.rel @p0 .LBB2_2-.Ltmp0, $4  }
0x43: {  	s25 =	sadd.s32 $0x2880, s25  }
0x44: {  	[spmem:s2] =	stream.indirect.scatter.add.f32 [tilespmem:s18], [sflag:$0x3], $0x80, s25, s14, $0xb8;
	[tilespmem:$0x1FC00] =	vst v63  }
0x45: {  	_ =	swait.ge [sflag:s13], $0x4000  }
0x46: {  	[sflag:s13] =	ssyncset.done $0x0  }
0x47: {  	[sflag:s13] =	ssyncadd.s32 $0xFFFFC000;
	s24 =	simm.s32 $0x0  }
0x48: {  	[tilespmem:s16], [sflag:$0x3] =	stream.linear.gather [hbm4b:s9+s24], $0x1400, $0x38;
	[tilespmem:$0x1FC00] =	vst v63  }
0x49: {  	_ =	swait.ge [sflag:s13], $0x1400  }
0x4a: {  	[sflag:s13] =	ssyncset.done $0x0  }
0x4b: {  	[sflag:s13] =	ssyncadd.s32 $0xFFFFEC00  }
0x4c: {  	_ =	swait.ge [sflag:s17], $0x4000  }
0x4d: {  	[sflag:s17] =	ssyncset.done $0x0  }
0x4e: {  	s28 =	simm.s32 $0x1480;
	[sflag:s17] =	ssyncadd.s32 $0xFFFFC000  }
0x4f: {  	[tilespmem:s18], [sflag:$0x2] =	stream.indirect.gather [hbm4b:s4+s14], $0x80, s28, s14, $0xb8;
	[tilespmem:$0x1FC00] =	vst v63  }
0x50: {  	s29 =	simm.s32 $0x2800  }
0x51: {  	[spmem:s2] =	stream.indirect.scatter.add.f32 [tilespmem:s15], [sflag:$0x3], $0x80, s29, s14, $0xb8;
	[tilespmem:$0x1FC00] =	vst v63  }
0x52: {  	_ =	swait.ge [sflag:s13], $0x4000  }
0x53: {  	[sflag:s13] =	ssyncset.done $0x0  }
0x54: {  	[sflag:s13] =	ssyncadd.s32 $0xFFFFC000  }
0x55: {  	_ =	swait.ge [sflag:s19], $0x4000  }
0x56: {  	[sflag:s19] =	ssyncset.done $0x0  }
0x57: {  	s30 =	simm.s32 $0x1500;
	[sflag:s19] =	ssyncadd.s32 $0xFFFFC000  }
0x58: {  	[tilespmem:s15], [sflag:$0x1] =	stream.indirect.gather [hbm4b:s4+s14], $0x80, s30, s14, $0xb8;
	[tilespmem:$0x1FC00] =	vst v63  }
0x59: {  	s31 =	simm.s32 $0x2880  }
0x5a: {  	[spmem:s2] =	stream.indirect.scatter.add.f32 [tilespmem:s18], [sflag:$0x3], $0x80, s31, s14, $0xb8;
	[tilespmem:$0x1FC00] =	vst v63  }
0x5b: {  	_ =	swait.ge [sflag:s13], $0x4000  }
0x5c: {  	s24 =	simm.s32 $0x400;
	[sflag:s13] =	ssyncset.done $0x0  }
.LBB2_4:
0x5d: {  	p0 =	sne.s32 s24, $0x4800  }
0x5e: {  	[sflag:s13] =	ssyncadd.s32 $0xFFFFC000;
	s25 =	smov.u32 s24;
	s24 =	sadd.s32 $0x400, s24  }
0x5f: {  	_ = 	snop  }
0x60: {  	_ =	swait.ge [sflag:s17], $0x4000  }
0x61: {  	s25 =	sshra.s32 s25, $0x2;
	[sflag:s17] =	ssyncset.done $0x0  }
0x62: {  	s26 =	sadd.s32 $0x1480, s25;
	[sflag:s17] =	ssyncadd.s32 $0xFFFFC000  }
0x63: {  	[tilespmem:s18], [sflag:$0x2] =	stream.indirect.gather [hbm4b:s4+s14], $0x80, s26, s14, $0xb8;
	[tilespmem:$0x1FC00] =	vst v63  }
0x64: {  	s26 =	sadd.s32 $0x2800, s25  }
0x65: {  	[spmem:s2] =	stream.indirect.scatter.add.f32 [tilespmem:s15], [sflag:$0x3], $0x80, s26, s14, $0xb8;
	[tilespmem:$0x1FC00] =	vst v63  }
0x66: {  	_ =	swait.ge [sflag:s13], $0x4000  }
0x67: {  	[sflag:s13] =	ssyncset.done $0x0  }
0x68: {  	[sflag:s13] =	ssyncadd.s32 $0xFFFFC000  }
0x69: {  	_ =	swait.ge [sflag:s19], $0x4000  }
0x6a: {  	[sflag:s19] =	ssyncset.done $0x0  }
0x6b: {  	s26 =	sadd.s32 $0x1500, s25;
	[sflag:s19] =	ssyncadd.s32 $0xFFFFC000  }
0x6c: {  	[tilespmem:s15], [sflag:$0x1] =	stream.indirect.gather [hbm4b:s4+s14], $0x80, s26, s14, $0xb8;
	[tilespmem:$0x1FC00] =	vst v63  }
.Ltmp1:
0x6d: {  	_ = 	snop;
	(pc) =	sbr.rel @p0 .LBB2_4-.Ltmp1, $4  }
0x6e: {  	s25 =	sadd.s32 $0x2880, s25  }
0x6f: {  	[spmem:s2] =	stream.indirect.scatter.add.f32 [tilespmem:s18], [sflag:$0x3], $0x80, s25, s14, $0xb8;
	[tilespmem:$0x1FC00] =	vst v63  }
0x70: {  	_ =	swait.ge [sflag:s13], $0x4000  }
0x71: {  	[sflag:s13] =	ssyncset.done $0x0  }
0x72: {  	[sflag:s13] =	ssyncadd.s32 $0xFFFFC000  }
0x73: {  	_ =	swait.ge [sflag:s17], $0x4000  }
0x74: {  	[sflag:s17] =	ssyncset.done $0x0  }
0x75: {  	[sflag:s17] =	ssyncadd.s32 $0xFFFFC000  }
0x76: {  	[tilespmem:s18], [sflag:$0x2] =	stream.indirect.gather [hbm4b:s4+s14], $0x80, s20, s14, $0xb8;
	[tilespmem:$0x1FC00] =	vst v63  }
0x77: {  	_ = 	snop  }
0x78: {  	[spmem:s2] =	stream.indirect.scatter.add.f32 [tilespmem:s15], [sflag:$0x3], $0x80, s21, s14, $0xb8;
	[tilespmem:$0x1FC00] =	vst v63  }
0x79: {  	_ =	swait.ge [sflag:s13], $0x4000  }
0x7a: {  	[sflag:s13] =	ssyncset.done $0x0  }
0x7b: {  	[sflag:s13] =	ssyncadd.s32 $0xFFFFC000  }
0x7c: {  	_ =	swait.ge [sflag:s19], $0x4000  }
0x7d: {  	[sflag:s19] =	ssyncset.done $0x0  }
0x7e: {  	[sflag:s19] =	ssyncadd.s32 $0xFFFFC000  }
0x7f: {  	[spmem:s2] =	stream.indirect.scatter.add.f32 [tilespmem:s18], [sflag:$0x3], $0x80, s22, s14, $0xb8;
	[tilespmem:$0x1FC00] =	vst v63  }
0x80: {  	_ =	swait.ge [sflag:s13], $0x4000  }
0x81: {  	s23 =	sadd.s32 $0x1, s23;
	[sflag:s13] =	ssyncset.done $0x0  }
0x82: {  	p0 =	sne.s32 s23, s11;
	[sflag:s13] =	ssyncadd.s32 $0xFFFFC000  }
.Ltmp2:
0x83: {  	[bflag:$0x0] =	sbarrier.arrive $0xFFFF;
	(pc) =	sbr.rel @p0 .LBB2_1-.Ltmp2, $4  }
0x84: {  	[hbm:s10], [sflag:s6] =	dma.local [spmem:s12], $0x2800  }
0x85: {  	_ =	swait.ge [sflag:s13], $0x2800  }
0x86: {  	[sflag:s13] =	ssyncset.done $0x0  }
0x87: {  	[sflag:s13] =	ssyncadd.s32 $0xFFFFD800  }
0x88: {  	_ =	sfence.sel $0x180000  }
0x89: {  	[bflag:$0x0] =	sbarrier.arrive $0xFFFF  }
0x8a: {  	p0 =	sne.s32 s1, $0x0;
	_ =	strace $0x9000004A  }
0x8b: {  	s0 =	sadd.s32 @!p0 $0x100000, s0;
	[bflag:$0x2] =	sbarrier.arrive $0xFFFF  }
0x8c: {  	[sflag:s0] =	ssyncadd.tile.s32 @!p0 $0x1;
	_ =	shalt  }
.Lfunc_end2:
_tile_overlayer_lowered:
.L_overlay_start_2:
0x8d: {  	(tag) =	ssettag $0x2  }
0x8e: {  	s0 =	rddreg [dreg:$0x0];
	s2 =	stileid.u32  }
0x8f: {  	s1 =	rddreg [dreg:$0x1];
	p0 =	sne.s32 s2, $0x0  }
0x90: {  	s3 =	rddreg [dreg:$0x2];
	[bflag:$0x3] =	sbarrier.arrive $0xFFFF;
	s2 =	simm.s32 @!p0 $0x1C03  }
0x91: {  	[timem:s3], [sflag:s2] =	dma.local @!p0 [hbm:s0], s1  }
0x92: {  	s0 =	simm.s32 @!p0 $0x3  }
0x93: {  	_ =	swait.ge @!p0 [sflag:s0], s1  }
0x94: {  	s1 =	ssub.s32 @!p0 $0x0, s1;
	[sflag:s0] =	ssyncset.done @!p0 $0x0  }
0x95: {  	[sflag:s0] =	ssyncadd.s32 @!p0 s1  }
0x96: {  	[bflag:$0x3] =	sbarrier.arrive $0xFFFF  }
0x97: {  	_ =	shalt  }

// kernel: kernel.14.cloned.1.call-start
scs
__scs_entry_jumppad:
0x0: {  	(pc) =	sbr.rel $0x88, $3  }
0x1: {  	(tag) =	ssettag $0x0;
	lr =	simm.s32 $0x1  }
0x2: {  	[smem:$0x3F94] =	sst lr;
	_ =	strace $0xD0000000  }
0x3: {  	_ = 	snop  }
0x4: {  	_ = 	snop  }
0x5: {  	_ = 	snop  }
0x6: {  	_ = 	snop  }
0x7: {  	_ = 	snop  }
__scs_overlays_trampoline_lowered:
0x8: {  	[smem:$0x3FA3] =	sst s0  }
0x9: {  	[smem:$0x3FA4] =	sst s1  }
0xa: {  	[smem:$0x3FA5] =	sst s2  }
0xb: {  	[smem:$0x3FA6] =	sst s3  }
0xc: {  	[smem:$0x3FA7] =	sst s4  }
0xd: {  	[smem:$0x3FA8] =	sst s5  }
0xe: {  	[smem:$0x3FA9] =	sst s6  }
0xf: {  	[smem:$0x3FAA] =	sst s7  }
0x10: {  	[smem:$0x3FAB] =	sst s8  }
0x11: {  	[smem:$0x3FAC] =	sst s9;
	s0 =	simm.s32 @!p0 $0x0  }
0x12: {  	s1 =	sld [smem:$0x3F92];
	s0 =	simm.s32 @p0 $0x1  }
0x13: {  	[smem:$0x3FAD] =	sst s0;
	s0 =	simm.s32 @!p1 $0x0  }
0x14: {  	s2 =	sld [smem:$0x3F91];
	s0 =	simm.s32 @p1 $0x1  }
0x15: {  	[smem:$0x3FAE] =	sst s0;
	s0 =	simm.s32 @!p2 $0x0  }
0x16: {  	s3 =	sld [smem:$0x3FDB];
	s0 =	simm.s32 @p2 $0x1  }
0x17: {  	s4 =	simm.s32 $0x1BF5;
	[smem:$0x3FB0] =	sst s0  }
0x18: {  	s0 =	sld [smem:$0x3F93];
	_ =	swait.ge [sflag:s4], $0x0  }
0x19: {  	s7 =	sld [smem:$0x3F94]  }
0x1a: {  	s8 =	sadd.s32 $0xFFFFE003, lr  }
0x1b: {  	s9 =	sadd.s32 $0xFFFFFEF7, lr;
	s5 =	simm.s32 $0xFFFFFFFF;
	p2 =	slt.u32 s8, $0xFFFFF086  }
0x1c: {  	p1 =	slt.u32 s9, $0xF7A;
	s5 =	simm.s32 @!p2 $0x0  }
0x1d: {  	s5 =	simm.s32 @p1 $0x1;
	p0 =	seq.s32 s7, s2  }
0x1e: {  	s7 =	smul.u32 @!p0 $0xF7A, s2;
	p2 =	seq.s32 @!p0 s5, $0x0  }
0x1f: {  	s9 =	smul.u32 $0xF7A, s1;
	s8 =	simm.s32 @!p0 $0x1BF5;
	p2 =	por !p2, p0  }
0x20: {  	[sflag:s8] =	ssyncset.s32 @!p0 $0xFFFFF086;
	s6 =	sadd.s32 @!p0 s3, s7;
	s7 =	simm.s32 @!p0 $0x108  }
0x21: {  	s3 =	sadd.s32 s3, s9;
	s6 =	sadd.s32 @!p0 $0x88, s6;
	s7 =	simm.s32 @p2 $0x1082  }
0x22: {  	[simem:s7], [sflag:s8] =	dma.local @!p0 [hbm:s6], $0xF7A  }
0x23: {  	s9 =	sor.u32 $0xD0000000, s2;
	s6 =	simm.s32 $0x108;
	_ =	swait.ge @!p0 [sflag:s8], $0x0  }
0x24: {  	s3 =	sadd.s32 $0x88, s3;
	s6 =	simm.s32 @!p1 $0x1082;
	[sflag:s4] =	ssyncset.s32 $0xFFFFF086  }
0x25: {  	[simem:s6], [sflag:s4] =	dma.local [hbm:s3], $0xF7A  }
0x26: {  	[smem:$0x3F94] =	sst s1;
	(tag) =	ssettag s2;
	_ =	strace s9  }
0x27: {  	s1 =	sld [smem:$0x3FA4]  }
0x28: {  	s2 =	sld [smem:$0x3FA5]  }
0x29: {  	s4 =	sld [smem:$0x3FA7]  }
0x2a: {  	p0 =	seq.s32 s5, $0x0;
	s5 =	sld [smem:$0x3FA8]  }
0x2b: {  	s6 =	sld [smem:$0x3FA9]  }
0x2c: {  	s7 =	sld [smem:$0x3FAA]  }
0x2d: {  	s3 =	simm.s32 $0x108;
	s8 =	sld [smem:$0x3FAB]  }
0x2e: {  	s3 =	simm.s32 @!p0 $0x1082;
	s9 =	sld [smem:$0x3FAC]  }
0x2f: {  	lr =	sadd.s32 s0, s3;
	s0 =	sld [smem:$0x3FA3]  }
0x30: {  	s3 =	sld [smem:$0x3FA6]  }
0x31: {  	[smem:$0x3FAF] =	sst s10  }
0x32: {  	s10 =	sld [smem:$0x3FAD];
	_ =	sdelay $0x3  }
0x33: {  	p0 =	seq.s32 s10, $0x1;
	s10 =	sld [smem:$0x3FAF];
	_ =	sdelay $0x3  }
0x34: {  	[smem:$0x3FAF] =	sst s10  }
0x35: {  	s10 =	sld [smem:$0x3FAE];
	_ =	sdelay $0x3  }
0x36: {  	p1 =	seq.s32 s10, $0x1;
	s10 =	sld [smem:$0x3FAF];
	_ =	sdelay $0x3  }
0x37: {  	[smem:$0x3FAF] =	sst s10  }
0x38: {  	s10 =	sld [smem:$0x3FB0]  }
0x39: {  	_ = 	snop;
	(pc) =	sbr.ind lr, $3  }
0x3a: {  	_ = 	snop  }
0x3b: {  	_ = 	snop  }
0x3c: {  	p2 =	seq.s32 s10, $0x1;
	s10 =	sld [smem:$0x3FAF]  }
0x3d: {  	_ =	shalt  }
0x3e: {  	_ =	shalt  }
0x3f: {  	_ =	shalt  }
0x40: {  	_ =	shalt  }
0x41: {  	_ =	shalt  }
0x42: {  	_ =	shalt  }
0x43: {  	_ =	shalt  }
0x44: {  	_ =	shalt  }
0x45: {  	_ =	shalt  }
0x46: {  	_ =	shalt  }
0x47: {  	_ =	shalt  }
0x48: {  	_ =	shalt  }
0x49: {  	_ =	shalt  }
0x4a: {  	_ =	shalt  }
0x4b: {  	_ =	shalt  }
0x4c: {  	_ =	shalt  }
0x4d: {  	_ =	shalt  }
0x4e: {  	_ =	shalt  }
0x4f: {  	_ =	shalt  }
0x50: {  	_ =	shalt  }
0x51: {  	_ =	shalt  }
0x52: {  	_ =	shalt  }
0x53: {  	_ =	shalt  }
0x54: {  	_ =	shalt  }
0x55: {  	_ =	shalt  }
0x56: {  	_ =	shalt  }
0x57: {  	_ =	shalt  }
0x58: {  	_ =	shalt  }
0x59: {  	_ =	shalt  }
0x5a: {  	_ =	shalt  }
0x5b: {  	_ =	shalt  }
0x5c: {  	_ =	shalt  }
0x5d: {  	_ =	shalt  }
0x5e: {  	_ =	shalt  }
0x5f: {  	_ =	shalt  }
0x60: {  	_ =	shalt  }
0x61: {  	_ =	shalt  }
0x62: {  	_ =	shalt  }
0x63: {  	_ =	shalt  }
0x64: {  	_ =	shalt  }
0x65: {  	_ =	shalt  }
0x66: {  	_ =	shalt  }
0x67: {  	_ =	shalt  }
0x68: {  	_ =	shalt  }
0x69: {  	_ =	shalt  }
0x6a: {  	_ =	shalt  }
0x6b: {  	_ =	shalt  }
0x6c: {  	_ =	shalt  }
0x6d: {  	_ =	shalt  }
0x6e: {  	_ =	shalt  }
0x6f: {  	_ =	shalt  }
0x70: {  	_ =	shalt  }
0x71: {  	_ =	shalt  }
0x72: {  	_ =	shalt  }
0x73: {  	_ =	shalt  }
0x74: {  	_ =	shalt  }
0x75: {  	_ =	shalt  }
0x76: {  	_ =	shalt  }
0x77: {  	_ =	shalt  }
0x78: {  	_ =	shalt  }
0x79: {  	_ =	shalt  }
0x7a: {  	_ =	shalt  }
0x7b: {  	_ =	shalt  }
0x7c: {  	_ =	shalt  }
0x7d: {  	_ =	shalt  }
0x7e: {  	_ =	shalt  }
0x7f: {  	_ =	shalt  }
0x80: {  	_ =	shalt  }
0x81: {  	_ =	shalt  }
0x82: {  	_ =	shalt  }
0x83: {  	_ =	shalt  }
0x84: {  	_ =	shalt  }
0x85: {  	_ =	shalt  }
0x86: {  	_ =	shalt  }
0x87: {  	_ =	shalt  }
.Lfunc_end0:
.L_simem_size_0:
called_computation.2_lowered:
.L_overlay_start_0:
0x88: {  	s2 =	sld [smem:$0x3FD9]  }
0x89: {  	s3 =	sld [smem:$0x3FFE];
	_ =	sdelay $0x1  }
0x8a: {  	s1 =	srdreg.scid  }
0x8b: {  	s0 =	sand.u32 $0x1, s1  }
0x8c: {  	s16 =	sshll.u32 s0, $0xA;
	s2 =	sadd.s32 s3, s2  }
0x8d: {  	s2 =	sadd.s32 s2, s16  }
0x8e: {  	[smem:$0x3FBB] =	sst s2  }
0x8f: {  	_ = 	snop  }
0x90: {  	(tm) =	ssettm $0x1  }
0x91: {  	s17 =	sld [smem:$0x3FFB];
	_ =	sdelay $0x3  }
0x92: {  	_ =	strace s17  }
0x93: {  	s2 =	sld [smem:$0x3FFC];
	_ =	sdelay $0x3  }
0x94: {  	_ =	strace s2  }
0x95: {  	s2 =	sld [smem:$0x3FFD];
	_ =	sdelay $0x3  }
0x96: {  	_ =	strace s2  }
0x97: {  	_ =	strace $0x8FFFFFFF  }
0x98: {  	s18 =	sld [smem:$0x3FDB];
	_ =	sdelay $0x1  }
0x99: {  	s19 =	simm.s32 $_scs_section_size  }
0x9a: {  	s4 =	simm.s32 $_size__tile_overlayer_lowered;
	s5 =	simm.s32 $_tile_overlayer_lowered  }
0x9b: {  	s22 =	simm.s32 $0x1BFF;
	s21 =	sshll.u32 s5, $0x1;
	s2 =	sadd.s32 s19, s18  }
0x9c: {  	s6 =	simm.s32 $0x0;
	s20 =	sshll.u32 s4, $0x1;
	s4 =	sadd.s32 s21, s2  }
0x9d: {  	[timem:s6], [sflag:s22] =	dma.local [hbm:s4], s20  }
0x9e: {  	_ =	swait.ge [sflag:s22], s20  }
0x9f: {  	s3 =	ssub.s32 $0x0, s20;
	[sflag:s22] =	ssyncset.done $0x0  }
0xa0: {  	[sflag:s22] =	ssyncadd.s32 s3;
	_ =	sdelay $0x1  }
0xa1: {  	s23 =	simm.s32 $0x1B8B  }
0xa2: {  	_ =	swait.ge [sflag:s23], $0x1  }
0xa3: {  	[sflag:s23] =	ssyncset.done $0x0  }
0xa4: {  	s25 =	simm.s32 $0x1B8E;
	s24 =	sld [smem:$0x3FFE];
	[sflag:s23] =	ssyncadd.s32 $0xFFFFFFFF  }
0xa5: {  	s26 =	simm.s32 $execute0_lowered;
	[smem:$0x3FD2] =	sst s25  }
0xa6: {  	s4 =	sshll.u32 s26, $0x1;
	_ =	strace $0x8000004C;
	[dreg:$0x1] =	wrdreg $0xFFFFFFFF  }
0xa7: {  	s28 =	simm.s32 $_size_execute0_lowered;
	s2 =	sadd.s32 s2, s4;
	[dreg:$0x0] =	wrdreg $0x0  }
0xa8: {  	s4 =	sshll.u32 s28, $0x1;
	[dreg:$0x2] =	wrdreg s2  }
0xa9: {  	[dreg:$0x3] =	wrdreg s4  }
0xaa: {  	[dreg:$0x4] =	wrdreg $0xC0  }
0xab: {  	_ =	task [dreg:s6], $0x5FFFF  }
0xac: {  	[dreg:$0x1] =	wrdreg $0xFFFFFFFF  }
0xad: {  	[dreg:$0x0] =	wrdreg $0x60  }
0xae: {  	[dreg:$0x2] =	wrdreg s24  }
0xaf: {  	[dreg:$0x3] =	wrdreg $0xBC000  }
0xb0: {  	[dreg:$0x4] =	wrdreg $0x9  }
0xb1: {  	_ =	task.clear_ibuf [dreg:s6], $0x5FFFF;
	_ =	strace $0x9000004C  }
0xb2: {  	s29 =	simm.s32 $0x9;
	_ =	strace $0x8000004E  }
0xb3: {  	_ =	swait.ge [sflag:s29], $0x1  }
0xb4: {  	[sflag:s29] =	ssyncadd.s32 $0xFFFFFFFF  }
0xb5: {  	_ =	strace $0x9000004E  }
0xb6: {  	_ =	sfence  }
0xb7: {  	s30 =	sld [smem:$0x0];
	_ =	sdelay $0x2  }
0xb8: {  	s31 =	sshll.u32 s1, $0xD;
	s1 =	sshrl.u32 s1, $0x2  }
0xb9: {  	s3 =	sand.u32 $0x4000, s31;
	s1 =	sadd.s32 s1, s30  }
0xba: {  	s0 =	sor.u32 s3, s0;
	s1 =	sshll.u32 s1, $0x11  }
0xbb: {  	s0 =	sor.u32 s1, s0  }
0xbc: {  	s0 =	sadd.s32 $0x8F2B, s0  }
0xbd: {  	[sflag:s0] =	ssyncadd.remote.s32 $0x1  }
0xbe: {  	_ =	sfence.sel $0xFFFF  }
0xbf: {  	[dreg:$0x0] =	wrdreg $0xFFFFFFFF;
	(pc) =	sbr.abs _section_cstart, $3  }
0xc0: {  	[dreg:$0x1] =	wrdreg $0xFFFFFFFF  }
0xc1: {  	_ =	task.clear_ibuf [dreg:s6], $0x2FFFF;
	_ =	strace $0x9FFFFFFF  }
0xc2: {  	(tm) =	ssettm $0x7FFFFFFF  }
0xc3: {  	_ =	shalt  }
tec
execute0_lowered:
.L_overlay_start_1:
0x0: {  	(tag) =	ssettag $0x1  }
0x1: {  	s0 =	srdreg.scid;
	s5 =	rddreg [dreg:$0x0]  }
0x2: {  	s2 =	rddreg [dreg:$0x1];
	s1 =	stileid.u32  }
0x3: {  	s3 =	simm.s32 $0x0;
	s16 =	simm.s32 $0x2800;
	s17 =	simm.s32 $0x1  }
0x4: {  	s18 =	simm.s32 $0x7C00;
	s19 =	simm.s32 $0x2;
	s20 =	simm.s32 $0x2780  }
0x5: {  	s21 =	simm.s32 $0x3B00;
	s22 =	simm.s32 $0x3B80;
	s23 =	simm.s32 $0x0  }
0x6: {  	s6 =	sand.u32 $0x1, s0;
	s0 =	rddreg [dreg:$0x2];
	s8 =	smul.u32 $0x2800, s1  }
0x7: {  	[smem:$0x7FF] =	sst s3;
	s10 =	sadd.s32 $0x3000, s5;
	s11 =	smul.u32 $0x50000, s1  }
0x8: {  	s28 =	sshll.u32 s1, $0x6;
	s29 =	smul.u32 $0x500, s1;
	s4 =	sshll.u32 s6, $0x4  }
0x9: {  	_ =	strace $0x8000004D;
	s9 =	smul.u32 $0x28000, s6;
	s6 =	ssub.s32 $0x2, s6  }
0xa: {  	s4 =	sor.u32 s1, s4;
	s12 =	sadd.s32 s8, s5;
	s13 =	sshrl.u32 s6, $0x1  }
0xb: {  	s26 =	sshrl.u32 s11, $0x2;
	s30 =	sshrl.u32 s8, $0x3;
	s7 =	smul.u32 $0x500, s4  }
0xc: {  	s4 =	sadd.s32 $0x94800, s5;
	s9 =	sadd.s32 s8, s9;
	s13 =	ssub.s32 s6, s13  }
0xd: {  	s15 =	sadd.s32 s26, s2;
	s6 =	sor.u32 $0x1C03, s28;
	s31 =	sadd.s32 s10, s30  }
0xe: {  	s8 =	sadd.s32 s10, s29;
	s14 =	sadd.s32 s9, s5;
	s9 =	sadd.s32 $0x280, s31  }
0xf: {  	s11 =	smax.u32 s13, $0x1;
	s13 =	simm.s32 $0x3;
	s7 =	sadd.s32 s7, s5  }
0x10: {  	s5 =	sadd.s32 $0x12000, s12;
	s10 =	sadd.s32 $0xE2A00, s14;
	s12 =	sshrl.u32 s15, $0x3  }
0x11: {  	s14 =	simm.s32 $0x80;
	s15 =	simm.s32 $0x3C00;
	s7 =	sadd.s32 $0x8A800, s7  }
.LBB2_1:
0x12: {  	[spmem:s12], [sflag:s6] =	dma.local [hbm:s5], $0x2800  }
0x13: {  	_ =	swait.ge [sflag:s13], $0x2800  }
0x14: {  	[sflag:s13] =	ssyncset.done $0x0  }
0x15: {  	[sflag:s13] =	ssyncadd.s32 $0xFFFFD800  }
0x16: {  	[tilespmem:s3], [sflag:$0x3] =	stream.linear.gather [hbm4b:s7+s3], $0x2800, $0x38;
	[tilespmem:$0x1FC00] =	vst v63  }
0x17: {  	_ =	swait.ge [sflag:s13], $0x2800  }
0x18: {  	[sflag:s13] =	ssyncset.done $0x0  }
0x19: {  	[sflag:s13] =	ssyncadd.s32 $0xFFFFD800  }
0x1a: {  	[bflag:$0x0] =	sbarrier.arrive $0xFFFF  }
0x1b: {  	[tilespmem:s15], [sflag:$0x1] =	stream.indirect.gather [hbm4b:s4+s14], $0x80, s3, s14, $0xb8;
	[tilespmem:$0x1FC00] =	vst v63  }
0x1c: {  	_ = 	snop  }
0x1d: {  	[tilespmem:s16], [sflag:$0x3] =	stream.linear.gather [hbm4b:s8+s3], $0x1400, $0x38;
	[tilespmem:$0x1FC00] =	vst v63  }
0x1e: {  	_ =	swait.ge [sflag:s13], $0x1400  }
0x1f: {  	[sflag:s13] =	ssyncset.done $0x0  }
0x20: {  	[sflag:s13] =	ssyncadd.s32 $0xFFFFEC00  }
0x21: {  	_ =	swait.ge [sflag:s17], $0x4000  }
0x22: {  	[sflag:s17] =	ssyncset.done $0x0  }
0x23: {  	s24 =	simm.s32 $0x80;
	[sflag:s17] =	ssyncadd.s32 $0xFFFFC000  }
0x24: {  	[tilespmem:s18], [sflag:$0x2] =	stream.indirect.gather [hbm4b:s4+s14], $0x80, s24, s14, $0xb8;
	[tilespmem:$0x1FC00] =	vst v63  }
0x25: {  	s29 =	simm.s32 $0x2800  }
0x26: {  	[spmem:s2] =	stream.indirect.scatter.add.f32 [tilespmem:s15], [sflag:$0x3], $0x80, s29, s14, $0xb8;
	[tilespmem:$0x1FC00] =	vst v63  }
0x27: {  	_ =	swait.ge [sflag:s13], $0x4000  }
0x28: {  	[sflag:s13] =	ssyncset.done $0x0  }
0x29: {  	[sflag:s13] =	ssyncadd.s32 $0xFFFFC000  }
0x2a: {  	_ =	swait.ge [sflag:s19], $0x4000  }
0x2b: {  	[sflag:s19] =	ssyncset.done $0x0  }
0x2c: {  	s30 =	simm.s32 $0x100;
	[sflag:s19] =	ssyncadd.s32 $0xFFFFC000  }
0x2d: {  	[tilespmem:s15], [sflag:$0x1] =	stream.indirect.gather [hbm4b:s4+s14], $0x80, s30, s14, $0xb8;
	[tilespmem:$0x1FC00] =	vst v63  }
0x2e: {  	s31 =	simm.s32 $0x2880  }
0x2f: {  	[spmem:s2] =	stream.indirect.scatter.add.f32 [tilespmem:s18], [sflag:$0x3], $0x80, s31, s14, $0xb8;
	[tilespmem:$0x1FC00] =	vst v63  }
0x30: {  	_ =	swait.ge [sflag:s13], $0x4000  }
0x31: {  	s24 =	simm.s32 $0x400;
	[sflag:s13] =	ssyncset.done $0x0  }
.LBB2_2:
0x32: {  	p0 =	sne.s32 s24, $0x4C00  }
0x33: {  	[sflag:s13] =	ssyncadd.s32 $0xFFFFC000;
	s25 =	smov.u32 s24;
	s24 =	sadd.s32 $0x400, s24  }
0x34: {  	_ = 	snop  }
0x35: {  	_ =	swait.ge [sflag:s17], $0x4000  }
0x36: {  	s25 =	sshra.s32 s25, $0x2;
	[sflag:s17] =	ssyncset.done $0x0  }
0x37: {  	s26 =	sadd.s32 $0x80, s25;
	[sflag:s17] =	ssyncadd.s32 $0xFFFFC000  }
0x38: {  	[tilespmem:s18], [sflag:$0x2] =	stream.indirect.gather [hbm4b:s4+s14], $0x80, s26, s14, $0xb8;
	[tilespmem:$0x1FC00] =	vst v63  }
0x39: {  	s26 =	sadd.s32 $0x2800, s25  }
0x3a: {  	[spmem:s2] =	stream.indirect.scatter.add.f32 [tilespmem:s15], [sflag:$0x3], $0x80, s26, s14, $0xb8;
	[tilespmem:$0x1FC00] =	vst v63  }
0x3b: {  	_ =	swait.ge [sflag:s13], $0x4000  }
0x3c: {  	[sflag:s13] =	ssyncset.done $0x0  }
0x3d: {  	[sflag:s13] =	ssyncadd.s32 $0xFFFFC000  }
0x3e: {  	_ =	swait.ge [sflag:s19], $0x4000  }
0x3f: {  	[sflag:s19] =	ssyncset.done $0x0  }
0x40: {  	s26 =	sadd.s32 $0x100, s25;
	[sflag:s19] =	ssyncadd.s32 $0xFFFFC000  }
0x41: {  	[tilespmem:s15], [sflag:$0x1] =	stream.indirect.gather [hbm4b:s4+s14], $0x80, s26, s14, $0xb8;
	[tilespmem:$0x1FC00] =	vst v63  }
.Ltmp0:
0x42: {  	_ = 	snop;
	(pc) =	sbr.rel @p0 .LBB2_2-.Ltmp0, $4  }
0x43: {  	s25 =	sadd.s32 $0x2880, s25  }
0x44: {  	[spmem:s2] =	stream.indirect.scatter.add.f32 [tilespmem:s18], [sflag:$0x3], $0x80, s25, s14, $0xb8;
	[tilespmem:$0x1FC00] =	vst v63  }
0x45: {  	_ =	swait.ge [sflag:s13], $0x4000  }
0x46: {  	[sflag:s13] =	ssyncset.done $0x0  }
0x47: {  	[sflag:s13] =	ssyncadd.s32 $0xFFFFC000;
	s24 =	simm.s32 $0x0  }
0x48: {  	[tilespmem:s16], [sflag:$0x3] =	stream.linear.gather [hbm4b:s9+s24], $0x1400, $0x38;
	[tilespmem:$0x1FC00] =	vst v63  }
0x49: {  	_ =	swait.ge [sflag:s13], $0x1400  }
0x4a: {  	[sflag:s13] =	ssyncset.done $0x0  }
0x4b: {  	[sflag:s13] =	ssyncadd.s32 $0xFFFFEC00  }
0x4c: {  	_ =	swait.ge [sflag:s17], $0x4000  }
0x4d: {  	[sflag:s17] =	ssyncset.done $0x0  }
0x4e: {  	s28 =	simm.s32 $0x1480;
	[sflag:s17] =	ssyncadd.s32 $0xFFFFC000  }
0x4f: {  	[tilespmem:s18], [sflag:$0x2] =	stream.indirect.gather [hbm4b:s4+s14], $0x80, s28, s14, $0xb8;
	[tilespmem:$0x1FC00] =	vst v63  }
0x50: {  	s29 =	simm.s32 $0x2800  }
0x51: {  	[spmem:s2] =	stream.indirect.scatter.add.f32 [tilespmem:s15], [sflag:$0x3], $0x80, s29, s14, $0xb8;
	[tilespmem:$0x1FC00] =	vst v63  }
0x52: {  	_ =	swait.ge [sflag:s13], $0x4000  }
0x53: {  	[sflag:s13] =	ssyncset.done $0x0  }
0x54: {  	[sflag:s13] =	ssyncadd.s32 $0xFFFFC000  }
0x55: {  	_ =	swait.ge [sflag:s19], $0x4000  }
0x56: {  	[sflag:s19] =	ssyncset.done $0x0  }
0x57: {  	s30 =	simm.s32 $0x1500;
	[sflag:s19] =	ssyncadd.s32 $0xFFFFC000  }
0x58: {  	[tilespmem:s15], [sflag:$0x1] =	stream.indirect.gather [hbm4b:s4+s14], $0x80, s30, s14, $0xb8;
	[tilespmem:$0x1FC00] =	vst v63  }
0x59: {  	s31 =	simm.s32 $0x2880  }
0x5a: {  	[spmem:s2] =	stream.indirect.scatter.add.f32 [tilespmem:s18], [sflag:$0x3], $0x80, s31, s14, $0xb8;
	[tilespmem:$0x1FC00] =	vst v63  }
0x5b: {  	_ =	swait.ge [sflag:s13], $0x4000  }
0x5c: {  	s24 =	simm.s32 $0x400;
	[sflag:s13] =	ssyncset.done $0x0  }
.LBB2_4:
0x5d: {  	p0 =	sne.s32 s24, $0x4800  }
0x5e: {  	[sflag:s13] =	ssyncadd.s32 $0xFFFFC000;
	s25 =	smov.u32 s24;
	s24 =	sadd.s32 $0x400, s24  }
0x5f: {  	_ = 	snop  }
0x60: {  	_ =	swait.ge [sflag:s17], $0x4000  }
0x61: {  	s25 =	sshra.s32 s25, $0x2;
	[sflag:s17] =	ssyncset.done $0x0  }
0x62: {  	s26 =	sadd.s32 $0x1480, s25;
	[sflag:s17] =	ssyncadd.s32 $0xFFFFC000  }
0x63: {  	[tilespmem:s18], [sflag:$0x2] =	stream.indirect.gather [hbm4b:s4+s14], $0x80, s26, s14, $0xb8;
	[tilespmem:$0x1FC00] =	vst v63  }
0x64: {  	s26 =	sadd.s32 $0x2800, s25  }
0x65: {  	[spmem:s2] =	stream.indirect.scatter.add.f32 [tilespmem:s15], [sflag:$0x3], $0x80, s26, s14, $0xb8;
	[tilespmem:$0x1FC00] =	vst v63  }
0x66: {  	_ =	swait.ge [sflag:s13], $0x4000  }
0x67: {  	[sflag:s13] =	ssyncset.done $0x0  }
0x68: {  	[sflag:s13] =	ssyncadd.s32 $0xFFFFC000  }
0x69: {  	_ =	swait.ge [sflag:s19], $0x4000  }
0x6a: {  	[sflag:s19] =	ssyncset.done $0x0  }
0x6b: {  	s26 =	sadd.s32 $0x1500, s25;
	[sflag:s19] =	ssyncadd.s32 $0xFFFFC000  }
0x6c: {  	[tilespmem:s15], [sflag:$0x1] =	stream.indirect.gather [hbm4b:s4+s14], $0x80, s26, s14, $0xb8;
	[tilespmem:$0x1FC00] =	vst v63  }
.Ltmp1:
0x6d: {  	_ = 	snop;
	(pc) =	sbr.rel @p0 .LBB2_4-.Ltmp1, $4  }
0x6e: {  	s25 =	sadd.s32 $0x2880, s25  }
0x6f: {  	[spmem:s2] =	stream.indirect.scatter.add.f32 [tilespmem:s18], [sflag:$0x3], $0x80, s25, s14, $0xb8;
	[tilespmem:$0x1FC00] =	vst v63  }
0x70: {  	_ =	swait.ge [sflag:s13], $0x4000  }
0x71: {  	[sflag:s13] =	ssyncset.done $0x0  }
0x72: {  	[sflag:s13] =	ssyncadd.s32 $0xFFFFC000  }
0x73: {  	_ =	swait.ge [sflag:s17], $0x4000  }
0x74: {  	[sflag:s17] =	ssyncset.done $0x0  }
0x75: {  	[sflag:s17] =	ssyncadd.s32 $0xFFFFC000  }
0x76: {  	[tilespmem:s18], [sflag:$0x2] =	stream.indirect.gather [hbm4b:s4+s14], $0x80, s20, s14, $0xb8;
	[tilespmem:$0x1FC00] =	vst v63  }
0x77: {  	_ = 	snop  }
0x78: {  	[spmem:s2] =	stream.indirect.scatter.add.f32 [tilespmem:s15], [sflag:$0x3], $0x80, s21, s14, $0xb8;
	[tilespmem:$0x1FC00] =	vst v63  }
0x79: {  	_ =	swait.ge [sflag:s13], $0x4000  }
0x7a: {  	[sflag:s13] =	ssyncset.done $0x0  }
0x7b: {  	[sflag:s13] =	ssyncadd.s32 $0xFFFFC000  }
0x7c: {  	_ =	swait.ge [sflag:s19], $0x4000  }
0x7d: {  	[sflag:s19] =	ssyncset.done $0x0  }
0x7e: {  	[sflag:s19] =	ssyncadd.s32 $0xFFFFC000  }
0x7f: {  	[spmem:s2] =	stream.indirect.scatter.add.f32 [tilespmem:s18], [sflag:$0x3], $0x80, s22, s14, $0xb8;
	[tilespmem:$0x1FC00] =	vst v63  }
0x80: {  	_ =	swait.ge [sflag:s13], $0x4000  }
0x81: {  	s23 =	sadd.s32 $0x1, s23;
	[sflag:s13] =	ssyncset.done $0x0  }
0x82: {  	p0 =	sne.s32 s23, s11;
	[sflag:s13] =	ssyncadd.s32 $0xFFFFC000  }
.Ltmp2:
0x83: {  	[bflag:$0x0] =	sbarrier.arrive $0xFFFF;
	(pc) =	sbr.rel @p0 .LBB2_1-.Ltmp2, $4  }
0x84: {  	[hbm:s10], [sflag:s6] =	dma.local [spmem:s12], $0x2800  }
0x85: {  	_ =	swait.ge [sflag:s13], $0x2800  }
0x86: {  	[sflag:s13] =	ssyncset.done $0x0  }
0x87: {  	[sflag:s13] =	ssyncadd.s32 $0xFFFFD800  }
0x88: {  	_ =	sfence.sel $0x180000  }
0x89: {  	[bflag:$0x0] =	sbarrier.arrive $0xFFFF  }
0x8a: {  	p0 =	sne.s32 s1, $0x0;
	_ =	strace $0x9000004D  }
0x8b: {  	s0 =	sadd.s32 @!p0 $0x100000, s0;
	[bflag:$0x2] =	sbarrier.arrive $0xFFFF  }
0x8c: {  	[sflag:s0] =	ssyncadd.tile.s32 @!p0 $0x1;
	_ =	shalt  }
.Lfunc_end2:
_tile_overlayer_lowered:
.L_overlay_start_2:
0x8d: {  	(tag) =	ssettag $0x2  }
0x8e: {  	s0 =	rddreg [dreg:$0x0];
	s2 =	stileid.u32  }
0x8f: {  	s1 =	rddreg [dreg:$0x1];
	p0 =	sne.s32 s2, $0x0  }
0x90: {  	s3 =	rddreg [dreg:$0x2];
	[bflag:$0x3] =	sbarrier.arrive $0xFFFF;
	s2 =	simm.s32 @!p0 $0x1C03  }
0x91: {  	[timem:s3], [sflag:s2] =	dma.local @!p0 [hbm:s0], s1  }
0x92: {  	s0 =	simm.s32 @!p0 $0x3  }
0x93: {  	_ =	swait.ge @!p0 [sflag:s0], s1  }
0x94: {  	s1 =	ssub.s32 @!p0 $0x0, s1;
	[sflag:s0] =	ssyncset.done @!p0 $0x0  }
0x95: {  	[sflag:s0] =	ssyncadd.s32 @!p0 s1  }
0x96: {  	[bflag:$0x3] =	sbarrier.arrive $0xFFFF  }
0x97: {  	_ =	shalt  }

// kernel: kernel.8.cloned.1.call-start
scs
__scs_entry_jumppad:
0x0: {  	(pc) =	sbr.rel $0x88, $3  }
0x1: {  	(tag) =	ssettag $0x0;
	lr =	simm.s32 $0x1  }
0x2: {  	[smem:$0x3F94] =	sst lr;
	_ =	strace $0xD0000000  }
0x3: {  	_ = 	snop  }
0x4: {  	_ = 	snop  }
0x5: {  	_ = 	snop  }
0x6: {  	_ = 	snop  }
0x7: {  	_ = 	snop  }
__scs_overlays_trampoline_lowered:
0x8: {  	[smem:$0x3FA3] =	sst s0  }
0x9: {  	[smem:$0x3FA4] =	sst s1  }
0xa: {  	[smem:$0x3FA5] =	sst s2  }
0xb: {  	[smem:$0x3FA6] =	sst s3  }
0xc: {  	[smem:$0x3FA7] =	sst s4  }
0xd: {  	[smem:$0x3FA8] =	sst s5  }
0xe: {  	[smem:$0x3FA9] =	sst s6  }
0xf: {  	[smem:$0x3FAA] =	sst s7  }
0x10: {  	[smem:$0x3FAB] =	sst s8  }
0x11: {  	[smem:$0x3FAC] =	sst s9;
	s0 =	simm.s32 @!p0 $0x0  }
0x12: {  	s1 =	sld [smem:$0x3F92];
	s0 =	simm.s32 @p0 $0x1  }
0x13: {  	[smem:$0x3FAD] =	sst s0;
	s0 =	simm.s32 @!p1 $0x0  }
0x14: {  	s2 =	sld [smem:$0x3F91];
	s0 =	simm.s32 @p1 $0x1  }
0x15: {  	[smem:$0x3FAE] =	sst s0;
	s0 =	simm.s32 @!p2 $0x0  }
0x16: {  	s3 =	sld [smem:$0x3FDB];
	s0 =	simm.s32 @p2 $0x1  }
0x17: {  	s4 =	simm.s32 $0x1BF5;
	[smem:$0x3FB0] =	sst s0  }
0x18: {  	s0 =	sld [smem:$0x3F93];
	_ =	swait.ge [sflag:s4], $0x0  }
0x19: {  	s7 =	sld [smem:$0x3F94]  }
0x1a: {  	s8 =	sadd.s32 $0xFFFFE003, lr  }
0x1b: {  	s9 =	sadd.s32 $0xFFFFFEF7, lr;
	s5 =	simm.s32 $0xFFFFFFFF;
	p2 =	slt.u32 s8, $0xFFFFF086  }
0x1c: {  	p1 =	slt.u32 s9, $0xF7A;
	s5 =	simm.s32 @!p2 $0x0  }
0x1d: {  	s5 =	simm.s32 @p1 $0x1;
	p0 =	seq.s32 s7, s2  }
0x1e: {  	s7 =	smul.u32 @!p0 $0xF7A, s2;
	p2 =	seq.s32 @!p0 s5, $0x0  }
0x1f: {  	s9 =	smul.u32 $0xF7A, s1;
	s8 =	simm.s32 @!p0 $0x1BF5;
	p2 =	por !p2, p0  }
0x20: {  	[sflag:s8] =	ssyncset.s32 @!p0 $0xFFFFF086;
	s6 =	sadd.s32 @!p0 s3, s7;
	s7 =	simm.s32 @!p0 $0x108  }
0x21: {  	s3 =	sadd.s32 s3, s9;
	s6 =	sadd.s32 @!p0 $0x88, s6;
	s7 =	simm.s32 @p2 $0x1082  }
0x22: {  	[simem:s7], [sflag:s8] =	dma.local @!p0 [hbm:s6], $0xF7A  }
0x23: {  	s9 =	sor.u32 $0xD0000000, s2;
	s6 =	simm.s32 $0x108;
	_ =	swait.ge @!p0 [sflag:s8], $0x0  }
0x24: {  	s3 =	sadd.s32 $0x88, s3;
	s6 =	simm.s32 @!p1 $0x1082;
	[sflag:s4] =	ssyncset.s32 $0xFFFFF086  }
0x25: {  	[simem:s6], [sflag:s4] =	dma.local [hbm:s3], $0xF7A  }
0x26: {  	[smem:$0x3F94] =	sst s1;
	(tag) =	ssettag s2;
	_ =	strace s9  }
0x27: {  	s1 =	sld [smem:$0x3FA4]  }
0x28: {  	s2 =	sld [smem:$0x3FA5]  }
0x29: {  	s4 =	sld [smem:$0x3FA7]  }
0x2a: {  	p0 =	seq.s32 s5, $0x0;
	s5 =	sld [smem:$0x3FA8]  }
0x2b: {  	s6 =	sld [smem:$0x3FA9]  }
0x2c: {  	s7 =	sld [smem:$0x3FAA]  }
0x2d: {  	s3 =	simm.s32 $0x108;
	s8 =	sld [smem:$0x3FAB]  }
0x2e: {  	s3 =	simm.s32 @!p0 $0x1082;
	s9 =	sld [smem:$0x3FAC]  }
0x2f: {  	lr =	sadd.s32 s0, s3;
	s0 =	sld [smem:$0x3FA3]  }
0x30: {  	s3 =	sld [smem:$0x3FA6]  }
0x31: {  	[smem:$0x3FAF] =	sst s10  }
0x32: {  	s10 =	sld [smem:$0x3FAD];
	_ =	sdelay $0x3  }
0x33: {  	p0 =	seq.s32 s10, $0x1;
	s10 =	sld [smem:$0x3FAF];
	_ =	sdelay $0x3  }
0x34: {  	[smem:$0x3FAF] =	sst s10  }
0x35: {  	s10 =	sld [smem:$0x3FAE];
	_ =	sdelay $0x3  }
0x36: {  	p1 =	seq.s32 s10, $0x1;
	s10 =	sld [smem:$0x3FAF];
	_ =	sdelay $0x3  }
0x37: {  	[smem:$0x3FAF] =	sst s10  }
0x38: {  	s10 =	sld [smem:$0x3FB0]  }
0x39: {  	_ = 	snop;
	(pc) =	sbr.ind lr, $3  }
0x3a: {  	_ = 	snop  }
0x3b: {  	_ = 	snop  }
0x3c: {  	p2 =	seq.s32 s10, $0x1;
	s10 =	sld [smem:$0x3FAF]  }
0x3d: {  	_ =	shalt  }
0x3e: {  	_ =	shalt  }
0x3f: {  	_ =	shalt  }
0x40: {  	_ =	shalt  }
0x41: {  	_ =	shalt  }
0x42: {  	_ =	shalt  }
0x43: {  	_ =	shalt  }
0x44: {  	_ =	shalt  }
0x45: {  	_ =	shalt  }
0x46: {  	_ =	shalt  }
0x47: {  	_ =	shalt  }
0x48: {  	_ =	shalt  }
0x49: {  	_ =	shalt  }
0x4a: {  	_ =	shalt  }
0x4b: {  	_ =	shalt  }
0x4c: {  	_ =	shalt  }
0x4d: {  	_ =	shalt  }
0x4e: {  	_ =	shalt  }
0x4f: {  	_ =	shalt  }
0x50: {  	_ =	shalt  }
0x51: {  	_ =	shalt  }
0x52: {  	_ =	shalt  }
0x53: {  	_ =	shalt  }
0x54: {  	_ =	shalt  }
0x55: {  	_ =	shalt  }
0x56: {  	_ =	shalt  }
0x57: {  	_ =	shalt  }
0x58: {  	_ =	shalt  }
0x59: {  	_ =	shalt  }
0x5a: {  	_ =	shalt  }
0x5b: {  	_ =	shalt  }
0x5c: {  	_ =	shalt  }
0x5d: {  	_ =	shalt  }
0x5e: {  	_ =	shalt  }
0x5f: {  	_ =	shalt  }
0x60: {  	_ =	shalt  }
0x61: {  	_ =	shalt  }
0x62: {  	_ =	shalt  }
0x63: {  	_ =	shalt  }
0x64: {  	_ =	shalt  }
0x65: {  	_ =	shalt  }
0x66: {  	_ =	shalt  }
0x67: {  	_ =	shalt  }
0x68: {  	_ =	shalt  }
0x69: {  	_ =	shalt  }
0x6a: {  	_ =	shalt  }
0x6b: {  	_ =	shalt  }
0x6c: {  	_ =	shalt  }
0x6d: {  	_ =	shalt  }
0x6e: {  	_ =	shalt  }
0x6f: {  	_ =	shalt  }
0x70: {  	_ =	shalt  }
0x71: {  	_ =	shalt  }
0x72: {  	_ =	shalt  }
0x73: {  	_ =	shalt  }
0x74: {  	_ =	shalt  }
0x75: {  	_ =	shalt  }
0x76: {  	_ =	shalt  }
0x77: {  	_ =	shalt  }
0x78: {  	_ =	shalt  }
0x79: {  	_ =	shalt  }
0x7a: {  	_ =	shalt  }
0x7b: {  	_ =	shalt  }
0x7c: {  	_ =	shalt  }
0x7d: {  	_ =	shalt  }
0x7e: {  	_ =	shalt  }
0x7f: {  	_ =	shalt  }
0x80: {  	_ =	shalt  }
0x81: {  	_ =	shalt  }
0x82: {  	_ =	shalt  }
0x83: {  	_ =	shalt  }
0x84: {  	_ =	shalt  }
0x85: {  	_ =	shalt  }
0x86: {  	_ =	shalt  }
0x87: {  	_ =	shalt  }
.Lfunc_end0:
.L_simem_size_0:
called_computation_lowered:
.L_overlay_start_0:
0x88: {  	s2 =	sld [smem:$0x3FD9]  }
0x89: {  	s3 =	sld [smem:$0x3FFE];
	_ =	sdelay $0x1  }
0x8a: {  	s1 =	srdreg.scid  }
0x8b: {  	s0 =	sand.u32 $0x1, s1  }
0x8c: {  	s16 =	sshll.u32 s0, $0xA;
	s2 =	sadd.s32 s3, s2  }
0x8d: {  	s2 =	sadd.s32 s2, s16  }
0x8e: {  	[smem:$0x3FBB] =	sst s2  }
0x8f: {  	_ = 	snop  }
0x90: {  	(tm) =	ssettm $0x1  }
0x91: {  	s17 =	sld [smem:$0x3FFB];
	_ =	sdelay $0x3  }
0x92: {  	_ =	strace s17  }
0x93: {  	s2 =	sld [smem:$0x3FFC];
	_ =	sdelay $0x3  }
0x94: {  	_ =	strace s2  }
0x95: {  	s2 =	sld [smem:$0x3FFD];
	_ =	sdelay $0x3  }
0x96: {  	_ =	strace s2  }
0x97: {  	_ =	strace $0x8FFFFFFF  }
0x98: {  	s18 =	sld [smem:$0x3FDB];
	_ =	sdelay $0x1  }
0x99: {  	s19 =	simm.s32 $_scs_section_size  }
0x9a: {  	s4 =	simm.s32 $_size__tile_overlayer_lowered;
	s5 =	simm.s32 $_tile_overlayer_lowered  }
0x9b: {  	s22 =	simm.s32 $0x1BFF;
	s21 =	sshll.u32 s5, $0x1;
	s2 =	sadd.s32 s19, s18  }
0x9c: {  	s6 =	simm.s32 $0x0;
	s20 =	sshll.u32 s4, $0x1;
	s4 =	sadd.s32 s21, s2  }
0x9d: {  	[timem:s6], [sflag:s22] =	dma.local [hbm:s4], s20  }
0x9e: {  	_ =	swait.ge [sflag:s22], s20  }
0x9f: {  	s3 =	ssub.s32 $0x0, s20;
	[sflag:s22] =	ssyncset.done $0x0  }
0xa0: {  	[sflag:s22] =	ssyncadd.s32 s3;
	_ =	sdelay $0x1  }
0xa1: {  	s23 =	simm.s32 $0x1B8B  }
0xa2: {  	_ =	swait.ge [sflag:s23], $0x1  }
0xa3: {  	[sflag:s23] =	ssyncset.done $0x0  }
0xa4: {  	s25 =	simm.s32 $0x1B8E;
	s24 =	sld [smem:$0x3FFE];
	[sflag:s23] =	ssyncadd.s32 $0xFFFFFFFF  }
0xa5: {  	s26 =	simm.s32 $execute0_lowered;
	[smem:$0x3FD2] =	sst s25  }
0xa6: {  	s4 =	sshll.u32 s26, $0x1;
	_ =	strace $0x80000046;
	[dreg:$0x1] =	wrdreg $0xFFFFFFFF  }
0xa7: {  	s28 =	simm.s32 $_size_execute0_lowered;
	s2 =	sadd.s32 s2, s4;
	[dreg:$0x0] =	wrdreg $0x0  }
0xa8: {  	s4 =	sshll.u32 s28, $0x1;
	[dreg:$0x2] =	wrdreg s2  }
0xa9: {  	[dreg:$0x3] =	wrdreg s4  }
0xaa: {  	[dreg:$0x4] =	wrdreg $0xC0  }
0xab: {  	_ =	task [dreg:s6], $0x5FFFF  }
0xac: {  	[dreg:$0x1] =	wrdreg $0xFFFFFFFF  }
0xad: {  	[dreg:$0x0] =	wrdreg $0x60  }
0xae: {  	[dreg:$0x2] =	wrdreg s24  }
0xaf: {  	[dreg:$0x3] =	wrdreg $0x68000  }
0xb0: {  	[dreg:$0x4] =	wrdreg $0x9  }
0xb1: {  	_ =	task.clear_ibuf [dreg:s6], $0x5FFFF;
	_ =	strace $0x90000046  }
0xb2: {  	s29 =	simm.s32 $0x9;
	_ =	strace $0x80000048  }
0xb3: {  	_ =	swait.ge [sflag:s29], $0x1  }
0xb4: {  	[sflag:s29] =	ssyncadd.s32 $0xFFFFFFFF  }
0xb5: {  	_ =	strace $0x90000048  }
0xb6: {  	_ =	sfence  }
0xb7: {  	s30 =	sld [smem:$0x0];
	_ =	sdelay $0x2  }
0xb8: {  	s31 =	sshll.u32 s1, $0xD;
	s1 =	sshrl.u32 s1, $0x2  }
0xb9: {  	s3 =	sand.u32 $0x4000, s31;
	s1 =	sadd.s32 s1, s30  }
0xba: {  	s0 =	sor.u32 s3, s0;
	s1 =	sshll.u32 s1, $0x11  }
0xbb: {  	s0 =	sor.u32 s1, s0  }
0xbc: {  	s0 =	sadd.s32 $0x8F2B, s0  }
0xbd: {  	[sflag:s0] =	ssyncadd.remote.s32 $0x1  }
0xbe: {  	_ =	sfence.sel $0xFFFF  }
0xbf: {  	[dreg:$0x0] =	wrdreg $0xFFFFFFFF;
	(pc) =	sbr.abs _section_cstart, $3  }
0xc0: {  	[dreg:$0x1] =	wrdreg $0xFFFFFFFF  }
0xc1: {  	_ =	task.clear_ibuf [dreg:s6], $0x2FFFF;
	_ =	strace $0x9FFFFFFF  }
0xc2: {  	(tm) =	ssettm $0x7FFFFFFF  }
0xc3: {  	_ =	shalt  }
tec
execute0_lowered:
.L_overlay_start_1:
0x0: {  	(tag) =	ssettag $0x1  }
0x1: {  	s6 =	rddreg [dreg:$0x0]  }
0x2: {  	s0 =	srdreg.scid;
	s2 =	rddreg [dreg:$0x1];
	s3 =	simm.s32 $0x0  }
0x3: {  	s12 =	simm.s32 $0x2800;
	s13 =	simm.s32 $0x80;
	s14 =	simm.s32 $0x100  }
0x4: {  	s15 =	simm.s32 $0x180;
	s16 =	simm.s32 $0x200;
	s17 =	simm.s32 $0x280  }
0x5: {  	s18 =	simm.s32 $0x300;
	s5 =	sand.u32 $0x1, s0;
	s0 =	stileid.u32  }
0x6: {  	s19 =	simm.s32 $0x380;
	s20 =	simm.s32 $0x1;
	s7 =	smul.u32 $0x2800, s0  }
0x7: {  	s21 =	simm.s32 $0x0;
	[smem:$0x7FF] =	sst s3;
	s8 =	smul.u32 $0x28000, s5  }
0x8: {  	s1 =	sshll.u32 s5, $0x4;
	s5 =	ssub.s32 $0x2, s5;
	s10 =	smul.u32 $0x50000, s0  }
0x9: {  	s31 =	sshll.u32 s0, $0x6;
	s1 =	sor.u32 s0, s1;
	s29 =	sshrl.u32 s5, $0x1  }
0xa: {  	s4 =	smul.u32 $0x500, s1;
	s1 =	rddreg [dreg:$0x2];
	_ =	strace $0x80000047  }
0xb: {  	s8 =	sadd.s32 s7, s8;
	s7 =	sadd.s32 s7, s6;
	s30 =	sshrl.u32 s10, $0x2  }
0xc: {  	s11 =	ssub.s32 s5, s29;
	s8 =	sadd.s32 s8, s6;
	s10 =	sadd.s32 s30, s2  }
0xd: {  	s5 =	sadd.s32 $0x12000, s7;
	s9 =	sadd.s32 s4, s6;
	s4 =	sadd.s32 $0x3A000, s6  }
0xe: {  	s6 =	sor.u32 $0x1C02, s31;
	s8 =	sadd.s32 $0x3A800, s8;
	s10 =	sshrl.u32 s10, $0x3  }
0xf: {  	s7 =	sadd.s32 $0x8000, s9;
	s9 =	smax.u32 s11, $0x1;
	s11 =	simm.s32 $0x2  }
.LBB2_1:
0x10: {  	[spmem:s10], [sflag:s6] =	dma.local [hbm:s5], $0x2800  }
0x11: {  	_ =	swait.ge [sflag:s11], $0x2800  }
0x12: {  	[sflag:s11] =	ssyncset.done $0x0  }
0x13: {  	[sflag:s11] =	ssyncadd.s32 $0xFFFFD800  }
0x14: {  	[tilespmem:s12], [sflag:$0x2] =	stream.linear.gather [hbm4b:s4+s3], $0x4000, $0x38;
	[tilespmem:$0x1A800] =	vst v63  }
0x15: {  	_ =	swait.ge [sflag:s11], $0x4000  }
0x16: {  	[sflag:s11] =	ssyncset.done $0x0  }
0x17: {  	[sflag:s11] =	ssyncadd.s32 $0xFFFFC000  }
0x18: {  	[tilespmem:s3], [sflag:$0x2] =	stream.linear.gather [hbm4b:s7+s3], $0x2800, $0x38;
	[tilespmem:$0x1A800] =	vst v63  }
0x19: {  	_ =	swait.ge [sflag:s11], $0x2800  }
0x1a: {  	[sflag:s11] =	ssyncset.done $0x0  }
0x1b: {  	[sflag:s11] =	ssyncadd.s32 $0xFFFFD800  }
0x1c: {  	[bflag:$0x0] =	sbarrier.arrive $0xFFFF  }
0x1d: {  	[spmem:s2] =	stream.indirect.scatter.add.f32 [tilespmem:s12], [sflag:$0x1], $0x80, s3, s13, $0xb8;
	[tilespmem:$0x1A800] =	vst v63  }
0x1e: {  	_ = 	snop  }
0x1f: {  	[spmem:s2] =	stream.indirect.scatter.add.f32 [tilespmem:s12], [sflag:$0x1], $0x80, s13, s13, $0xb8;
	[tilespmem:$0x1A800] =	vst v63  }
0x20: {  	_ = 	snop  }
0x21: {  	[spmem:s2] =	stream.indirect.scatter.add.f32 [tilespmem:s12], [sflag:$0x1], $0x80, s14, s13, $0xb8;
	[tilespmem:$0x1A800] =	vst v63  }
0x22: {  	_ = 	snop  }
0x23: {  	[spmem:s2] =	stream.indirect.scatter.add.f32 [tilespmem:s12], [sflag:$0x1], $0x80, s15, s13, $0xb8;
	[tilespmem:$0x1A800] =	vst v63  }
0x24: {  	_ = 	snop  }
0x25: {  	[spmem:s2] =	stream.indirect.scatter.add.f32 [tilespmem:s12], [sflag:$0x1], $0x80, s16, s13, $0xb8;
	[tilespmem:$0x1A800] =	vst v63  }
0x26: {  	_ = 	snop  }
0x27: {  	[spmem:s2] =	stream.indirect.scatter.add.f32 [tilespmem:s12], [sflag:$0x1], $0x80, s17, s13, $0xb8;
	[tilespmem:$0x1A800] =	vst v63  }
0x28: {  	_ = 	snop  }
0x29: {  	[spmem:s2] =	stream.indirect.scatter.add.f32 [tilespmem:s12], [sflag:$0x1], $0x80, s18, s13, $0xb8;
	[tilespmem:$0x1A800] =	vst v63  }
0x2a: {  	_ = 	snop  }
0x2b: {  	[spmem:s2] =	stream.indirect.scatter.add.f32 [tilespmem:s12], [sflag:$0x1], $0x80, s19, s13, $0xb8;
	[tilespmem:$0x1A800] =	vst v63  }
0x2c: {  	_ =	swait.ge [sflag:s20], $0x4000  }
0x2d: {  	[sflag:s20] =	ssyncset.done $0x0  }
0x2e: {  	s22 =	simm.s32 $0x1200;
	s23 =	simm.s32 $0x400;
	[sflag:s20] =	ssyncadd.s32 $0xFFFFC000  }
.LBB2_2:
0x2f: {  	[spmem:s2] =	stream.indirect.scatter.add.f32 [tilespmem:s12], [sflag:$0x1], $0x80, s23, s13, $0xb8;
	[tilespmem:$0x1A800] =	vst v63  }
0x30: {  	s23 =	smov.u32 s22;
	p0 =	sne.s32 s22, $0x9E00  }
.Ltmp0:
0x31: {  	s22 =	sadd.s32 $0x200, s22;
	(pc) =	sbr.rel @p0 .LBB2_2-.Ltmp0, $4  }
0x32: {  	_ = 	snop  }
0x33: {  	_ =	swait.ge [sflag:s20], $0x4000  }
0x34: {  	[sflag:s20] =	ssyncset.done $0x0  }
0x35: {  	s23 =	sshra.s32 s23, $0x2;
	[sflag:s20] =	ssyncadd.s32 $0xFFFFC000  }
0x36: {  	[spmem:s2] =	stream.indirect.scatter.add.f32 [tilespmem:s12], [sflag:$0x1], $0x80, s23, s13, $0xb8;
	[tilespmem:$0x1A800] =	vst v63  }
0x37: {  	_ =	swait.ge [sflag:s20], $0x4000  }
0x38: {  	[sflag:s20] =	ssyncset.done $0x0  }
0x39: {  	[sflag:s20] =	ssyncadd.s32 $0xFFFFC000  }
0x3a: {  	_ =	swait.ge [sflag:s20], $0x4000  }
0x3b: {  	[sflag:s20] =	ssyncset.done $0x0  }
0x3c: {  	[sflag:s20] =	ssyncadd.s32 $0xFFFFC000  }
0x3d: {  	_ =	swait.ge [sflag:s20], $0x4000  }
0x3e: {  	[sflag:s20] =	ssyncset.done $0x0  }
0x3f: {  	[sflag:s20] =	ssyncadd.s32 $0xFFFFC000  }
0x40: {  	_ =	swait.ge [sflag:s20], $0x4000  }
0x41: {  	[sflag:s20] =	ssyncset.done $0x0  }
0x42: {  	[sflag:s20] =	ssyncadd.s32 $0xFFFFC000  }
0x43: {  	_ =	swait.ge [sflag:s20], $0x4000  }
0x44: {  	[sflag:s20] =	ssyncset.done $0x0  }
0x45: {  	[sflag:s20] =	ssyncadd.s32 $0xFFFFC000  }
0x46: {  	_ =	swait.ge [sflag:s20], $0x4000  }
0x47: {  	[sflag:s20] =	ssyncset.done $0x0  }
0x48: {  	[sflag:s20] =	ssyncadd.s32 $0xFFFFC000  }
0x49: {  	_ =	swait.ge [sflag:s20], $0x4000  }
0x4a: {  	[sflag:s20] =	ssyncset.done $0x0  }
0x4b: {  	[sflag:s20] =	ssyncadd.s32 $0xFFFFC000  }
0x4c: {  	_ =	swait.ge [sflag:s20], $0x4000  }
0x4d: {  	s21 =	sadd.s32 $0x1, s21;
	[sflag:s20] =	ssyncset.done $0x0  }
0x4e: {  	p0 =	sne.s32 s21, s9;
	[sflag:s20] =	ssyncadd.s32 $0xFFFFC000  }
.Ltmp1:
0x4f: {  	[bflag:$0x0] =	sbarrier.arrive $0xFFFF;
	(pc) =	sbr.rel @p0 .LBB2_1-.Ltmp1, $4  }
0x50: {  	[hbm:s8], [sflag:s6] =	dma.local [spmem:s10], $0x2800  }
0x51: {  	_ =	swait.ge [sflag:s11], $0x2800  }
0x52: {  	[sflag:s11] =	ssyncset.done $0x0  }
0x53: {  	[sflag:s11] =	ssyncadd.s32 $0xFFFFD800  }
0x54: {  	_ =	sfence.sel $0x180000  }
0x55: {  	[bflag:$0x0] =	sbarrier.arrive $0xFFFF  }
0x56: {  	p0 =	sne.s32 s0, $0x0;
	_ =	strace $0x90000047  }
0x57: {  	s0 =	sadd.s32 @!p0 $0x100000, s1;
	[bflag:$0x2] =	sbarrier.arrive $0xFFFF  }
0x58: {  	[sflag:s0] =	ssyncadd.tile.s32 @!p0 $0x1;
	_ =	shalt  }
.Lfunc_end2:
_tile_overlayer_lowered:
.L_overlay_start_2:
0x59: {  	(tag) =	ssettag $0x2  }
0x5a: {  	s0 =	rddreg [dreg:$0x0];
	s2 =	stileid.u32  }
0x5b: {  	s1 =	rddreg [dreg:$0x1];
	p0 =	sne.s32 s2, $0x0  }
0x5c: {  	s3 =	rddreg [dreg:$0x2];
	[bflag:$0x3] =	sbarrier.arrive $0xFFFF;
	s2 =	simm.s32 @!p0 $0x1C02  }
0x5d: {  	[timem:s3], [sflag:s2] =	dma.local @!p0 [hbm:s0], s1  }
0x5e: {  	s0 =	simm.s32 @!p0 $0x2  }
0x5f: {  	_ =	swait.ge @!p0 [sflag:s0], s1  }
0x60: {  	s1 =	ssub.s32 @!p0 $0x0, s1;
	[sflag:s0] =	ssyncset.done @!p0 $0x0  }
0x61: {  	[sflag:s0] =	ssyncadd.s32 @!p0 s1  }
0x62: {  	[bflag:$0x3] =	sbarrier.arrive $0xFFFF  }
0x63: {  	_ =	shalt  }

</sc_bundles>
